<compile_context>
chip_gen: v7x
topology: tpu7x:2x2x1
jax: 0.10.2.dev20260603
libtpu: 0.0.44.dev20260713+nightly
codegen_flags: <defaults>
</compile_context>

<pallas_src>
import functools
import math

import jax
import jax.numpy as jnp
from jax import lax
from jax.experimental import pallas as pl
from jax.experimental.pallas import tpu as pltpu
from jax.experimental.pallas import tpu_sc as plsc

B, T, D = 1, 2048, 768
H = 12
DH = D // H
E, K = 64, 2
HID = 1024
R, CH = 2, 4
CDH = D // CH
N = B * T
CAP = int(math.ceil(1.25 * N * K / E))
EPS = 1e-6
NBLK = 8
BLK = N // NBLK
BUF_ROWS = E * CAP
DUMP = BUF_ROWS
NW = 32
TPW = N // NW
CBLK = 256


def _rms(x, w):
    return x * w / jnp.sqrt(jnp.mean(x * x, axis=-1, keepdims=True) + EPS)


def _bf(v):
    return v.astype(jnp.bfloat16)


def _dot_t(a, b):
    return lax.dot_general(_bf(a), _bf(b), (((1,), (1,)), ((), ())),
                           preferred_element_type=jnp.float32)


def _dot_n(a, b):
    return lax.dot_general(_bf(a), _bf(b), (((1,), (0,)), ((), ())),
                           preferred_element_type=jnp.float32)


def _dot_t32(a, b):
    return lax.dot_general(a, b, (((1,), (1,)), ((), ())),
                           preferred_element_type=jnp.float32)


def _dot_n32(a, b):
    return lax.dot_general(a, b, (((1,), (0,)), ((), ())),
                           preferred_element_type=jnp.float32)


def _qkv_body(x_ref, w_ref, n1_ref, cos_ref, sin_ref, o_ref):
    h = _rms(x_ref[...], n1_ref[...])
    qkv = _dot_t32(h, w_ref[...])
    qk = qkv[:, : 2 * H * DH]
    lanes = qk.shape[1]
    ln = lax.broadcasted_iota(jnp.int32, (BLK, lanes), 1)
    even = (ln % 2) == 0
    rot = jnp.where(even, -jnp.roll(qk, -1, axis=1), jnp.roll(qk, 1, axis=1))
    cs = jnp.concatenate([cos_ref[...]] * (2 * H), axis=1)
    sn = jnp.concatenate([sin_ref[...]] * (2 * H), axis=1)
    o_ref[...] = jnp.concatenate([qk * cs + rot * sn, qkv[:, 2 * H * DH :]],
                                 axis=1)


def _qkv_call(x2d, wqkv, n1, cosf, sinf):
    return pl.pallas_call(
        _qkv_body,
        grid=(NBLK,),
        in_specs=[
            pl.BlockSpec((BLK, D), lambda i: (i, 0)),
            pl.BlockSpec(wqkv.shape, lambda i: (0, 0)),
            pl.BlockSpec((1, D), lambda i: (0, 0)),
            pl.BlockSpec((BLK, DH), lambda i: (i, 0)),
            pl.BlockSpec((BLK, DH), lambda i: (i, 0)),
        ],
        out_specs=pl.BlockSpec((BLK, 3 * D), lambda i: (i, 0)),
        out_shape=jax.ShapeDtypeStruct((N, 3 * D), jnp.float32),
    )(x2d, wqkv, n1, cosf, sinf)


def _attn_body(q_ref, k_ref, v_ref, o_ref, *, ibase, kcols):
    i = pl.program_id(1) + ibase
    row = lax.broadcasted_iota(jnp.int32, (BLK, kcols), 0) + i * BLK
    col = lax.broadcasted_iota(jnp.int32, (BLK, kcols), 1)
    causal = col <= row
    outs = []
    for sub in range(2):
        q = q_ref[:, sub * DH : (sub + 1) * DH] * (1.0 / math.sqrt(DH))
        k = k_ref[:, sub * DH : (sub + 1) * DH]
        v = v_ref[:, sub * DH : (sub + 1) * DH]
        p = jnp.exp(jnp.where(causal, _dot_t32(q, k), -1e30))
        l = jnp.sum(p, axis=-1, keepdims=True)
        outs.append(_dot_n32(p, v) / l)
    o_ref[...] = jnp.concatenate(outs, axis=1)


def _attn_part(qkv, ibase, nblk, kcols):
    return pl.pallas_call(
        functools.partial(_attn_body, ibase=ibase, kcols=kcols),
        grid=(H // 2, nblk),
        in_specs=[
            pl.BlockSpec((BLK, 2 * DH), lambda h, i: (i + ibase, h)),
            pl.BlockSpec((kcols, 2 * DH), lambda h, i: (0, H // 2 + h)),
            pl.BlockSpec((kcols, 2 * DH), lambda h, i: (0, H + h)),
        ],
        out_specs=pl.BlockSpec((BLK, 2 * DH), lambda h, i: (i, h)),
        out_shape=jax.ShapeDtypeStruct((nblk * BLK, D), jnp.float32),
    )(qkv, qkv, qkv)


def _attn_call(qkv):
    lo = _attn_part(qkv, 0, NBLK // 2, (NBLK // 2) * BLK)
    hi = _attn_part(qkv, NBLK // 2, NBLK // 2, N)
    return jnp.concatenate([lo, hi], axis=0)


def _post_attn_body(y_ref, x_ref, wo_ref, n2_ref, x1_ref, xn_ref):
    x1 = x_ref[...] + _dot_t32(y_ref[...], wo_ref[...])
    x1_ref[...] = x1
    xn_ref[...] = _rms(x1, n2_ref[...])


def _post_attn_call(y, x2d, wo, n2):
    return pl.pallas_call(
        _post_attn_body,
        grid=(NBLK,),
        in_specs=[
            pl.BlockSpec((BLK, D), lambda i: (i, 0)),
            pl.BlockSpec((BLK, D), lambda i: (i, 0)),
            pl.BlockSpec(wo.shape, lambda i: (0, 0)),
            pl.BlockSpec((1, D), lambda i: (0, 0)),
        ],
        out_specs=[
            pl.BlockSpec((BLK, D), lambda i: (i, 0)),
            pl.BlockSpec((BLK, D), lambda i: (i, 0)),
        ],
        out_shape=[
            jax.ShapeDtypeStruct((N, D), jnp.float32),
            jax.ShapeDtypeStruct((N, D), jnp.float32),
        ],
    )(y, x2d, wo, n2)


def _router_body(xn_ref, gw_ref, tp0_ref, tp1_ref, gm0_ref, gm1_ref,
                 sw0_ref, sw1_ref, sg0_ref, sg1_ref):
    logits = lax.dot_general(xn_ref[...], gw_ref[...], (((1,), (1,)), ((), ())),
                             preferred_element_type=jnp.float32)
    mx = jnp.max(logits, axis=-1, keepdims=True)
    ex = jnp.exp(logits - mx)
    probs = ex / jnp.sum(ex, axis=-1, keepdims=True)

    eid = lax.broadcasted_iota(jnp.int32, (N, E), 1)
    tp0 = jnp.max(probs, axis=-1, keepdims=True)
    ti0 = jnp.min(jnp.where(probs == tp0, eid, E), axis=-1, keepdims=True)
    oh0 = (eid == ti0)
    p2 = jnp.where(oh0, -1.0, probs)
    tp1 = jnp.max(p2, axis=-1, keepdims=True)
    ti1 = jnp.min(jnp.where(p2 == tp1, eid, E), axis=-1, keepdims=True)
    oh1 = (eid == ti1)
    den = tp0 + tp1
    tp0_ref[...] = tp0 / den
    tp1_ref[...] = tp1 / den

    cmb = jnp.where(oh0 | oh1, 1.0, 0.0)
    rr = lax.broadcasted_iota(jnp.int32, (BLK, BLK), 0)
    cc = lax.broadcasted_iota(jnp.int32, (BLK, BLK), 1)
    ltri = jnp.where(cc < rr, 1.0, 0.0)
    parts = []
    carry = jnp.zeros((1, E), jnp.float32)
    for b in range(NBLK):
        blk = cmb[b * BLK : (b + 1) * BLK]
        parts.append(_dot_n(ltri, blk) + carry)
        carry = carry + jnp.sum(blk, axis=0, keepdims=True)
    cum = jnp.concatenate(parts, axis=0)

    pos0 = jnp.sum(jnp.where(oh0, cum, 0.0), axis=-1, keepdims=True)
    pos1 = jnp.sum(jnp.where(oh1, cum, 0.0), axis=-1, keepdims=True)
    pos0 = pos0.astype(jnp.int32)
    pos1 = pos1.astype(jnp.int32)
    keep0 = pos0 < CAP
    keep1 = pos1 < CAP
    gm0_ref[...] = jnp.where(keep0, 1.0, 0.0)
    gm1_ref[...] = jnp.where(keep1, 1.0, 0.0)
    sw0_ref[...] = jnp.where(keep0, ti0 * CAP + pos0, DUMP)
    sw1_ref[...] = jnp.where(keep1, ti1 * CAP + pos1, DUMP)
    sg0_ref[...] = ti0 * CAP + jnp.where(keep0, pos0, 0)
    sg1_ref[...] = ti1 * CAP + jnp.where(keep1, pos1, 0)


def _router_call(xn2, gate_w):
    o32 = lambda s: jax.ShapeDtypeStruct(s, jnp.int32)
    of = lambda s: jax.ShapeDtypeStruct(s, jnp.float32)
    return pl.pallas_call(
        _router_body,
        out_shape=[of((N, 1)), of((N, 1)), of((N, 1)), of((N, 1)),
                   o32((N, 1)), o32((N, 1)), o32((N, 1)), o32((N, 1))],
    )(xn2, gate_w)


_SC_MESH = dict(core_axis_name="c", subcore_axis_name="s")


def _sc_wid():
    return lax.axis_index("s") * 2 + lax.axis_index("c")


def _sc_dispatch_body(xn_hbm, sw0_hbm, sw1_hbm, buf_hbm,
                      idx0_v, idx1_v, rows_v, sem):
    base = _sc_wid() * TPW
    pltpu.sync_copy(xn_hbm.at[pl.ds(base, TPW)], rows_v)
    pltpu.sync_copy(sw0_hbm.at[pl.ds(base, TPW)], idx0_v)
    pltpu.sync_copy(sw1_hbm.at[pl.ds(base, TPW)], idx1_v)
    pltpu.async_copy(rows_v, buf_hbm.at[idx0_v], sem).wait()
    pltpu.async_copy(rows_v, buf_hbm.at[idx1_v], sem).wait()


def _sc_dispatch_call(xn2, sw0, sw1):
    f = pl.kernel(
        _sc_dispatch_body,
        out_type=jax.ShapeDtypeStruct((BUF_ROWS + 8, D), jnp.float32),
        mesh=plsc.VectorSubcoreMesh(**_SC_MESH),
        scratch_types=[
            pltpu.VMEM((TPW,), jnp.int32),
            pltpu.VMEM((TPW,), jnp.int32),
            pltpu.VMEM((TPW, D), jnp.float32),
            pltpu.SemaphoreType.DMA,
        ],
    )
    return f(xn2, sw0, sw1)


def _sc_gather_body(ob_hbm, sg0_hbm, sg1_hbm, y0_hbm, y1_hbm,
                    idx_v, rows_v, sem):
    base = _sc_wid() * TPW
    pltpu.sync_copy(sg0_hbm.at[pl.ds(base, TPW)], idx_v)
    pltpu.async_copy(ob_hbm.at[idx_v], rows_v, sem).wait()
    pltpu.sync_copy(rows_v, y0_hbm.at[pl.ds(base, TPW)])
    pltpu.sync_copy(sg1_hbm.at[pl.ds(base, TPW)], idx_v)
    pltpu.async_copy(ob_hbm.at[idx_v], rows_v, sem).wait()
    pltpu.sync_copy(rows_v, y1_hbm.at[pl.ds(base, TPW)])


def _sc_gather_call(outbuf, sg0, sg1):
    f = pl.kernel(
        _sc_gather_body,
        out_type=(jax.ShapeDtypeStruct((N, D), jnp.float32),
                  jax.ShapeDtypeStruct((N, D), jnp.float32)),
        mesh=plsc.VectorSubcoreMesh(**_SC_MESH),
        scratch_types=[
            pltpu.VMEM((TPW,), jnp.int32),
            pltpu.VMEM((TPW, D), jnp.float32),
            pltpu.SemaphoreType.DMA,
        ],
    )
    return f(outbuf, sg0, sg1)


def _expert_body(xb_ref, w13_ref, w2_ref, o_ref):
    xb = xb_ref[...]
    gu = _dot_t(2.0 * xb, w13_ref[0])
    g = gu[:, :HID]
    u = gu[:, HID:]
    act = g * jax.nn.sigmoid(g) * u
    o_ref[...] = xb + _dot_t(act, w2_ref[0])


def _expert_call(buf, w13s, w2s):
    return pl.pallas_call(
        _expert_body,
        grid=(E,),
        in_specs=[
            pl.BlockSpec((CAP, D), lambda e: (e, 0)),
            pl.BlockSpec((1, 2 * HID, D), lambda e: (e, 0, 0)),
            pl.BlockSpec((1, D, HID), lambda e: (e, 0, 0)),
        ],
        out_specs=pl.BlockSpec((CAP, D), lambda e: (e, 0)),
        out_shape=jax.ShapeDtypeStruct((BUF_ROWS, D), jnp.float32),
    )(buf, w13s, w2s)


def _gelu_exact(v):
    return 0.5 * v * (1.0 + lax.erf(v * (1.0 / math.sqrt(2.0))))


def _collab_body(y0_ref, y1_ref, gm0_ref, gm1_ref, tp0_ref, tp1_ref, x1_ref,
                 med_ref, ipw_ref, ipb_ref, opw_ref, opb_ref, cn1_ref,
                 cn2_ref, cw1_ref, cw2_ref, fw_ref, fb_ref, wom_ref, o_ref):
    seq = jnp.concatenate([
        jnp.broadcast_to(med_ref[...], (CBLK, D)),
        y0_ref[...] * gm0_ref[...],
        y1_ref[...] * gm1_ref[...],
    ], axis=0)

    dsel = lax.broadcasted_iota(jnp.int32, (D, CH), 0) // CDH
    hsel = lax.broadcasted_iota(jnp.int32, (D, CH), 1)
    red = jnp.where(dsel == hsel, 1.0, 0.0)
    exp_sel = red.T

    cn1 = cn1_ref[...]
    cn2 = cn2_ref[...]
    ipw = ipw_ref[...]
    ipb = ipb_ref[...]
    opw = opw_ref[...]
    opb = opb_ref[...]
    cw1 = cw1_ref[...]
    cw2 = cw2_ref[...]

    for _ in range(R):
        stk = _rms(seq, cn1)
        qkv = _dot_t(stk, ipw) + ipb
        q = [qkv[i * CBLK : (i + 1) * CBLK, :D] for i in range(3)]
        k = [qkv[i * CBLK : (i + 1) * CBLK, D : 2 * D] for i in range(3)]
        v = [qkv[i * CBLK : (i + 1) * CBLK, 2 * D :] for i in range(3)]
        outs = []
        for i in range(3):
            sc = [_dot_n(q[i] * k[j], red) * (1.0 / math.sqrt(CDH))
                  for j in range(3)]
            mmax = jnp.maximum(jnp.maximum(sc[0], sc[1]), sc[2])
            es = [jnp.exp(s_ - mmax) for s_ in sc]
            den = es[0] + es[1] + es[2]
            acc = jnp.zeros((CBLK, D), jnp.float32)
            for j in range(3):
                a = _dot_n(es[j] / den, exp_sel)
                acc = acc + a * v[j]
            outs.append(acc)
        proj = _dot_t(jnp.concatenate(outs, axis=0), opw) + opb
        seq = seq + proj
        f1 = _gelu_exact(_dot_t(_rms(seq, cn2), cw1))
        seq = seq + _dot_t(f1, cw2)

    m = seq[:CBLK]
    s0 = seq[CBLK : 2 * CBLK]
    s1 = seq[2 * CBLK :]
    agg = tp0_ref[...] * s0 + tp1_ref[...] * s1
    gate = jax.nn.sigmoid(
        jnp.sum(m * fw_ref[...], axis=-1, keepdims=True) + fb_ref[...])
    fused = gate * m + (1.0 - gate) * agg
    o_ref[...] = x1_ref[...] + _dot_t(fused, wom_ref[...])


def _collab_call(y0, y1, gm0, gm1, tp0, tp1, x1, med, ipw, ipb, opw, opb,
                 cn1, cn2, cw1, cw2, fw, fb, wom):
    blk = lambda s: pl.BlockSpec(s, lambda i: (i, 0))
    full = lambda a: pl.BlockSpec(a.shape, lambda i: tuple(0 for _ in a.shape))
    return pl.pallas_call(
        _collab_body,
        grid=(N // CBLK,),
        in_specs=[
            blk((CBLK, D)), blk((CBLK, D)),
            blk((CBLK, 1)), blk((CBLK, 1)), blk((CBLK, 1)), blk((CBLK, 1)),
            blk((CBLK, D)),
            full(med), full(ipw), full(ipb), full(opw), full(opb),
            full(cn1), full(cn2), full(cw1), full(cw2), full(fw), full(fb),
            full(wom),
        ],
        out_specs=pl.BlockSpec((CBLK, D), lambda i: (i, 0)),
        out_shape=jax.ShapeDtypeStruct((N, D), jnp.float32),
    )(y0, y1, gm0, gm1, tp0, tp1, x1, med, ipw, ipb, opw, opb, cn1, cn2,
      cw1, cw2, fw, fb, wom)


def kernel(x, freqs_cis, norm1_w, norm2_w, wqkv, wo_attn, gate_w, w13s, w2s,
           mediator, in_proj_w, in_proj_b, out_proj_w, out_proj_b, collab_n1,
           collab_n2, collab_w1, collab_w2, fuse_w, fuse_b, wo_moe):
    x2d = x.reshape(N, D)
    cosf = jnp.repeat(freqs_cis[..., 0], 2, axis=1)
    sinf = jnp.repeat(freqs_cis[..., 1], 2, axis=1)

    qkv = _qkv_call(x2d, wqkv, norm1_w.reshape(1, D), cosf, sinf)
    y = _attn_call(qkv)
    x1, xn2 = _post_attn_call(y, x2d, wo_attn, norm2_w.reshape(1, D))

    tp0, tp1, gm0, gm1, sw0, sw1, sg0, sg1 = _router_call(xn2, gate_w)

    buf = _sc_dispatch_call(xn2, sw0.reshape(N), sw1.reshape(N))
    outbuf = _expert_call(buf, w13s, w2s)
    y0, y1 = _sc_gather_call(outbuf, sg0.reshape(N), sg1.reshape(N))

    out = _collab_call(
        y0, y1, gm0, gm1, tp0, tp1, x1,
        mediator.reshape(1, D),
        in_proj_w, in_proj_b.reshape(1, 3 * D),
        out_proj_w, out_proj_b.reshape(1, D),
        collab_n1.reshape(1, D), collab_n2.reshape(1, D),
        collab_w1, collab_w2,
        fuse_w.reshape(1, D), fuse_b.reshape(1, 1), wo_moe)
    return out.reshape(B, T, D)

# --- scband reference (transcript-rebuilt; emitter-appended) ---
"""Pipeline reference for scband-block-78615081386225 (READ-ONLY COPY).

The authoritative reference and input builder live on the scoring server;
editing this copy changes nothing except your own understanding.
"""

import math
import jax, jax.numpy as jnp
import numpy as np

B, T, D = 1, 2048, 768
H = 12; KVH = 12; DH = D // H
E, K = 64, 2
HID = 1024
R = 2; CH = 4
N = B * T
CAP = int(math.ceil(1.25 * N * K / E))
EPS = 1e-6

def rmsnorm(x, w):
    return x * w / jnp.sqrt(jnp.mean(x * x, axis=-1, keepdims=True) + EPS)

def rope(q, fc):
    b, h, t, d = q.shape
    q2 = q.astype(jnp.float32).reshape(b, h, t, d // 2, 2)
    qr, qi = q2[..., 0], q2[..., 1]
    fr = fc[..., 0][None, None]; fi = fc[..., 1][None, None]
    return jnp.stack([qr * fr - qi * fi, qr * fi + qi * fr], -1).reshape(b, h, t, d)

def attention(x, fc, wqkv, wo):
    b, t, c = x.shape
    qkv = x @ wqkv.T
    q, k, v = jnp.split(qkv, [H * DH, H * DH + KVH * DH], axis=-1)
    q = q.reshape(b, t, H, DH).transpose(0, 2, 1, 3)
    k = k.reshape(b, t, KVH, DH).transpose(0, 2, 1, 3)
    v = v.reshape(b, t, KVH, DH).transpose(0, 2, 1, 3)
    q = rope(q, fc); k = rope(k, fc)
    s = (q @ k.transpose(0, 1, 3, 2)) / math.sqrt(DH)
    mask = jnp.tril(jnp.ones((t, t), bool))
    s = jnp.where(mask[None, None], s, -1e30)
    y = (jax.nn.softmax(s, axis=-1) @ v).transpose(0, 2, 1, 3).reshape(b, t, c)
    return y @ wo.T

def expert_ffn(xb, w13, w2):
    # ReasoningFeedForward with n_reasoning_steps=1, alpha=1: h = x + ffn(x + x)
    z = 2.0 * xb
    g, u = jnp.split(z @ w13.T, 2, axis=-1)
    return xb + (jax.nn.silu(g) * u) @ w2.T

def mha(x, wi, bi, wo, bo):
    n, s, d = x.shape
    dh = d // CH
    qkv = x @ wi.T + bi
    q, k, v = jnp.split(qkv, 3, axis=-1)
    q = q.reshape(n, s, CH, dh).transpose(0, 2, 1, 3)
    k = k.reshape(n, s, CH, dh).transpose(0, 2, 1, 3)
    v = v.reshape(n, s, CH, dh).transpose(0, 2, 1, 3)
    a = jax.nn.softmax((q @ k.transpose(0, 1, 3, 2)) / math.sqrt(dh), axis=-1)
    y = (a @ v).transpose(0, 2, 1, 3).reshape(n, s, d)
    return y @ wo.T + bo

def moe(xf, gate_w, w13s, w2s, mediator, ipw, ipb, opw, opb, cn1, cn2, cw1, cw2, fuse_w, fuse_b, wo_moe):
    n, d = xf.shape
    probs = jax.nn.softmax((xf @ gate_w.T).astype(jnp.float32), axis=-1)
    tp, ti = jax.lax.top_k(probs, K)
    tp = tp / jnp.sum(tp, axis=-1, keepdims=True)
    fe = ti.reshape(-1); nk = n * K
    order = jnp.argsort(fe)
    counts = jnp.bincount(fe, length=E)
    starts = jnp.cumsum(counts) - counts
    pos_s = jnp.arange(nk) - starts[fe[order]]
    pos = jnp.zeros((nk,), pos_s.dtype).at[order].set(pos_s)
    keep = pos < CAP
    slot = fe * CAP + jnp.where(keep, pos, 0)
    tok = jnp.arange(nk) // K
    gm = jnp.where(keep, 1.0, 0.0).astype(xf.dtype)
    buf = jnp.zeros((E * CAP, d), xf.dtype).at[slot].add(gm[:, None] * xf[tok])
    out_buf = jax.vmap(expert_ffn)(buf.reshape(E, CAP, d), w13s, w2s).reshape(E * CAP, d)
    yk = (out_buf[slot] * gm[:, None]).reshape(n, K, d)
    seq = jnp.concatenate([jnp.broadcast_to(mediator.reshape(1, 1, d), (n, 1, d)), yk], axis=1)
    for _ in range(R):
        seq = seq + mha(rmsnorm(seq, cn1), ipw, ipb, opw, opb)
        h2 = rmsnorm(seq, cn2)
        seq = seq + jax.nn.gelu(h2 @ cw1.T, approximate=False) @ cw2.T
    m = seq[:, 0]; eo = seq[:, 1:]
    agg = jnp.sum(tp[..., None] * eo, axis=1)
    g = jax.nn.sigmoid(m @ fuse_w.T + fuse_b)
    return (g * m + (1.0 - g) * agg) @ wo_moe.T

def setup_inputs(seed: int = 0):
    key = jax.random.key(seed)
    ks = jax.random.split(key, 16)
    w = lambda i, shape: (jax.random.normal(ks[i], shape, jnp.float32) * 0.02)
    t = jnp.arange(T)
    inv = 1.0 / (10000.0 ** (jnp.arange(0, DH, 2).astype(jnp.float32) / DH))
    ang = jnp.outer(t, inv)
    return {
        "x": jax.random.normal(ks[0], (B, T, D), jnp.float32),
        "freqs_cis": jnp.stack([jnp.cos(ang), jnp.sin(ang)], axis=-1).astype(jnp.float32),
        "norm1_w": jnp.ones((D,), jnp.float32), "norm2_w": jnp.ones((D,), jnp.float32),
        "wqkv": w(1, (H * DH + 2 * KVH * DH, D)), "wo_attn": w(2, (D, H * DH)),
        "gate_w": w(3, (E, D)), "w13s": w(4, (E, 2 * HID, D)), "w2s": w(5, (E, D, HID)),
        "mediator": w(6, (1, 1, D)),
        "in_proj_w": w(7, (3 * D, D)), "in_proj_b": jnp.zeros((3 * D,), jnp.float32),
        "out_proj_w": w(8, (D, D)), "out_proj_b": jnp.zeros((D,), jnp.float32),
        "collab_n1": jnp.ones((D,), jnp.float32), "collab_n2": jnp.ones((D,), jnp.float32),
        "collab_w1": w(9, (D, D)), "collab_w2": w(10, (D, D)),
        "fuse_w": w(11, (1, D)), "fuse_b": jnp.zeros((1,), jnp.float32),
        "wo_moe": w(12, (D, D)),
    }

def reference(x, freqs_cis, norm1_w, norm2_w, wqkv, wo_attn, gate_w, w13s, w2s, mediator, in_proj_w, in_proj_b, out_proj_w, out_proj_b, collab_n1, collab_n2, collab_w1, collab_w2, fuse_w, fuse_b, wo_moe):
    h = attention(rmsnorm(x, norm1_w), freqs_cis, wqkv, wo_attn)
    x = x + h
    m = moe(rmsnorm(x, norm2_w).reshape(N, D), gate_w, w13s, w2s, mediator, in_proj_w, in_proj_b, out_proj_w, out_proj_b, collab_n1, collab_n2, collab_w1, collab_w2, fuse_w, fuse_b, wo_moe)
    return x + m.reshape(B, T, D)

if __name__ == "__main__":
    import jax
    _d = setup_inputs()
    print(jax.jit(kernel)(*tuple(_d.values())))

</pallas_src>

<mosaic_0001>
#map = affine_map<(d0, d1) -> (0, 0)>
#map1 = affine_map<(d0, d1) -> (0)>
module attributes {stable_mosaic.version = 14 : i64} {
  func.func @_sc_gather_body(%arg0: i32, %arg1: i32, %arg2: memref<5120x768xf32, #tpu.memory_space<hbm>>, %arg3: memref<2048xi32, #tpu.memory_space<hbm>>, %arg4: memref<2048xi32, #tpu.memory_space<hbm>>, %arg5: memref<2048x768xf32, #tpu.memory_space<hbm>>, %arg6: memref<2048x768xf32, #tpu.memory_space<hbm>>, %arg7: memref<64xi32, #tpu.memory_space<vmem>>, %arg8: memref<64x768xf32, #tpu.memory_space<vmem>>, %arg9: memref<!tpu.dma_semaphore, #tpu.memory_space<semaphore_mem>>) attributes {dimension_semantics = [#tpu.dimension_semantics<core_parallel>, #tpu.dimension_semantics<subcore_parallel>], iteration_bounds = array<i64: 2, 16>, scalar_prefetch = 0 : i64, scratch_operands = 3 : i64, tpu.core_type = #tpu.core_type<sc_vector_subcore>, window_params = [{transform_indices = #map}, {transform_indices = #map1}, {transform_indices = #map1}, {transform_indices = #map}, {transform_indices = #map}]} {
    %mul3A = arith.constant 2 : i32
    %mul3A_0 = arith.muli %arg1, %mul3A : i32
    %add3A = arith.addi %mul3A_0, %arg0 : i32
    %mul3A_1 = arith.constant 64 : i32
    %mul3A_2 = arith.muli %add3A, %mul3A_1 : i32
    "tpu.region"() ({
      %run_scoped3A = tpu.sem_alloc : memref<!tpu.dma_semaphore, #tpu.memory_space<semaphore_mem>>
      %dma_start3A_13 = tpu.memref_slice %arg3[%mul3A_2] : memref<2048xi32, #tpu.memory_space<hbm>> -> memref<64xi32, #tpu.memory_space<hbm>>
      %dma_start3A_14 = tpu.memref_slice %arg3[%mul3A_2] : memref<2048xi32, #tpu.memory_space<hbm>> -> memref<64xi32, #tpu.memory_space<hbm>>
      tpu.enqueue_dma source(%dma_start3A_14 : memref<64xi32, #tpu.memory_space<hbm>>) target(%arg7 : memref<64xi32, #tpu.memory_space<vmem>>) target_semaphore(%run_scoped3A : memref<!tpu.dma_semaphore, #tpu.memory_space<semaphore_mem>>)
      %dma_wait3A_15 = tpu.memref_slice %arg3[%mul3A_2] : memref<2048xi32, #tpu.memory_space<hbm>> -> memref<64xi32, #tpu.memory_space<hbm>>
      %dma_wait3A_16 = tpu.memref_slice %arg3[%mul3A_2] : memref<2048xi32, #tpu.memory_space<hbm>> -> memref<64xi32, #tpu.memory_space<hbm>>
      tpu.wait_dma2 semaphore(%run_scoped3A : memref<!tpu.dma_semaphore, #tpu.memory_space<semaphore_mem>>) src(%dma_wait3A_16 : memref<64xi32, #tpu.memory_space<hbm>>) dst(%arg7 : memref<64xi32, #tpu.memory_space<vmem>>)
      tpu.yield
    }) : () -> ()
    %dma_start3A = arith.constant 0 : i32
    %dma_start3A_3 = arith.constant 0 : i32
    %dma_start3A_4 = tpu.memref_slice %arg2[%dma_start3A, %dma_start3A_3] : memref<5120x768xf32, #tpu.memory_space<hbm>> -> memref<5120x768xf32, #tpu.memory_space<hbm>>
    tpu.enqueue_indirect_dma source(%dma_start3A_4 : memref<5120x768xf32, #tpu.memory_space<hbm>>) target(%arg8 : memref<64x768xf32, #tpu.memory_space<vmem>>) offsets(%arg7 : memref<64xi32, #tpu.memory_space<vmem>>) semaphore(%arg9 : memref<!tpu.dma_semaphore, #tpu.memory_space<semaphore_mem>>)
    %dma_wait3A = arith.constant 0 : i32
    %dma_wait3A_5 = arith.constant 0 : i32
    %dma_wait3A_6 = tpu.memref_slice %arg2[%dma_wait3A, %dma_wait3A_5] : memref<5120x768xf32, #tpu.memory_space<hbm>> -> memref<5120x768xf32, #tpu.memory_space<hbm>>
    tpu.wait_indirect_dma semaphore(%arg9 : memref<!tpu.dma_semaphore, #tpu.memory_space<semaphore_mem>>) src(%dma_wait3A_6 : memref<5120x768xf32, #tpu.memory_space<hbm>>) dst(%arg8 : memref<64x768xf32, #tpu.memory_space<vmem>>)
    "tpu.region"() ({
      %run_scoped3A = tpu.sem_alloc : memref<!tpu.dma_semaphore, #tpu.memory_space<semaphore_mem>>
      %dma_start3A_13 = arith.constant 0 : i32
      %dma_start3A_14 = tpu.memref_slice %arg5[%mul3A_2, %dma_start3A_13] : memref<2048x768xf32, #tpu.memory_space<hbm>> -> memref<64x768xf32, #tpu.memory_space<hbm>>
      %dma_start3A_15 = arith.constant 0 : i32
      %dma_start3A_16 = tpu.memref_slice %arg5[%mul3A_2, %dma_start3A_15] : memref<2048x768xf32, #tpu.memory_space<hbm>> -> memref<64x768xf32, #tpu.memory_space<hbm>>
      tpu.enqueue_dma source(%arg8 : memref<64x768xf32, #tpu.memory_space<vmem>>) target(%dma_start3A_16 : memref<64x768xf32, #tpu.memory_space<hbm>>) target_semaphore(%run_scoped3A : memref<!tpu.dma_semaphore, #tpu.memory_space<semaphore_mem>>)
      %dma_wait3A_17 = arith.constant 0 : i32
      %dma_wait3A_18 = tpu.memref_slice %arg5[%mul3A_2, %dma_wait3A_17] : memref<2048x768xf32, #tpu.memory_space<hbm>> -> memref<64x768xf32, #tpu.memory_space<hbm>>
      %dma_wait3A_19 = arith.constant 0 : i32
      %dma_wait3A_20 = tpu.memref_slice %arg5[%mul3A_2, %dma_wait3A_19] : memref<2048x768xf32, #tpu.memory_space<hbm>> -> memref<64x768xf32, #tpu.memory_space<hbm>>
      tpu.wait_dma2 semaphore(%run_scoped3A : memref<!tpu.dma_semaphore, #tpu.memory_space<semaphore_mem>>) src(%arg8 : memref<64x768xf32, #tpu.memory_space<vmem>>) dst(%dma_wait3A_20 : memref<64x768xf32, #tpu.memory_space<hbm>>)
      tpu.yield
    }) : () -> ()
    "tpu.region"() ({
      %run_scoped3A = tpu.sem_alloc : memref<!tpu.dma_semaphore, #tpu.memory_space<semaphore_mem>>
      %dma_start3A_13 = tpu.memref_slice %arg4[%mul3A_2] : memref<2048xi32, #tpu.memory_space<hbm>> -> memref<64xi32, #tpu.memory_space<hbm>>
      %dma_start3A_14 = tpu.memref_slice %arg4[%mul3A_2] : memref<2048xi32, #tpu.memory_space<hbm>> -> memref<64xi32, #tpu.memory_space<hbm>>
      tpu.enqueue_dma source(%dma_start3A_14 : memref<64xi32, #tpu.memory_space<hbm>>) target(%arg7 : memref<64xi32, #tpu.memory_space<vmem>>) target_semaphore(%run_scoped3A : memref<!tpu.dma_semaphore, #tpu.memory_space<semaphore_mem>>)
      %dma_wait3A_15 = tpu.memref_slice %arg4[%mul3A_2] : memref<2048xi32, #tpu.memory_space<hbm>> -> memref<64xi32, #tpu.memory_space<hbm>>
      %dma_wait3A_16 = tpu.memref_slice %arg4[%mul3A_2] : memref<2048xi32, #tpu.memory_space<hbm>> -> memref<64xi32, #tpu.memory_space<hbm>>
      tpu.wait_dma2 semaphore(%run_scoped3A : memref<!tpu.dma_semaphore, #tpu.memory_space<semaphore_mem>>) src(%dma_wait3A_16 : memref<64xi32, #tpu.memory_space<hbm>>) dst(%arg7 : memref<64xi32, #tpu.memory_space<vmem>>)
      tpu.yield
    }) : () -> ()
    %dma_start3A_7 = arith.constant 0 : i32
    %dma_start3A_8 = arith.constant 0 : i32
    %dma_start3A_9 = tpu.memref_slice %arg2[%dma_start3A_7, %dma_start3A_8] : memref<5120x768xf32, #tpu.memory_space<hbm>> -> memref<5120x768xf32, #tpu.memory_space<hbm>>
    tpu.enqueue_indirect_dma source(%dma_start3A_9 : memref<5120x768xf32, #tpu.memory_space<hbm>>) target(%arg8 : memref<64x768xf32, #tpu.memory_space<vmem>>) offsets(%arg7 : memref<64xi32, #tpu.memory_space<vmem>>) semaphore(%arg9 : memref<!tpu.dma_semaphore, #tpu.memory_space<semaphore_mem>>)
    %dma_wait3A_10 = arith.constant 0 : i32
    %dma_wait3A_11 = arith.constant 0 : i32
    %dma_wait3A_12 = tpu.memref_slice %arg2[%dma_wait3A_10, %dma_wait3A_11] : memref<5120x768xf32, #tpu.memory_space<hbm>> -> memref<5120x768xf32, #tpu.memory_space<hbm>>
    tpu.wait_indirect_dma semaphore(%arg9 : memref<!tpu.dma_semaphore, #tpu.memory_space<semaphore_mem>>) src(%dma_wait3A_12 : memref<5120x768xf32, #tpu.memory_space<hbm>>) dst(%arg8 : memref<64x768xf32, #tpu.memory_space<vmem>>)
    "tpu.region"() ({
      %run_scoped3A = tpu.sem_alloc : memref<!tpu.dma_semaphore, #tpu.memory_space<semaphore_mem>>
      %dma_start3A_13 = arith.constant 0 : i32
      %dma_start3A_14 = tpu.memref_slice %arg6[%mul3A_2, %dma_start3A_13] : memref<2048x768xf32, #tpu.memory_space<hbm>> -> memref<64x768xf32, #tpu.memory_space<hbm>>
      %dma_start3A_15 = arith.constant 0 : i32
      %dma_start3A_16 = tpu.memref_slice %arg6[%mul3A_2, %dma_start3A_15] : memref<2048x768xf32, #tpu.memory_space<hbm>> -> memref<64x768xf32, #tpu.memory_space<hbm>>
      tpu.enqueue_dma source(%arg8 : memref<64x768xf32, #tpu.memory_space<vmem>>) target(%dma_start3A_16 : memref<64x768xf32, #tpu.memory_space<hbm>>) target_semaphore(%run_scoped3A : memref<!tpu.dma_semaphore, #tpu.memory_space<semaphore_mem>>)
      %dma_wait3A_17 = arith.constant 0 : i32
      %dma_wait3A_18 = tpu.memref_slice %arg6[%mul3A_2, %dma_wait3A_17] : memref<2048x768xf32, #tpu.memory_space<hbm>> -> memref<64x768xf32, #tpu.memory_space<hbm>>
      %dma_wait3A_19 = arith.constant 0 : i32
      %dma_wait3A_20 = tpu.memref_slice %arg6[%mul3A_2, %dma_wait3A_19] : memref<2048x768xf32, #tpu.memory_space<hbm>> -> memref<64x768xf32, #tpu.memory_space<hbm>>
      tpu.wait_dma2 semaphore(%run_scoped3A : memref<!tpu.dma_semaphore, #tpu.memory_space<semaphore_mem>>) src(%arg8 : memref<64x768xf32, #tpu.memory_space<vmem>>) dst(%dma_wait3A_20 : memref<64x768xf32, #tpu.memory_space<hbm>>)
      tpu.yield
    }) : () -> ()
    return
  }
}

#map = affine_map<(d0, d1) -> (0, 0)>
#map1 = affine_map<(d0, d1) -> (0)>
module attributes {stable_mosaic.version = 14 : i64} {
  func.func @_sc_dispatch_body(%arg0: i32, %arg1: i32, %arg2: memref<2048x768xf32, #tpu.memory_space<hbm>>, %arg3: memref<2048xi32, #tpu.memory_space<hbm>>, %arg4: memref<2048xi32, #tpu.memory_space<hbm>>, %arg5: memref<5128x768xf32, #tpu.memory_space<hbm>>, %arg6: memref<64xi32, #tpu.memory_space<vmem>>, %arg7: memref<64xi32, #tpu.memory_space<vmem>>, %arg8: memref<64x768xf32, #tpu.memory_space<vmem>>, %arg9: memref<!tpu.dma_semaphore, #tpu.memory_space<semaphore_mem>>) attributes {dimension_semantics = [#tpu.dimension_semantics<core_parallel>, #tpu.dimension_semantics<subcore_parallel>], iteration_bounds = array<i64: 2, 16>, scalar_prefetch = 0 : i64, scratch_operands = 4 : i64, tpu.core_type = #tpu.core_type<sc_vector_subcore>, window_params = [{transform_indices = #map}, {transform_indices = #map1}, {transform_indices = #map1}, {transform_indices = #map}]} {
    %mul3A = arith.constant 2 : i32
    %mul3A_0 = arith.muli %arg1, %mul3A : i32
    %add3A = arith.addi %mul3A_0, %arg0 : i32
    %mul3A_1 = arith.constant 64 : i32
    %mul3A_2 = arith.muli %add3A, %mul3A_1 : i32
    "tpu.region"() ({
      %run_scoped3A = tpu.sem_alloc : memref<!tpu.dma_semaphore, #tpu.memory_space<semaphore_mem>>
      %dma_start3A_13 = arith.constant 0 : i32
      %dma_start3A_14 = tpu.memref_slice %arg2[%mul3A_2, %dma_start3A_13] : memref<2048x768xf32, #tpu.memory_space<hbm>> -> memref<64x768xf32, #tpu.memory_space<hbm>>
      %dma_start3A_15 = arith.constant 0 : i32
      %dma_start3A_16 = tpu.memref_slice %arg2[%mul3A_2, %dma_start3A_15] : memref<2048x768xf32, #tpu.memory_space<hbm>> -> memref<64x768xf32, #tpu.memory_space<hbm>>
      tpu.enqueue_dma source(%dma_start3A_16 : memref<64x768xf32, #tpu.memory_space<hbm>>) target(%arg8 : memref<64x768xf32, #tpu.memory_space<vmem>>) target_semaphore(%run_scoped3A : memref<!tpu.dma_semaphore, #tpu.memory_space<semaphore_mem>>)
      %dma_wait3A_17 = arith.constant 0 : i32
      %dma_wait3A_18 = tpu.memref_slice %arg2[%mul3A_2, %dma_wait3A_17] : memref<2048x768xf32, #tpu.memory_space<hbm>> -> memref<64x768xf32, #tpu.memory_space<hbm>>
      %dma_wait3A_19 = arith.constant 0 : i32
      %dma_wait3A_20 = tpu.memref_slice %arg2[%mul3A_2, %dma_wait3A_19] : memref<2048x768xf32, #tpu.memory_space<hbm>> -> memref<64x768xf32, #tpu.memory_space<hbm>>
      tpu.wait_dma2 semaphore(%run_scoped3A : memref<!tpu.dma_semaphore, #tpu.memory_space<semaphore_mem>>) src(%dma_wait3A_20 : memref<64x768xf32, #tpu.memory_space<hbm>>) dst(%arg8 : memref<64x768xf32, #tpu.memory_space<vmem>>)
      tpu.yield
    }) : () -> ()
    "tpu.region"() ({
      %run_scoped3A = tpu.sem_alloc : memref<!tpu.dma_semaphore, #tpu.memory_space<semaphore_mem>>
      %dma_start3A_13 = tpu.memref_slice %arg3[%mul3A_2] : memref<2048xi32, #tpu.memory_space<hbm>> -> memref<64xi32, #tpu.memory_space<hbm>>
      %dma_start3A_14 = tpu.memref_slice %arg3[%mul3A_2] : memref<2048xi32, #tpu.memory_space<hbm>> -> memref<64xi32, #tpu.memory_space<hbm>>
      tpu.enqueue_dma source(%dma_start3A_14 : memref<64xi32, #tpu.memory_space<hbm>>) target(%arg6 : memref<64xi32, #tpu.memory_space<vmem>>) target_semaphore(%run_scoped3A : memref<!tpu.dma_semaphore, #tpu.memory_space<semaphore_mem>>)
      %dma_wait3A_15 = tpu.memref_slice %arg3[%mul3A_2] : memref<2048xi32, #tpu.memory_space<hbm>> -> memref<64xi32, #tpu.memory_space<hbm>>
      %dma_wait3A_16 = tpu.memref_slice %arg3[%mul3A_2] : memref<2048xi32, #tpu.memory_space<hbm>> -> memref<64xi32, #tpu.memory_space<hbm>>
      tpu.wait_dma2 semaphore(%run_scoped3A : memref<!tpu.dma_semaphore, #tpu.memory_space<semaphore_mem>>) src(%dma_wait3A_16 : memref<64xi32, #tpu.memory_space<hbm>>) dst(%arg6 : memref<64xi32, #tpu.memory_space<vmem>>)
      tpu.yield
    }) : () -> ()
    "tpu.region"() ({
      %run_scoped3A = tpu.sem_alloc : memref<!tpu.dma_semaphore, #tpu.memory_space<semaphore_mem>>
      %dma_start3A_13 = tpu.memref_slice %arg4[%mul3A_2] : memref<2048xi32, #tpu.memory_space<hbm>> -> memref<64xi32, #tpu.memory_space<hbm>>
      %dma_start3A_14 = tpu.memref_slice %arg4[%mul3A_2] : memref<2048xi32, #tpu.memory_space<hbm>> -> memref<64xi32, #tpu.memory_space<hbm>>
      tpu.enqueue_dma source(%dma_start3A_14 : memref<64xi32, #tpu.memory_space<hbm>>) target(%arg7 : memref<64xi32, #tpu.memory_space<vmem>>) target_semaphore(%run_scoped3A : memref<!tpu.dma_semaphore, #tpu.memory_space<semaphore_mem>>)
      %dma_wait3A_15 = tpu.memref_slice %arg4[%mul3A_2] : memref<2048xi32, #tpu.memory_space<hbm>> -> memref<64xi32, #tpu.memory_space<hbm>>
      %dma_wait3A_16 = tpu.memref_slice %arg4[%mul3A_2] : memref<2048xi32, #tpu.memory_space<hbm>> -> memref<64xi32, #tpu.memory_space<hbm>>
      tpu.wait_dma2 semaphore(%run_scoped3A : memref<!tpu.dma_semaphore, #tpu.memory_space<semaphore_mem>>) src(%dma_wait3A_16 : memref<64xi32, #tpu.memory_space<hbm>>) dst(%arg7 : memref<64xi32, #tpu.memory_space<vmem>>)
      tpu.yield
    }) : () -> ()
    %dma_start3A = arith.constant 0 : i32
    %dma_start3A_3 = arith.constant 0 : i32
    %dma_start3A_4 = tpu.memref_slice %arg5[%dma_start3A, %dma_start3A_3] : memref<5128x768xf32, #tpu.memory_space<hbm>> -> memref<5128x768xf32, #tpu.memory_space<hbm>>
    tpu.enqueue_indirect_dma source(%arg8 : memref<64x768xf32, #tpu.memory_space<vmem>>) target(%dma_start3A_4 : memref<5128x768xf32, #tpu.memory_space<hbm>>) offsets(%arg6 : memref<64xi32, #tpu.memory_space<vmem>>) semaphore(%arg9 : memref<!tpu.dma_semaphore, #tpu.memory_space<semaphore_mem>>)
    %dma_wait3A = arith.constant 0 : i32
    %dma_wait3A_5 = arith.constant 0 : i32
    %dma_wait3A_6 = tpu.memref_slice %arg5[%dma_wait3A, %dma_wait3A_5] : memref<5128x768xf32, #tpu.memory_space<hbm>> -> memref<5128x768xf32, #tpu.memory_space<hbm>>
    tpu.wait_indirect_dma semaphore(%arg9 : memref<!tpu.dma_semaphore, #tpu.memory_space<semaphore_mem>>) src(%arg8 : memref<64x768xf32, #tpu.memory_space<vmem>>) dst(%dma_wait3A_6 : memref<5128x768xf32, #tpu.memory_space<hbm>>)
    %dma_start3A_7 = arith.constant 0 : i32
    %dma_start3A_8 = arith.constant 0 : i32
    %dma_start3A_9 = tpu.memref_slice %arg5[%dma_start3A_7, %dma_start3A_8] : memref<5128x768xf32, #tpu.memory_space<hbm>> -> memref<5128x768xf32, #tpu.memory_space<hbm>>
    tpu.enqueue_indirect_dma source(%arg8 : memref<64x768xf32, #tpu.memory_space<vmem>>) target(%dma_start3A_9 : memref<5128x768xf32, #tpu.memory_space<hbm>>) offsets(%arg7 : memref<64xi32, #tpu.memory_space<vmem>>) semaphore(%arg9 : memref<!tpu.dma_semaphore, #tpu.memory_space<semaphore_mem>>)
    %dma_wait3A_10 = arith.constant 0 : i32
    %dma_wait3A_11 = arith.constant 0 : i32
    %dma_wait3A_12 = tpu.memref_slice %arg5[%dma_wait3A_10, %dma_wait3A_11] : memref<5128x768xf32, #tpu.memory_space<hbm>> -> memref<5128x768xf32, #tpu.memory_space<hbm>>
    tpu.wait_indirect_dma semaphore(%arg9 : memref<!tpu.dma_semaphore, #tpu.memory_space<semaphore_mem>>) src(%arg8 : memref<64x768xf32, #tpu.memory_space<vmem>>) dst(%dma_wait3A_12 : memref<5128x768xf32, #tpu.memory_space<hbm>>)
    return
  }
}

module attributes {stable_mosaic.version = 14 : i64} {
  func.func @_qkv_body(%arg0: i32, %arg1: memref<256x768xf32, #tpu.memory_space<vmem>>, %arg2: memref<2304x768xf32, #tpu.memory_space<vmem>>, %arg3: memref<1x768xf32, #tpu.memory_space<vmem>>, %arg4: memref<256x64xf32, #tpu.memory_space<vmem>>, %arg5: memref<256x64xf32, #tpu.memory_space<vmem>>, %arg6: memref<256x2304xf32, #tpu.memory_space<vmem>>) attributes {dimension_semantics = [#tpu.dimension_semantics<arbitrary>], iteration_bounds = array<i64: 8>, scalar_prefetch = 0 : i64, scratch_operands = 0 : i64, tpu.core_type = #tpu.core_type<tc>, window_params = [{transform_indices = @transform_0, window_bounds = array<i64: 256, 768>}, {pipeline_mode = #tpu.pipeline_mode<synchronous>, transform_indices = @transform_1, window_bounds = array<i64: 2304, 768>}, {pipeline_mode = #tpu.pipeline_mode<synchronous>, transform_indices = @transform_2, window_bounds = array<i64: 1, 768>}, {transform_indices = @transform_3, window_bounds = array<i64: 256, 64>}, {transform_indices = @transform_4, window_bounds = array<i64: 256, 64>}, {transform_indices = @transform_5, window_bounds = array<i64: 256, 2304>}]} {
    %get3A = arith.constant 0 : index
    %get3A_0 = arith.constant 0 : index
    %get3A_1 = vector.load %arg1[%get3A, %get3A_0] : memref<256x768xf32, #tpu.memory_space<vmem>>, vector<256x768xf32>
    %get3A_2 = arith.constant 0 : index
    %get3A_3 = arith.constant 0 : index
    %get3A_4 = vector.load %arg3[%get3A_2, %get3A_3] : memref<1x768xf32, #tpu.memory_space<vmem>>, vector<1x768xf32>
    %mul3A = vector.broadcast %get3A_4 : vector<1x768xf32> to vector<256x768xf32>
    %mul3A_5 = arith.mulf %get3A_1, %mul3A : vector<256x768xf32>
    %mul3A_6 = arith.mulf %get3A_1, %get3A_1 : vector<256x768xf32>
    %reduce_sum3A = arith.constant dense<0.000000e+00> : vector<256xf32>
    %reduce_sum3A_7 = vector.multi_reduction <add>, %mul3A_6, %reduce_sum3A [1] : vector<256x768xf32> to vector<256xf32>
    %broadcast_in_dim3A = vector.shape_cast %reduce_sum3A_7 : vector<256xf32> to vector<256x1xf32>
    %div3A = arith.constant 7.680000e+02 : f32
    %div3A_8 = vector.broadcast %div3A : f32 to vector<256x1xf32>
    %div3A_9 = arith.divf %broadcast_in_dim3A, %div3A_8 : vector<256x1xf32>
    %add3A = arith.constant 9.99999997E-7 : f32
    %add3A_10 = vector.broadcast %add3A : f32 to vector<256x1xf32>
    %add3A_11 = arith.addf %div3A_9, %add3A_10 : vector<256x1xf32>
    %sqrt3A = math.sqrt %add3A_11 : vector<256x1xf32>
    %div3A_12 = vector.broadcast %sqrt3A : vector<256x1xf32> to vector<256x768xf32>
    %div3A_13 = arith.divf %mul3A_5, %div3A_12 : vector<256x768xf32>
    %get3A_14 = arith.constant 0 : index
    %get3A_15 = arith.constant 0 : index
    %get3A_16 = vector.load %arg2[%get3A_14, %get3A_15] : memref<2304x768xf32, #tpu.memory_space<vmem>>, vector<2304x768xf32>
    %dot_general3A = arith.constant dense<0.000000e+00> : vector<256x2304xf32>
    %dot_general3A_17 = tpu.matmul %div3A_13, %get3A_16, %dot_general3A {dimension_numbers = #tpu.dot_dimension_numbers<[1], [1], [0], [0], [0, 0, 1, 0], [], []>, transpose_lhs_hint = false} : vector<256x768xf32>, vector<2304x768xf32>, vector<256x2304xf32> -> vector<256x2304xf32>
    %slice3A = vector.extract_strided_slice %dot_general3A_17 {offsets = [0, 0], sizes = [256, 1536], strides = [1, 1]} : vector<256x2304xf32> to vector<256x1536xf32>
    %iota3A = tpu.iota {dimensions = array<i32: 1>} : vector<256x1536xi32>
    %jit3A = arith.constant 2 : i32
    %eq3A = arith.constant 0 : i32
    %eq3A_18 = arith.cmpi eq, %jit3A, %eq3A : i32
    %jit3A_19 = arith.constant 1 : i32
    %select_n3A = arith.select %eq3A_18, %jit3A_19, %jit3A : i32
    %rem3A = vector.broadcast %select_n3A : i32 to vector<256x1536xi32>
    %rem3A_20 = arith.remsi %iota3A, %rem3A : vector<256x1536xi32>
    %ne3A = arith.constant 0 : i32
    %ne3A_21 = vector.broadcast %ne3A : i32 to vector<256x1536xi32>
    %ne3A_22 = arith.cmpi ne, %rem3A_20, %ne3A_21 : vector<256x1536xi32>
    %lt3A = arith.constant 0 : i32
    %lt3A_23 = vector.broadcast %lt3A : i32 to vector<256x1536xi32>
    %lt3A_24 = arith.cmpi slt, %rem3A_20, %lt3A_23 : vector<256x1536xi32>
    %lt3A_25 = arith.constant 0 : i32
    %lt3A_26 = arith.cmpi slt, %select_n3A, %lt3A_25 : i32
    %ne3A_27 = vector.broadcast %lt3A_26 : i1 to vector<256x1536xi1>
    %ne3A_28 = vector.broadcast %ne3A_27 : vector<256x1536xi1> to vector<256x1536xi1>
    %ne3A_29 = arith.xori %lt3A_24, %ne3A_28 : vector<256x1536xi1>
    %and3A = arith.andi %ne3A_29, %ne3A_22 : vector<256x1536xi1>
    %add3A_30 = vector.broadcast %select_n3A : i32 to vector<256x1536xi32>
    %add3A_31 = arith.addi %rem3A_20, %add3A_30 : vector<256x1536xi32>
    %select_n3A_32 = arith.select %and3A, %add3A_31, %rem3A_20 : vector<256x1536xi1>, vector<256x1536xi32>
    %eq3A_33 = arith.constant 0 : i32
    %eq3A_34 = vector.broadcast %eq3A_33 : i32 to vector<256x1536xi32>
    %eq3A_35 = arith.cmpi eq, %select_n3A_32, %eq3A_34 : vector<256x1536xi32>
    %slice3A_36 = vector.extract_strided_slice %slice3A {offsets = [0, 1], sizes = [256, 1535], strides = [1, 1]} : vector<256x1536xf32> to vector<256x1535xf32>
    %slice3A_37 = vector.extract_strided_slice %slice3A {offsets = [0, 0], sizes = [256, 1], strides = [1, 1]} : vector<256x1536xf32> to vector<256x1xf32>
    %concatenate3A = tpu.concatenate %slice3A_36, %slice3A_37 in 1 : vector<256x1535xf32>, vector<256x1xf32> -> vector<256x1536xf32>
    %neg3A = arith.constant 0.000000e+00 : f32
    %neg3A_38 = vector.broadcast %neg3A : f32 to vector<256x1536xf32>
    %neg3A_39 = arith.subf %neg3A_38, %concatenate3A : vector<256x1536xf32>
    %slice3A_40 = vector.extract_strided_slice %slice3A {offsets = [0, 1535], sizes = [256, 1], strides = [1, 1]} : vector<256x1536xf32> to vector<256x1xf32>
    %slice3A_41 = vector.extract_strided_slice %slice3A {offsets = [0, 0], sizes = [256, 1535], strides = [1, 1]} : vector<256x1536xf32> to vector<256x1535xf32>
    %concatenate3A_42 = tpu.concatenate %slice3A_40, %slice3A_41 in 1 : vector<256x1xf32>, vector<256x1535xf32> -> vector<256x1536xf32>
    %select_n3A_43 = arith.select %eq3A_35, %neg3A_39, %concatenate3A_42 : vector<256x1536xi1>, vector<256x1536xf32>
    %get3A_44 = arith.constant 0 : index
    %get3A_45 = arith.constant 0 : index
    %get3A_46 = vector.load %arg4[%get3A_44, %get3A_45] : memref<256x64xf32, #tpu.memory_space<vmem>>, vector<256x64xf32>
    %concatenate3A_47 = tpu.concatenate %get3A_46, %get3A_46, %get3A_46, %get3A_46, %get3A_46, %get3A_46, %get3A_46, %get3A_46, %get3A_46, %get3A_46, %get3A_46, %get3A_46, %get3A_46, %get3A_46, %get3A_46, %get3A_46, %get3A_46, %get3A_46, %get3A_46, %get3A_46, %get3A_46, %get3A_46, %get3A_46, %get3A_46 in 1 : vector<256x64xf32>, vector<256x64xf32>, vector<256x64xf32>, vector<256x64xf32>, vector<256x64xf32>, vector<256x64xf32>, vector<256x64xf32>, vector<256x64xf32>, vector<256x64xf32>, vector<256x64xf32>, vector<256x64xf32>, vector<256x64xf32>, vector<256x64xf32>, vector<256x64xf32>, vector<256x64xf32>, vector<256x64xf32>, vector<256x64xf32>, vector<256x64xf32>, vector<256x64xf32>, vector<256x64xf32>, vector<256x64xf32>, vector<256x64xf32>, vector<256x64xf32>, vector<256x64xf32> -> vector<256x1536xf32>
    %get3A_48 = arith.constant 0 : index
    %get3A_49 = arith.constant 0 : index
    %get3A_50 = vector.load %arg5[%get3A_48, %get3A_49] : memref<256x64xf32, #tpu.memory_space<vmem>>, vector<256x64xf32>
    %concatenate3A_51 = tpu.concatenate %get3A_50, %get3A_50, %get3A_50, %get3A_50, %get3A_50, %get3A_50, %get3A_50, %get3A_50, %get3A_50, %get3A_50, %get3A_50, %get3A_50, %get3A_50, %get3A_50, %get3A_50, %get3A_50, %get3A_50, %get3A_50, %get3A_50, %get3A_50, %get3A_50, %get3A_50, %get3A_50, %get3A_50 in 1 : vector<256x64xf32>, vector<256x64xf32>, vector<256x64xf32>, vector<256x64xf32>, vector<256x64xf32>, vector<256x64xf32>, vector<256x64xf32>, vector<256x64xf32>, vector<256x64xf32>, vector<256x64xf32>, vector<256x64xf32>, vector<256x64xf32>, vector<256x64xf32>, vector<256x64xf32>, vector<256x64xf32>, vector<256x64xf32>, vector<256x64xf32>, vector<256x64xf32>, vector<256x64xf32>, vector<256x64xf32>, vector<256x64xf32>, vector<256x64xf32>, vector<256x64xf32>, vector<256x64xf32> -> vector<256x1536xf32>
    %mul3A_52 = arith.mulf %slice3A, %concatenate3A_47 : vector<256x1536xf32>
    %mul3A_53 = arith.mulf %select_n3A_43, %concatenate3A_51 : vector<256x1536xf32>
    %add3A_54 = arith.addf %mul3A_52, %mul3A_53 : vector<256x1536xf32>
    %slice3A_55 = vector.extract_strided_slice %dot_general3A_17 {offsets = [0, 1536], sizes = [256, 768], strides = [1, 1]} : vector<256x2304xf32> to vector<256x768xf32>
    %concatenate3A_56 = tpu.concatenate %add3A_54, %slice3A_55 in 1 : vector<256x1536xf32>, vector<256x768xf32> -> vector<256x2304xf32>
    %swap3A = arith.constant 0 : index
    %swap3A_57 = arith.constant 0 : index
    %swap3A_58 = vector.load %arg6[%swap3A, %swap3A_57] : memref<256x2304xf32, #tpu.memory_space<vmem>>, vector<256x2304xf32>
    tpu.vector_store %arg6[%swap3A, %swap3A_57], %concatenate3A_56 {strides = array<i32>} : memref<256x2304xf32, #tpu.memory_space<vmem>>, vector<256x2304xf32>,
    return
  }
  func.func @transform_0(%arg0: i32) -> (i32, i32) {
    %c0_i32 = arith.constant 0 : i32
    %c0_i32_0 = arith.constant 0 : i32
    return %arg0, %c0_i32 : i32, i32
  }
  func.func @transform_1(%arg0: i32) -> (i32, i32) {
    %c0_i32 = arith.constant 0 : i32
    %c0_i32_0 = arith.constant 0 : i32
    %c0_i32_1 = arith.constant 0 : i32
    return %c0_i32, %c0_i32_0 : i32, i32
  }
  func.func @transform_2(%arg0: i32) -> (i32, i32) {
    %c0_i32 = arith.constant 0 : i32
    %c0_i32_0 = arith.constant 0 : i32
    %c0_i32_1 = arith.constant 0 : i32
    return %c0_i32, %c0_i32_0 : i32, i32
  }
  func.func @transform_3(%arg0: i32) -> (i32, i32) {
    %c0_i32 = arith.constant 0 : i32
    %c0_i32_0 = arith.constant 0 : i32
    return %arg0, %c0_i32 : i32, i32
  }
  func.func @transform_4(%arg0: i32) -> (i32, i32) {
    %c0_i32 = arith.constant 0 : i32
    %c0_i32_0 = arith.constant 0 : i32
    return %arg0, %c0_i32 : i32, i32
  }
  func.func @transform_5(%arg0: i32) -> (i32, i32) {
    %c0_i32 = arith.constant 0 : i32
    %c0_i32_0 = arith.constant 0 : i32
    return %arg0, %c0_i32 : i32, i32
  }
}

module attributes {stable_mosaic.version = 14 : i64} {
  func.func @_attn_body(%arg0: i32, %arg1: i32, %arg2: memref<256x128xf32, #tpu.memory_space<vmem>>, %arg3: memref<2048x128xf32, #tpu.memory_space<vmem>>, %arg4: memref<2048x128xf32, #tpu.memory_space<vmem>>, %arg5: memref<256x128xf32, #tpu.memory_space<vmem>>) attributes {dimension_semantics = [#tpu.dimension_semantics<arbitrary>, #tpu.dimension_semantics<arbitrary>], iteration_bounds = array<i64: 6, 4>, scalar_prefetch = 0 : i64, scratch_operands = 0 : i64, tpu.core_type = #tpu.core_type<tc>, window_params = [{transform_indices = @transform_0, window_bounds = array<i64: 256, 128>}, {transform_indices = @transform_1, window_bounds = array<i64: 2048, 128>}, {transform_indices = @transform_2, window_bounds = array<i64: 2048, 128>}, {transform_indices = @transform_3, window_bounds = array<i64: 256, 128>}]} {
    %add3A = arith.constant 4 : i32
    %add3A_0 = arith.addi %arg1, %add3A : i32
    %iota3A = tpu.iota {dimensions = array<i32: 0>} : vector<256x2048xi32>
    %mul3A = arith.constant 256 : i32
    %mul3A_1 = arith.muli %add3A_0, %mul3A : i32
    %add3A_2 = vector.broadcast %mul3A_1 : i32 to vector<256x2048xi32>
    %add3A_3 = arith.addi %iota3A, %add3A_2 : vector<256x2048xi32>
    %iota3A_4 = tpu.iota {dimensions = array<i32: 1>} : vector<256x2048xi32>
    %le3A = arith.cmpi sle, %iota3A_4, %add3A_3 : vector<256x2048xi32>
    %get3A = arith.constant 0 : index
    %get3A_5 = arith.constant 0 : index
    %get3A_6 = vector.load %arg2[%get3A, %get3A_5] : memref<256x128xf32, #tpu.memory_space<vmem>>, vector<256x64xf32>
    %mul3A_7 = arith.constant 1.250000e-01 : f32
    %mul3A_8 = vector.broadcast %mul3A_7 : f32 to vector<256x64xf32>
    %mul3A_9 = arith.mulf %get3A_6, %mul3A_8 : vector<256x64xf32>
    %get3A_10 = arith.constant 0 : index
    %get3A_11 = arith.constant 0 : index
    %get3A_12 = vector.load %arg3[%get3A_10, %get3A_11] : memref<2048x128xf32, #tpu.memory_space<vmem>>, vector<2048x64xf32>
    %get3A_13 = arith.constant 0 : index
    %get3A_14 = arith.constant 0 : index
    %get3A_15 = vector.load %arg4[%get3A_13, %get3A_14] : memref<2048x128xf32, #tpu.memory_space<vmem>>, vector<2048x64xf32>
    %dot_general3A = arith.constant dense<0.000000e+00> : vector<256x2048xf32>
    %dot_general3A_16 = tpu.matmul %mul3A_9, %get3A_12, %dot_general3A {dimension_numbers = #tpu.dot_dimension_numbers<[1], [1], [0], [0], [0, 0, 1, 0], [], []>, transpose_lhs_hint = false} : vector<256x64xf32>, vector<2048x64xf32>, vector<256x2048xf32> -> vector<256x2048xf32>
    %jit3A = arith.constant -1.000000e+30 : f32
    %broadcast_in_dim3A = vector.broadcast %jit3A : f32 to vector<256x2048xf32>
    %select_n3A = arith.select %le3A, %dot_general3A_16, %broadcast_in_dim3A : vector<256x2048xi1>, vector<256x2048xf32>
    %exp3A = math.exp %select_n3A : vector<256x2048xf32>
    %reduce_sum3A = arith.constant dense<0.000000e+00> : vector<256xf32>
    %reduce_sum3A_17 = vector.multi_reduction <add>, %exp3A, %reduce_sum3A [1] : vector<256x2048xf32> to vector<256xf32>
    %broadcast_in_dim3A_18 = vector.shape_cast %reduce_sum3A_17 : vector<256xf32> to vector<256x1xf32>
    %dot_general3A_19 = arith.constant dense<0.000000e+00> : vector<256x64xf32>
    %dot_general3A_20 = tpu.matmul %exp3A, %get3A_15, %dot_general3A_19 {dimension_numbers = #tpu.dot_dimension_numbers<[1], [0], [0], [1], [0, 0, 1, 1], [], []>, transpose_lhs_hint = false} : vector<256x2048xf32>, vector<2048x64xf32>, vector<256x64xf32> -> vector<256x64xf32>
    %div3A = vector.broadcast %broadcast_in_dim3A_18 : vector<256x1xf32> to vector<256x64xf32>
    %div3A_21 = arith.divf %dot_general3A_20, %div3A : vector<256x64xf32>
    %get3A_22 = arith.constant 0 : index
    %get3A_23 = arith.constant 64 : index
    %get3A_24 = vector.load %arg2[%get3A_22, %get3A_23] : memref<256x128xf32, #tpu.memory_space<vmem>>, vector<256x64xf32>
    %mul3A_25 = arith.constant 1.250000e-01 : f32
    %mul3A_26 = vector.broadcast %mul3A_25 : f32 to vector<256x64xf32>
    %mul3A_27 = arith.mulf %get3A_24, %mul3A_26 : vector<256x64xf32>
    %get3A_28 = arith.constant 0 : index
    %get3A_29 = arith.constant 64 : index
    %get3A_30 = vector.load %arg3[%get3A_28, %get3A_29] : memref<2048x128xf32, #tpu.memory_space<vmem>>, vector<2048x64xf32>
    %get3A_31 = arith.constant 0 : index
    %get3A_32 = arith.constant 64 : index
    %get3A_33 = vector.load %arg4[%get3A_31, %get3A_32] : memref<2048x128xf32, #tpu.memory_space<vmem>>, vector<2048x64xf32>
    %dot_general3A_34 = arith.constant dense<0.000000e+00> : vector<256x2048xf32>
    %dot_general3A_35 = tpu.matmul %mul3A_27, %get3A_30, %dot_general3A_34 {dimension_numbers = #tpu.dot_dimension_numbers<[1], [1], [0], [0], [0, 0, 1, 0], [], []>, transpose_lhs_hint = false} : vector<256x64xf32>, vector<2048x64xf32>, vector<256x2048xf32> -> vector<256x2048xf32>
    %jit3A_36 = arith.constant -1.000000e+30 : f32
    %broadcast_in_dim3A_37 = vector.broadcast %jit3A_36 : f32 to vector<256x2048xf32>
    %select_n3A_38 = arith.select %le3A, %dot_general3A_35, %broadcast_in_dim3A_37 : vector<256x2048xi1>, vector<256x2048xf32>
    %exp3A_39 = math.exp %select_n3A_38 : vector<256x2048xf32>
    %reduce_sum3A_40 = arith.constant dense<0.000000e+00> : vector<256xf32>
    %reduce_sum3A_41 = vector.multi_reduction <add>, %exp3A_39, %reduce_sum3A_40 [1] : vector<256x2048xf32> to vector<256xf32>
    %broadcast_in_dim3A_42 = vector.shape_cast %reduce_sum3A_41 : vector<256xf32> to vector<256x1xf32>
    %dot_general3A_43 = arith.constant dense<0.000000e+00> : vector<256x64xf32>
    %dot_general3A_44 = tpu.matmul %exp3A_39, %get3A_33, %dot_general3A_43 {dimension_numbers = #tpu.dot_dimension_numbers<[1], [0], [0], [1], [0, 0, 1, 1], [], []>, transpose_lhs_hint = false} : vector<256x2048xf32>, vector<2048x64xf32>, vector<256x64xf32> -> vector<256x64xf32>
    %div3A_45 = vector.broadcast %broadcast_in_dim3A_42 : vector<256x1xf32> to vector<256x64xf32>
    %div3A_46 = arith.divf %dot_general3A_44, %div3A_45 : vector<256x64xf32>
    %concatenate3A = tpu.concatenate %div3A_21, %div3A_46 in 1 : vector<256x64xf32>, vector<256x64xf32> -> vector<256x128xf32>
    %swap3A = arith.constant 0 : index
    %swap3A_47 = arith.constant 0 : index
    %swap3A_48 = vector.load %arg5[%swap3A, %swap3A_47] : memref<256x128xf32, #tpu.memory_space<vmem>>, vector<256x128xf32>
    tpu.vector_store %arg5[%swap3A, %swap3A_47], %concatenate3A {strides = array<i32>} : memref<256x128xf32, #tpu.memory_space<vmem>>, vector<256x128xf32>,
    return
  }
  func.func @transform_0(%arg0: i32, %arg1: i32) -> (i32, i32) {
    %add3A = arith.constant 4 : i32
    %add3A_0 = arith.addi %arg1, %add3A : i32
    %c0_i32 = arith.constant 0 : i32
    return %add3A_0, %arg0 : i32, i32
  }
  func.func @transform_1(%arg0: i32, %arg1: i32) -> (i32, i32) {
    %add3A = arith.constant 6 : i32
    %add3A_0 = arith.addi %add3A, %arg0 : i32
    %c0_i32 = arith.constant 0 : i32
    %c0_i32_1 = arith.constant 0 : i32
    return %c0_i32, %add3A_0 : i32, i32
  }
  func.func @transform_2(%arg0: i32, %arg1: i32) -> (i32, i32) {
    %add3A = arith.constant 12 : i32
    %add3A_0 = arith.addi %add3A, %arg0 : i32
    %c0_i32 = arith.constant 0 : i32
    %c0_i32_1 = arith.constant 0 : i32
    return %c0_i32, %add3A_0 : i32, i32
  }
  func.func @transform_3(%arg0: i32, %arg1: i32) -> (i32, i32) {
    %c0_i32 = arith.constant 0 : i32
    return %arg1, %arg0 : i32, i32
  }
}

module attributes {stable_mosaic.version = 14 : i64} {
  func.func @_attn_body(%arg0: i32, %arg1: i32, %arg2: memref<256x128xf32, #tpu.memory_space<vmem>>, %arg3: memref<1024x128xf32, #tpu.memory_space<vmem>>, %arg4: memref<1024x128xf32, #tpu.memory_space<vmem>>, %arg5: memref<256x128xf32, #tpu.memory_space<vmem>>) attributes {dimension_semantics = [#tpu.dimension_semantics<arbitrary>, #tpu.dimension_semantics<arbitrary>], iteration_bounds = array<i64: 6, 4>, scalar_prefetch = 0 : i64, scratch_operands = 0 : i64, tpu.core_type = #tpu.core_type<tc>, window_params = [{transform_indices = @transform_0, window_bounds = array<i64: 256, 128>}, {transform_indices = @transform_1, window_bounds = array<i64: 1024, 128>}, {transform_indices = @transform_2, window_bounds = array<i64: 1024, 128>}, {transform_indices = @transform_3, window_bounds = array<i64: 256, 128>}]} {
    %add3A = arith.constant 0 : i32
    %add3A_0 = arith.addi %arg1, %add3A : i32
    %iota3A = tpu.iota {dimensions = array<i32: 0>} : vector<256x1024xi32>
    %mul3A = arith.constant 256 : i32
    %mul3A_1 = arith.muli %add3A_0, %mul3A : i32
    %add3A_2 = vector.broadcast %mul3A_1 : i32 to vector<256x1024xi32>
    %add3A_3 = arith.addi %iota3A, %add3A_2 : vector<256x1024xi32>
    %iota3A_4 = tpu.iota {dimensions = array<i32: 1>} : vector<256x1024xi32>
    %le3A = arith.cmpi sle, %iota3A_4, %add3A_3 : vector<256x1024xi32>
    %get3A = arith.constant 0 : index
    %get3A_5 = arith.constant 0 : index
    %get3A_6 = vector.load %arg2[%get3A, %get3A_5] : memref<256x128xf32, #tpu.memory_space<vmem>>, vector<256x64xf32>
    %mul3A_7 = arith.constant 1.250000e-01 : f32
    %mul3A_8 = vector.broadcast %mul3A_7 : f32 to vector<256x64xf32>
    %mul3A_9 = arith.mulf %get3A_6, %mul3A_8 : vector<256x64xf32>
    %get3A_10 = arith.constant 0 : index
    %get3A_11 = arith.constant 0 : index
    %get3A_12 = vector.load %arg3[%get3A_10, %get3A_11] : memref<1024x128xf32, #tpu.memory_space<vmem>>, vector<1024x64xf32>
    %get3A_13 = arith.constant 0 : index
    %get3A_14 = arith.constant 0 : index
    %get3A_15 = vector.load %arg4[%get3A_13, %get3A_14] : memref<1024x128xf32, #tpu.memory_space<vmem>>, vector<1024x64xf32>
    %dot_general3A = arith.constant dense<0.000000e+00> : vector<256x1024xf32>
    %dot_general3A_16 = tpu.matmul %mul3A_9, %get3A_12, %dot_general3A {dimension_numbers = #tpu.dot_dimension_numbers<[1], [1], [0], [0], [0, 0, 1, 0], [], []>, transpose_lhs_hint = false} : vector<256x64xf32>, vector<1024x64xf32>, vector<256x1024xf32> -> vector<256x1024xf32>
    %jit3A = arith.constant -1.000000e+30 : f32
    %broadcast_in_dim3A = vector.broadcast %jit3A : f32 to vector<256x1024xf32>
    %select_n3A = arith.select %le3A, %dot_general3A_16, %broadcast_in_dim3A : vector<256x1024xi1>, vector<256x1024xf32>
    %exp3A = math.exp %select_n3A : vector<256x1024xf32>
    %reduce_sum3A = arith.constant dense<0.000000e+00> : vector<256xf32>
    %reduce_sum3A_17 = vector.multi_reduction <add>, %exp3A, %reduce_sum3A [1] : vector<256x1024xf32> to vector<256xf32>
    %broadcast_in_dim3A_18 = vector.shape_cast %reduce_sum3A_17 : vector<256xf32> to vector<256x1xf32>
    %dot_general3A_19 = arith.constant dense<0.000000e+00> : vector<256x64xf32>
    %dot_general3A_20 = tpu.matmul %exp3A, %get3A_15, %dot_general3A_19 {dimension_numbers = #tpu.dot_dimension_numbers<[1], [0], [0], [1], [0, 0, 1, 1], [], []>, transpose_lhs_hint = false} : vector<256x1024xf32>, vector<1024x64xf32>, vector<256x64xf32> -> vector<256x64xf32>
    %div3A = vector.broadcast %broadcast_in_dim3A_18 : vector<256x1xf32> to vector<256x64xf32>
    %div3A_21 = arith.divf %dot_general3A_20, %div3A : vector<256x64xf32>
    %get3A_22 = arith.constant 0 : index
    %get3A_23 = arith.constant 64 : index
    %get3A_24 = vector.load %arg2[%get3A_22, %get3A_23] : memref<256x128xf32, #tpu.memory_space<vmem>>, vector<256x64xf32>
    %mul3A_25 = arith.constant 1.250000e-01 : f32
    %mul3A_26 = vector.broadcast %mul3A_25 : f32 to vector<256x64xf32>
    %mul3A_27 = arith.mulf %get3A_24, %mul3A_26 : vector<256x64xf32>
    %get3A_28 = arith.constant 0 : index
    %get3A_29 = arith.constant 64 : index
    %get3A_30 = vector.load %arg3[%get3A_28, %get3A_29] : memref<1024x128xf32, #tpu.memory_space<vmem>>, vector<1024x64xf32>
    %get3A_31 = arith.constant 0 : index
    %get3A_32 = arith.constant 64 : index
    %get3A_33 = vector.load %arg4[%get3A_31, %get3A_32] : memref<1024x128xf32, #tpu.memory_space<vmem>>, vector<1024x64xf32>
    %dot_general3A_34 = arith.constant dense<0.000000e+00> : vector<256x1024xf32>
    %dot_general3A_35 = tpu.matmul %mul3A_27, %get3A_30, %dot_general3A_34 {dimension_numbers = #tpu.dot_dimension_numbers<[1], [1], [0], [0], [0, 0, 1, 0], [], []>, transpose_lhs_hint = false} : vector<256x64xf32>, vector<1024x64xf32>, vector<256x1024xf32> -> vector<256x1024xf32>
    %jit3A_36 = arith.constant -1.000000e+30 : f32
    %broadcast_in_dim3A_37 = vector.broadcast %jit3A_36 : f32 to vector<256x1024xf32>
    %select_n3A_38 = arith.select %le3A, %dot_general3A_35, %broadcast_in_dim3A_37 : vector<256x1024xi1>, vector<256x1024xf32>
    %exp3A_39 = math.exp %select_n3A_38 : vector<256x1024xf32>
    %reduce_sum3A_40 = arith.constant dense<0.000000e+00> : vector<256xf32>
    %reduce_sum3A_41 = vector.multi_reduction <add>, %exp3A_39, %reduce_sum3A_40 [1] : vector<256x1024xf32> to vector<256xf32>
    %broadcast_in_dim3A_42 = vector.shape_cast %reduce_sum3A_41 : vector<256xf32> to vector<256x1xf32>
    %dot_general3A_43 = arith.constant dense<0.000000e+00> : vector<256x64xf32>
    %dot_general3A_44 = tpu.matmul %exp3A_39, %get3A_33, %dot_general3A_43 {dimension_numbers = #tpu.dot_dimension_numbers<[1], [0], [0], [1], [0, 0, 1, 1], [], []>, transpose_lhs_hint = false} : vector<256x1024xf32>, vector<1024x64xf32>, vector<256x64xf32> -> vector<256x64xf32>
    %div3A_45 = vector.broadcast %broadcast_in_dim3A_42 : vector<256x1xf32> to vector<256x64xf32>
    %div3A_46 = arith.divf %dot_general3A_44, %div3A_45 : vector<256x64xf32>
    %concatenate3A = tpu.concatenate %div3A_21, %div3A_46 in 1 : vector<256x64xf32>, vector<256x64xf32> -> vector<256x128xf32>
    %swap3A = arith.constant 0 : index
    %swap3A_47 = arith.constant 0 : index
    %swap3A_48 = vector.load %arg5[%swap3A, %swap3A_47] : memref<256x128xf32, #tpu.memory_space<vmem>>, vector<256x128xf32>
    tpu.vector_store %arg5[%swap3A, %swap3A_47], %concatenate3A {strides = array<i32>} : memref<256x128xf32, #tpu.memory_space<vmem>>, vector<256x128xf32>,
    return
  }
  func.func @transform_0(%arg0: i32, %arg1: i32) -> (i32, i32) {
    %add3A = arith.constant 0 : i32
    %add3A_0 = arith.addi %arg1, %add3A : i32
    %c0_i32 = arith.constant 0 : i32
    return %add3A_0, %arg0 : i32, i32
  }
  func.func @transform_1(%arg0: i32, %arg1: i32) -> (i32, i32) {
    %add3A = arith.constant 6 : i32
    %add3A_0 = arith.addi %add3A, %arg0 : i32
    %c0_i32 = arith.constant 0 : i32
    %c0_i32_1 = arith.constant 0 : i32
    return %c0_i32, %add3A_0 : i32, i32
  }
  func.func @transform_2(%arg0: i32, %arg1: i32) -> (i32, i32) {
    %add3A = arith.constant 12 : i32
    %add3A_0 = arith.addi %add3A, %arg0 : i32
    %c0_i32 = arith.constant 0 : i32
    %c0_i32_1 = arith.constant 0 : i32
    return %c0_i32, %add3A_0 : i32, i32
  }
  func.func @transform_3(%arg0: i32, %arg1: i32) -> (i32, i32) {
    %c0_i32 = arith.constant 0 : i32
    return %arg1, %arg0 : i32, i32
  }
}

module attributes {stable_mosaic.version = 14 : i64} {
  func.func @_post_attn_body(%arg0: i32, %arg1: memref<256x768xf32, #tpu.memory_space<vmem>>, %arg2: memref<256x768xf32, #tpu.memory_space<vmem>>, %arg3: memref<768x768xf32, #tpu.memory_space<vmem>>, %arg4: memref<1x768xf32, #tpu.memory_space<vmem>>, %arg5: memref<256x768xf32, #tpu.memory_space<vmem>>, %arg6: memref<256x768xf32, #tpu.memory_space<vmem>>) attributes {dimension_semantics = [#tpu.dimension_semantics<arbitrary>], iteration_bounds = array<i64: 8>, scalar_prefetch = 0 : i64, scratch_operands = 0 : i64, tpu.core_type = #tpu.core_type<tc>, window_params = [{transform_indices = @transform_0, window_bounds = array<i64: 256, 768>}, {transform_indices = @transform_1, window_bounds = array<i64: 256, 768>}, {pipeline_mode = #tpu.pipeline_mode<synchronous>, transform_indices = @transform_2, window_bounds = array<i64: 768, 768>}, {pipeline_mode = #tpu.pipeline_mode<synchronous>, transform_indices = @transform_3, window_bounds = array<i64: 1, 768>}, {transform_indices = @transform_4, window_bounds = array<i64: 256, 768>}, {transform_indices = @transform_5, window_bounds = array<i64: 256, 768>}]} {
    %get3A = arith.constant 0 : index
    %get3A_0 = arith.constant 0 : index
    %get3A_1 = vector.load %arg2[%get3A, %get3A_0] : memref<256x768xf32, #tpu.memory_space<vmem>>, vector<256x768xf32>
    %get3A_2 = arith.constant 0 : index
    %get3A_3 = arith.constant 0 : index
    %get3A_4 = vector.load %arg1[%get3A_2, %get3A_3] : memref<256x768xf32, #tpu.memory_space<vmem>>, vector<256x768xf32>
    %get3A_5 = arith.constant 0 : index
    %get3A_6 = arith.constant 0 : index
    %get3A_7 = vector.load %arg3[%get3A_5, %get3A_6] : memref<768x768xf32, #tpu.memory_space<vmem>>, vector<768x768xf32>
    %dot_general3A = arith.constant dense<0.000000e+00> : vector<256x768xf32>
    %dot_general3A_8 = tpu.matmul %get3A_4, %get3A_7, %dot_general3A {dimension_numbers = #tpu.dot_dimension_numbers<[1], [1], [0], [0], [0, 0, 1, 0], [], []>, transpose_lhs_hint = false} : vector<256x768xf32>, vector<768x768xf32>, vector<256x768xf32> -> vector<256x768xf32>
    %add3A = arith.addf %get3A_1, %dot_general3A_8 : vector<256x768xf32>
    %swap3A = arith.constant 0 : index
    %swap3A_9 = arith.constant 0 : index
    %swap3A_10 = vector.load %arg5[%swap3A, %swap3A_9] : memref<256x768xf32, #tpu.memory_space<vmem>>, vector<256x768xf32>
    tpu.vector_store %arg5[%swap3A, %swap3A_9], %add3A {strides = array<i32>} : memref<256x768xf32, #tpu.memory_space<vmem>>, vector<256x768xf32>,
    %get3A_11 = arith.constant 0 : index
    %get3A_12 = arith.constant 0 : index
    %get3A_13 = vector.load %arg4[%get3A_11, %get3A_12] : memref<1x768xf32, #tpu.memory_space<vmem>>, vector<1x768xf32>
    %mul3A = vector.broadcast %get3A_13 : vector<1x768xf32> to vector<256x768xf32>
    %mul3A_14 = arith.mulf %add3A, %mul3A : vector<256x768xf32>
    %mul3A_15 = arith.mulf %add3A, %add3A : vector<256x768xf32>
    %reduce_sum3A = arith.constant dense<0.000000e+00> : vector<256xf32>
    %reduce_sum3A_16 = vector.multi_reduction <add>, %mul3A_15, %reduce_sum3A [1] : vector<256x768xf32> to vector<256xf32>
    %broadcast_in_dim3A = vector.shape_cast %reduce_sum3A_16 : vector<256xf32> to vector<256x1xf32>
    %div3A = arith.constant 7.680000e+02 : f32
    %div3A_17 = vector.broadcast %div3A : f32 to vector<256x1xf32>
    %div3A_18 = arith.divf %broadcast_in_dim3A, %div3A_17 : vector<256x1xf32>
    %add3A_19 = arith.constant 9.99999997E-7 : f32
    %add3A_20 = vector.broadcast %add3A_19 : f32 to vector<256x1xf32>
    %add3A_21 = arith.addf %div3A_18, %add3A_20 : vector<256x1xf32>
    %sqrt3A = math.sqrt %add3A_21 : vector<256x1xf32>
    %div3A_22 = vector.broadcast %sqrt3A : vector<256x1xf32> to vector<256x768xf32>
    %div3A_23 = arith.divf %mul3A_14, %div3A_22 : vector<256x768xf32>
    %swap3A_24 = arith.constant 0 : index
    %swap3A_25 = arith.constant 0 : index
    %swap3A_26 = vector.load %arg6[%swap3A_24, %swap3A_25] : memref<256x768xf32, #tpu.memory_space<vmem>>, vector<256x768xf32>
    tpu.vector_store %arg6[%swap3A_24, %swap3A_25], %div3A_23 {strides = array<i32>} : memref<256x768xf32, #tpu.memory_space<vmem>>, vector<256x768xf32>,
    return
  }
  func.func @transform_0(%arg0: i32) -> (i32, i32) {
    %c0_i32 = arith.constant 0 : i32
    %c0_i32_0 = arith.constant 0 : i32
    return %arg0, %c0_i32 : i32, i32
  }
  func.func @transform_1(%arg0: i32) -> (i32, i32) {
    %c0_i32 = arith.constant 0 : i32
    %c0_i32_0 = arith.constant 0 : i32
    return %arg0, %c0_i32 : i32, i32
  }
  func.func @transform_2(%arg0: i32) -> (i32, i32) {
    %c0_i32 = arith.constant 0 : i32
    %c0_i32_0 = arith.constant 0 : i32
    %c0_i32_1 = arith.constant 0 : i32
    return %c0_i32, %c0_i32_0 : i32, i32
  }
  func.func @transform_3(%arg0: i32) -> (i32, i32) {
    %c0_i32 = arith.constant 0 : i32
    %c0_i32_0 = arith.constant 0 : i32
    %c0_i32_1 = arith.constant 0 : i32
    return %c0_i32, %c0_i32_0 : i32, i32
  }
  func.func @transform_4(%arg0: i32) -> (i32, i32) {
    %c0_i32 = arith.constant 0 : i32
    %c0_i32_0 = arith.constant 0 : i32
    return %arg0, %c0_i32 : i32, i32
  }
  func.func @transform_5(%arg0: i32) -> (i32, i32) {
    %c0_i32 = arith.constant 0 : i32
    %c0_i32_0 = arith.constant 0 : i32
    return %arg0, %c0_i32 : i32, i32
  }
}

module attributes {stable_mosaic.version = 14 : i64} {
  func.func @_router_body(%arg0: memref<2048x768xf32, #tpu.memory_space<vmem>>, %arg1: memref<64x768xf32, #tpu.memory_space<vmem>>, %arg2: memref<2048x1xf32, #tpu.memory_space<vmem>>, %arg3: memref<2048x1xf32, #tpu.memory_space<vmem>>, %arg4: memref<2048x1xf32, #tpu.memory_space<vmem>>, %arg5: memref<2048x1xf32, #tpu.memory_space<vmem>>, %arg6: memref<2048x1xi32, #tpu.memory_space<vmem>>, %arg7: memref<2048x1xi32, #tpu.memory_space<vmem>>, %arg8: memref<2048x1xi32, #tpu.memory_space<vmem>>, %arg9: memref<2048x1xi32, #tpu.memory_space<vmem>>) attributes {dimension_semantics = [], scalar_prefetch = 0 : i64, scratch_operands = 0 : i64, tpu.core_type = #tpu.core_type<tc>} {
    %get3A = arith.constant 0 : index
    %get3A_0 = arith.constant 0 : index
    %get3A_1 = vector.load %arg0[%get3A, %get3A_0] : memref<2048x768xf32, #tpu.memory_space<vmem>>, vector<2048x768xf32>
    %get3A_2 = arith.constant 0 : index
    %get3A_3 = arith.constant 0 : index
    %get3A_4 = vector.load %arg1[%get3A_2, %get3A_3] : memref<64x768xf32, #tpu.memory_space<vmem>>, vector<64x768xf32>
    %dot_general3A = arith.constant dense<0.000000e+00> : vector<2048x64xf32>
    %dot_general3A_5 = tpu.matmul %get3A_1, %get3A_4, %dot_general3A {dimension_numbers = #tpu.dot_dimension_numbers<[1], [1], [0], [0], [0, 0, 1, 0], [], []>, transpose_lhs_hint = false} : vector<2048x768xf32>, vector<64x768xf32>, vector<2048x64xf32> -> vector<2048x64xf32>
    %reduce_max3A = arith.constant dense<0xFF800000> : vector<2048xf32>
    %reduce_max3A_6 = vector.multi_reduction <maximumf>, %dot_general3A_5, %reduce_max3A [1] : vector<2048x64xf32> to vector<2048xf32>
    %broadcast_in_dim3A = vector.shape_cast %reduce_max3A_6 : vector<2048xf32> to vector<2048x1xf32>
    %sub3A = vector.broadcast %broadcast_in_dim3A : vector<2048x1xf32> to vector<2048x64xf32>
    %sub3A_7 = arith.subf %dot_general3A_5, %sub3A : vector<2048x64xf32>
    %exp3A = math.exp %sub3A_7 : vector<2048x64xf32>
    %reduce_sum3A = arith.constant dense<0.000000e+00> : vector<2048xf32>
    %reduce_sum3A_8 = vector.multi_reduction <add>, %exp3A, %reduce_sum3A [1] : vector<2048x64xf32> to vector<2048xf32>
    %broadcast_in_dim3A_9 = vector.shape_cast %reduce_sum3A_8 : vector<2048xf32> to vector<2048x1xf32>
    %div3A = vector.broadcast %broadcast_in_dim3A_9 : vector<2048x1xf32> to vector<2048x64xf32>
    %div3A_10 = arith.divf %exp3A, %div3A : vector<2048x64xf32>
    %iota3A = tpu.iota {dimensions = array<i32: 1>} : vector<2048x64xi32>
    %reduce_max3A_11 = arith.constant dense<0xFF800000> : vector<2048xf32>
    %reduce_max3A_12 = vector.multi_reduction <maximumf>, %div3A_10, %reduce_max3A_11 [1] : vector<2048x64xf32> to vector<2048xf32>
    %broadcast_in_dim3A_13 = vector.shape_cast %reduce_max3A_12 : vector<2048xf32> to vector<2048x1xf32>
    %eq3A = vector.broadcast %broadcast_in_dim3A_13 : vector<2048x1xf32> to vector<2048x64xf32>
    %eq3A_14 = arith.cmpf oeq, %div3A_10, %eq3A : vector<2048x64xf32>
    %jit3A = arith.constant 64 : i32
    %broadcast_in_dim3A_15 = vector.broadcast %jit3A : i32 to vector<2048x64xi32>
    %select_n3A = arith.select %eq3A_14, %iota3A, %broadcast_in_dim3A_15 : vector<2048x64xi1>, vector<2048x64xi32>
    %reduce_min3A = arith.constant dense<2147483647> : vector<2048xi32>
    %reduce_min3A_16 = vector.multi_reduction <minsi>, %select_n3A, %reduce_min3A [1] : vector<2048x64xi32> to vector<2048xi32>
    %broadcast_in_dim3A_17 = vector.shape_cast %reduce_min3A_16 : vector<2048xi32> to vector<2048x1xi32>
    %eq3A_18 = vector.broadcast %broadcast_in_dim3A_17 : vector<2048x1xi32> to vector<2048x64xi32>
    %eq3A_19 = arith.cmpi eq, %iota3A, %eq3A_18 : vector<2048x64xi32>
    %jit3A_20 = arith.constant -1.000000e+00 : f32
    %broadcast_in_dim3A_21 = vector.broadcast %jit3A_20 : f32 to vector<2048x64xf32>
    %select_n3A_22 = arith.select %eq3A_19, %broadcast_in_dim3A_21, %div3A_10 : vector<2048x64xi1>, vector<2048x64xf32>
    %reduce_max3A_23 = arith.constant dense<0xFF800000> : vector<2048xf32>
    %reduce_max3A_24 = vector.multi_reduction <maximumf>, %select_n3A_22, %reduce_max3A_23 [1] : vector<2048x64xf32> to vector<2048xf32>
    %broadcast_in_dim3A_25 = vector.shape_cast %reduce_max3A_24 : vector<2048xf32> to vector<2048x1xf32>
    %eq3A_26 = vector.broadcast %broadcast_in_dim3A_25 : vector<2048x1xf32> to vector<2048x64xf32>
    %eq3A_27 = arith.cmpf oeq, %select_n3A_22, %eq3A_26 : vector<2048x64xf32>
    %jit3A_28 = arith.constant 64 : i32
    %broadcast_in_dim3A_29 = vector.broadcast %jit3A_28 : i32 to vector<2048x64xi32>
    %select_n3A_30 = arith.select %eq3A_27, %iota3A, %broadcast_in_dim3A_29 : vector<2048x64xi1>, vector<2048x64xi32>
    %reduce_min3A_31 = arith.constant dense<2147483647> : vector<2048xi32>
    %reduce_min3A_32 = vector.multi_reduction <minsi>, %select_n3A_30, %reduce_min3A_31 [1] : vector<2048x64xi32> to vector<2048xi32>
    %broadcast_in_dim3A_33 = vector.shape_cast %reduce_min3A_32 : vector<2048xi32> to vector<2048x1xi32>
    %eq3A_34 = vector.broadcast %broadcast_in_dim3A_33 : vector<2048x1xi32> to vector<2048x64xi32>
    %eq3A_35 = arith.cmpi eq, %iota3A, %eq3A_34 : vector<2048x64xi32>
    %add3A = arith.addf %broadcast_in_dim3A_13, %broadcast_in_dim3A_25 : vector<2048x1xf32>
    %div3A_36 = arith.divf %broadcast_in_dim3A_13, %add3A : vector<2048x1xf32>
    %swap3A = arith.constant 0 : index
    %swap3A_37 = arith.constant 0 : index
    %swap3A_38 = vector.load %arg2[%swap3A, %swap3A_37] : memref<2048x1xf32, #tpu.memory_space<vmem>>, vector<2048x1xf32>
    tpu.vector_store %arg2[%swap3A, %swap3A_37], %div3A_36 {strides = array<i32>} : memref<2048x1xf32, #tpu.memory_space<vmem>>, vector<2048x1xf32>,
    %div3A_39 = arith.divf %broadcast_in_dim3A_25, %add3A : vector<2048x1xf32>
    %swap3A_40 = arith.constant 0 : index
    %swap3A_41 = arith.constant 0 : index
    %swap3A_42 = vector.load %arg3[%swap3A_40, %swap3A_41] : memref<2048x1xf32, #tpu.memory_space<vmem>>, vector<2048x1xf32>
    tpu.vector_store %arg3[%swap3A_40, %swap3A_41], %div3A_39 {strides = array<i32>} : memref<2048x1xf32, #tpu.memory_space<vmem>>, vector<2048x1xf32>,
    %or3A = arith.ori %eq3A_19, %eq3A_35 : vector<2048x64xi1>
    %jit3A_43 = arith.constant 1.000000e+00 : f32
    %jit3A_44 = arith.constant 0.000000e+00 : f32
    %broadcast_in_dim3A_45 = vector.broadcast %jit3A_43 : f32 to vector<2048x64xf32>
    %broadcast_in_dim3A_46 = vector.broadcast %jit3A_44 : f32 to vector<2048x64xf32>
    %select_n3A_47 = arith.select %or3A, %broadcast_in_dim3A_45, %broadcast_in_dim3A_46 : vector<2048x64xi1>, vector<2048x64xf32>
    %iota3A_48 = tpu.iota {dimensions = array<i32: 0>} : vector<256x256xi32>
    %iota3A_49 = tpu.iota {dimensions = array<i32: 1>} : vector<256x256xi32>
    %lt3A = arith.cmpi slt, %iota3A_49, %iota3A_48 : vector<256x256xi32>
    %jit3A_50 = arith.constant 1.000000e+00 : f32
    %jit3A_51 = arith.constant 0.000000e+00 : f32
    %broadcast_in_dim3A_52 = vector.broadcast %jit3A_50 : f32 to vector<256x256xf32>
    %broadcast_in_dim3A_53 = vector.broadcast %jit3A_51 : f32 to vector<256x256xf32>
    %select_n3A_54 = arith.select %lt3A, %broadcast_in_dim3A_52, %broadcast_in_dim3A_53 : vector<256x256xi1>, vector<256x256xf32>
    %broadcast_in_dim3A_55 = arith.constant 0.000000e+00 : f32
    %broadcast_in_dim3A_56 = vector.broadcast %broadcast_in_dim3A_55 : f32 to vector<1x64xf32>
    %slice3A = vector.extract_strided_slice %select_n3A_47 {offsets = [0, 0], sizes = [256, 64], strides = [1, 1]} : vector<2048x64xf32> to vector<256x64xf32>
    %convert_element_type3A = arith.truncf %select_n3A_54 : vector<256x256xf32> to vector<256x256xbf16>
    %convert_element_type3A_57 = arith.truncf %slice3A : vector<256x64xf32> to vector<256x64xbf16>
    %dot_general3A_58 = arith.constant dense<0.000000e+00> : vector<256x64xf32>
    %dot_general3A_59 = tpu.matmul %convert_element_type3A, %convert_element_type3A_57, %dot_general3A_58 {dimension_numbers = #tpu.dot_dimension_numbers<[1], [0], [0], [1], [0, 0, 1, 1], [], []>, transpose_lhs_hint = false} : vector<256x256xbf16>, vector<256x64xbf16>, vector<256x64xf32> -> vector<256x64xf32>
    %add3A_60 = vector.broadcast %broadcast_in_dim3A_56 : vector<1x64xf32> to vector<256x64xf32>
    %add3A_61 = arith.addf %dot_general3A_59, %add3A_60 : vector<256x64xf32>
    %reduce_sum3A_62 = arith.constant dense<0.000000e+00> : vector<64xf32>
    %reduce_sum3A_63 = vector.multi_reduction <add>, %slice3A, %reduce_sum3A_62 [0] : vector<256x64xf32> to vector<64xf32>
    %broadcast_in_dim3A_64 = vector.shape_cast %reduce_sum3A_63 : vector<64xf32> to vector<1x64xf32>
    %add3A_65 = arith.addf %broadcast_in_dim3A_56, %broadcast_in_dim3A_64 : vector<1x64xf32>
    %slice3A_66 = vector.extract_strided_slice %select_n3A_47 {offsets = [256, 0], sizes = [256, 64], strides = [1, 1]} : vector<2048x64xf32> to vector<256x64xf32>
    %convert_element_type3A_67 = arith.truncf %select_n3A_54 : vector<256x256xf32> to vector<256x256xbf16>
    %convert_element_type3A_68 = arith.truncf %slice3A_66 : vector<256x64xf32> to vector<256x64xbf16>
    %dot_general3A_69 = arith.constant dense<0.000000e+00> : vector<256x64xf32>
    %dot_general3A_70 = tpu.matmul %convert_element_type3A_67, %convert_element_type3A_68, %dot_general3A_69 {dimension_numbers = #tpu.dot_dimension_numbers<[1], [0], [0], [1], [0, 0, 1, 1], [], []>, transpose_lhs_hint = false} : vector<256x256xbf16>, vector<256x64xbf16>, vector<256x64xf32> -> vector<256x64xf32>
    %add3A_71 = vector.broadcast %add3A_65 : vector<1x64xf32> to vector<256x64xf32>
    %add3A_72 = arith.addf %dot_general3A_70, %add3A_71 : vector<256x64xf32>
    %reduce_sum3A_73 = arith.constant dense<0.000000e+00> : vector<64xf32>
    %reduce_sum3A_74 = vector.multi_reduction <add>, %slice3A_66, %reduce_sum3A_73 [0] : vector<256x64xf32> to vector<64xf32>
    %broadcast_in_dim3A_75 = vector.shape_cast %reduce_sum3A_74 : vector<64xf32> to vector<1x64xf32>
    %add3A_76 = arith.addf %add3A_65, %broadcast_in_dim3A_75 : vector<1x64xf32>
    %slice3A_77 = vector.extract_strided_slice %select_n3A_47 {offsets = [512, 0], sizes = [256, 64], strides = [1, 1]} : vector<2048x64xf32> to vector<256x64xf32>
    %convert_element_type3A_78 = arith.truncf %select_n3A_54 : vector<256x256xf32> to vector<256x256xbf16>
    %convert_element_type3A_79 = arith.truncf %slice3A_77 : vector<256x64xf32> to vector<256x64xbf16>
    %dot_general3A_80 = arith.constant dense<0.000000e+00> : vector<256x64xf32>
    %dot_general3A_81 = tpu.matmul %convert_element_type3A_78, %convert_element_type3A_79, %dot_general3A_80 {dimension_numbers = #tpu.dot_dimension_numbers<[1], [0], [0], [1], [0, 0, 1, 1], [], []>, transpose_lhs_hint = false} : vector<256x256xbf16>, vector<256x64xbf16>, vector<256x64xf32> -> vector<256x64xf32>
    %add3A_82 = vector.broadcast %add3A_76 : vector<1x64xf32> to vector<256x64xf32>
    %add3A_83 = arith.addf %dot_general3A_81, %add3A_82 : vector<256x64xf32>
    %reduce_sum3A_84 = arith.constant dense<0.000000e+00> : vector<64xf32>
    %reduce_sum3A_85 = vector.multi_reduction <add>, %slice3A_77, %reduce_sum3A_84 [0] : vector<256x64xf32> to vector<64xf32>
    %broadcast_in_dim3A_86 = vector.shape_cast %reduce_sum3A_85 : vector<64xf32> to vector<1x64xf32>
    %add3A_87 = arith.addf %add3A_76, %broadcast_in_dim3A_86 : vector<1x64xf32>
    %slice3A_88 = vector.extract_strided_slice %select_n3A_47 {offsets = [768, 0], sizes = [256, 64], strides = [1, 1]} : vector<2048x64xf32> to vector<256x64xf32>
    %convert_element_type3A_89 = arith.truncf %select_n3A_54 : vector<256x256xf32> to vector<256x256xbf16>
    %convert_element_type3A_90 = arith.truncf %slice3A_88 : vector<256x64xf32> to vector<256x64xbf16>
    %dot_general3A_91 = arith.constant dense<0.000000e+00> : vector<256x64xf32>
    %dot_general3A_92 = tpu.matmul %convert_element_type3A_89, %convert_element_type3A_90, %dot_general3A_91 {dimension_numbers = #tpu.dot_dimension_numbers<[1], [0], [0], [1], [0, 0, 1, 1], [], []>, transpose_lhs_hint = false} : vector<256x256xbf16>, vector<256x64xbf16>, vector<256x64xf32> -> vector<256x64xf32>
    %add3A_93 = vector.broadcast %add3A_87 : vector<1x64xf32> to vector<256x64xf32>
    %add3A_94 = arith.addf %dot_general3A_92, %add3A_93 : vector<256x64xf32>
    %reduce_sum3A_95 = arith.constant dense<0.000000e+00> : vector<64xf32>
    %reduce_sum3A_96 = vector.multi_reduction <add>, %slice3A_88, %reduce_sum3A_95 [0] : vector<256x64xf32> to vector<64xf32>
    %broadcast_in_dim3A_97 = vector.shape_cast %reduce_sum3A_96 : vector<64xf32> to vector<1x64xf32>
    %add3A_98 = arith.addf %add3A_87, %broadcast_in_dim3A_97 : vector<1x64xf32>
    %slice3A_99 = vector.extract_strided_slice %select_n3A_47 {offsets = [1024, 0], sizes = [256, 64], strides = [1, 1]} : vector<2048x64xf32> to vector<256x64xf32>
    %convert_element_type3A_100 = arith.truncf %select_n3A_54 : vector<256x256xf32> to vector<256x256xbf16>
    %convert_element_type3A_101 = arith.truncf %slice3A_99 : vector<256x64xf32> to vector<256x64xbf16>
    %dot_general3A_102 = arith.constant dense<0.000000e+00> : vector<256x64xf32>
    %dot_general3A_103 = tpu.matmul %convert_element_type3A_100, %convert_element_type3A_101, %dot_general3A_102 {dimension_numbers = #tpu.dot_dimension_numbers<[1], [0], [0], [1], [0, 0, 1, 1], [], []>, transpose_lhs_hint = false} : vector<256x256xbf16>, vector<256x64xbf16>, vector<256x64xf32> -> vector<256x64xf32>
    %add3A_104 = vector.broadcast %add3A_98 : vector<1x64xf32> to vector<256x64xf32>
    %add3A_105 = arith.addf %dot_general3A_103, %add3A_104 : vector<256x64xf32>
    %reduce_sum3A_106 = arith.constant dense<0.000000e+00> : vector<64xf32>
    %reduce_sum3A_107 = vector.multi_reduction <add>, %slice3A_99, %reduce_sum3A_106 [0] : vector<256x64xf32> to vector<64xf32>
    %broadcast_in_dim3A_108 = vector.shape_cast %reduce_sum3A_107 : vector<64xf32> to vector<1x64xf32>
    %add3A_109 = arith.addf %add3A_98, %broadcast_in_dim3A_108 : vector<1x64xf32>
    %slice3A_110 = vector.extract_strided_slice %select_n3A_47 {offsets = [1280, 0], sizes = [256, 64], strides = [1, 1]} : vector<2048x64xf32> to vector<256x64xf32>
    %convert_element_type3A_111 = arith.truncf %select_n3A_54 : vector<256x256xf32> to vector<256x256xbf16>
    %convert_element_type3A_112 = arith.truncf %slice3A_110 : vector<256x64xf32> to vector<256x64xbf16>
    %dot_general3A_113 = arith.constant dense<0.000000e+00> : vector<256x64xf32>
    %dot_general3A_114 = tpu.matmul %convert_element_type3A_111, %convert_element_type3A_112, %dot_general3A_113 {dimension_numbers = #tpu.dot_dimension_numbers<[1], [0], [0], [1], [0, 0, 1, 1], [], []>, transpose_lhs_hint = false} : vector<256x256xbf16>, vector<256x64xbf16>, vector<256x64xf32> -> vector<256x64xf32>
    %add3A_115 = vector.broadcast %add3A_109 : vector<1x64xf32> to vector<256x64xf32>
    %add3A_116 = arith.addf %dot_general3A_114, %add3A_115 : vector<256x64xf32>
    %reduce_sum3A_117 = arith.constant dense<0.000000e+00> : vector<64xf32>
    %reduce_sum3A_118 = vector.multi_reduction <add>, %slice3A_110, %reduce_sum3A_117 [0] : vector<256x64xf32> to vector<64xf32>
    %broadcast_in_dim3A_119 = vector.shape_cast %reduce_sum3A_118 : vector<64xf32> to vector<1x64xf32>
    %add3A_120 = arith.addf %add3A_109, %broadcast_in_dim3A_119 : vector<1x64xf32>
    %slice3A_121 = vector.extract_strided_slice %select_n3A_47 {offsets = [1536, 0], sizes = [256, 64], strides = [1, 1]} : vector<2048x64xf32> to vector<256x64xf32>
    %convert_element_type3A_122 = arith.truncf %select_n3A_54 : vector<256x256xf32> to vector<256x256xbf16>
    %convert_element_type3A_123 = arith.truncf %slice3A_121 : vector<256x64xf32> to vector<256x64xbf16>
    %dot_general3A_124 = arith.constant dense<0.000000e+00> : vector<256x64xf32>
    %dot_general3A_125 = tpu.matmul %convert_element_type3A_122, %convert_element_type3A_123, %dot_general3A_124 {dimension_numbers = #tpu.dot_dimension_numbers<[1], [0], [0], [1], [0, 0, 1, 1], [], []>, transpose_lhs_hint = false} : vector<256x256xbf16>, vector<256x64xbf16>, vector<256x64xf32> -> vector<256x64xf32>
    %add3A_126 = vector.broadcast %add3A_120 : vector<1x64xf32> to vector<256x64xf32>
    %add3A_127 = arith.addf %dot_general3A_125, %add3A_126 : vector<256x64xf32>
    %reduce_sum3A_128 = arith.constant dense<0.000000e+00> : vector<64xf32>
    %reduce_sum3A_129 = vector.multi_reduction <add>, %slice3A_121, %reduce_sum3A_128 [0] : vector<256x64xf32> to vector<64xf32>
    %broadcast_in_dim3A_130 = vector.shape_cast %reduce_sum3A_129 : vector<64xf32> to vector<1x64xf32>
    %add3A_131 = arith.addf %add3A_120, %broadcast_in_dim3A_130 : vector<1x64xf32>
    %slice3A_132 = vector.extract_strided_slice %select_n3A_47 {offsets = [1792, 0], sizes = [256, 64], strides = [1, 1]} : vector<2048x64xf32> to vector<256x64xf32>
    %convert_element_type3A_133 = arith.truncf %select_n3A_54 : vector<256x256xf32> to vector<256x256xbf16>
    %convert_element_type3A_134 = arith.truncf %slice3A_132 : vector<256x64xf32> to vector<256x64xbf16>
    %dot_general3A_135 = arith.constant dense<0.000000e+00> : vector<256x64xf32>
    %dot_general3A_136 = tpu.matmul %convert_element_type3A_133, %convert_element_type3A_134, %dot_general3A_135 {dimension_numbers = #tpu.dot_dimension_numbers<[1], [0], [0], [1], [0, 0, 1, 1], [], []>, transpose_lhs_hint = false} : vector<256x256xbf16>, vector<256x64xbf16>, vector<256x64xf32> -> vector<256x64xf32>
    %add3A_137 = vector.broadcast %add3A_131 : vector<1x64xf32> to vector<256x64xf32>
    %add3A_138 = arith.addf %dot_general3A_136, %add3A_137 : vector<256x64xf32>
    %concatenate3A = tpu.concatenate %add3A_61, %add3A_72, %add3A_83, %add3A_94, %add3A_105, %add3A_116, %add3A_127, %add3A_138 in 0 : vector<256x64xf32>, vector<256x64xf32>, vector<256x64xf32>, vector<256x64xf32>, vector<256x64xf32>, vector<256x64xf32>, vector<256x64xf32>, vector<256x64xf32> -> vector<2048x64xf32>
    %jit3A_139 = arith.constant 0.000000e+00 : f32
    %broadcast_in_dim3A_140 = vector.broadcast %jit3A_139 : f32 to vector<2048x64xf32>
    %select_n3A_141 = arith.select %eq3A_19, %concatenate3A, %broadcast_in_dim3A_140 : vector<2048x64xi1>, vector<2048x64xf32>
    %reduce_sum3A_142 = arith.constant dense<0.000000e+00> : vector<2048xf32>
    %reduce_sum3A_143 = vector.multi_reduction <add>, %select_n3A_141, %reduce_sum3A_142 [1] : vector<2048x64xf32> to vector<2048xf32>
    %broadcast_in_dim3A_144 = vector.shape_cast %reduce_sum3A_143 : vector<2048xf32> to vector<2048x1xf32>
    %jit3A_145 = arith.constant 0.000000e+00 : f32
    %broadcast_in_dim3A_146 = vector.broadcast %jit3A_145 : f32 to vector<2048x64xf32>
    %select_n3A_147 = arith.select %eq3A_35, %concatenate3A, %broadcast_in_dim3A_146 : vector<2048x64xi1>, vector<2048x64xf32>
    %reduce_sum3A_148 = arith.constant dense<0.000000e+00> : vector<2048xf32>
    %reduce_sum3A_149 = vector.multi_reduction <add>, %select_n3A_147, %reduce_sum3A_148 [1] : vector<2048x64xf32> to vector<2048xf32>
    %broadcast_in_dim3A_150 = vector.shape_cast %reduce_sum3A_149 : vector<2048xf32> to vector<2048x1xf32>
    %convert_element_type3A_151 = arith.fptosi %broadcast_in_dim3A_144 : vector<2048x1xf32> to vector<2048x1xi32>
    %convert_element_type3A_152 = arith.fptosi %broadcast_in_dim3A_150 : vector<2048x1xf32> to vector<2048x1xi32>
    %lt3A_153 = arith.constant 80 : i32
    %lt3A_154 = vector.broadcast %lt3A_153 : i32 to vector<2048x1xi32>
    %lt3A_155 = arith.cmpi slt, %convert_element_type3A_151, %lt3A_154 : vector<2048x1xi32>
    %lt3A_156 = arith.constant 80 : i32
    %lt3A_157 = vector.broadcast %lt3A_156 : i32 to vector<2048x1xi32>
    %lt3A_158 = arith.cmpi slt, %convert_element_type3A_152, %lt3A_157 : vector<2048x1xi32>
    %jit3A_159 = arith.constant 1.000000e+00 : f32
    %jit3A_160 = arith.constant 0.000000e+00 : f32
    %broadcast_in_dim3A_161 = vector.broadcast %jit3A_159 : f32 to vector<2048x1xf32>
    %broadcast_in_dim3A_162 = vector.broadcast %jit3A_160 : f32 to vector<2048x1xf32>
    %select_n3A_163 = arith.select %lt3A_155, %broadcast_in_dim3A_161, %broadcast_in_dim3A_162 : vector<2048x1xi1>, vector<2048x1xf32>
    %swap3A_164 = arith.constant 0 : index
    %swap3A_165 = arith.constant 0 : index
    %swap3A_166 = vector.load %arg4[%swap3A_164, %swap3A_165] : memref<2048x1xf32, #tpu.memory_space<vmem>>, vector<2048x1xf32>
    tpu.vector_store %arg4[%swap3A_164, %swap3A_165], %select_n3A_163 {strides = array<i32>} : memref<2048x1xf32, #tpu.memory_space<vmem>>, vector<2048x1xf32>,
    %jit3A_167 = arith.constant 1.000000e+00 : f32
    %jit3A_168 = arith.constant 0.000000e+00 : f32
    %broadcast_in_dim3A_169 = vector.broadcast %jit3A_167 : f32 to vector<2048x1xf32>
    %broadcast_in_dim3A_170 = vector.broadcast %jit3A_168 : f32 to vector<2048x1xf32>
    %select_n3A_171 = arith.select %lt3A_158, %broadcast_in_dim3A_169, %broadcast_in_dim3A_170 : vector<2048x1xi1>, vector<2048x1xf32>
    %swap3A_172 = arith.constant 0 : index
    %swap3A_173 = arith.constant 0 : index
    %swap3A_174 = vector.load %arg5[%swap3A_172, %swap3A_173] : memref<2048x1xf32, #tpu.memory_space<vmem>>, vector<2048x1xf32>
    tpu.vector_store %arg5[%swap3A_172, %swap3A_173], %select_n3A_171 {strides = array<i32>} : memref<2048x1xf32, #tpu.memory_space<vmem>>, vector<2048x1xf32>,
    %mul3A = arith.constant 80 : i32
    %mul3A_175 = vector.broadcast %mul3A : i32 to vector<2048x1xi32>
    %mul3A_176 = arith.muli %broadcast_in_dim3A_17, %mul3A_175 : vector<2048x1xi32>
    %add3A_177 = arith.addi %mul3A_176, %convert_element_type3A_151 : vector<2048x1xi32>
    %jit3A_178 = arith.constant 5120 : i32
    %broadcast_in_dim3A_179 = vector.broadcast %jit3A_178 : i32 to vector<2048x1xi32>
    %select_n3A_180 = arith.select %lt3A_155, %add3A_177, %broadcast_in_dim3A_179 : vector<2048x1xi1>, vector<2048x1xi32>
    %swap3A_181 = arith.constant 0 : index
    %swap3A_182 = arith.constant 0 : index
    %swap3A_183 = vector.load %arg6[%swap3A_181, %swap3A_182] : memref<2048x1xi32, #tpu.memory_space<vmem>>, vector<2048x1xi32>
    tpu.vector_store %arg6[%swap3A_181, %swap3A_182], %select_n3A_180 {strides = array<i32>} : memref<2048x1xi32, #tpu.memory_space<vmem>>, vector<2048x1xi32>,
    %mul3A_184 = arith.constant 80 : i32
    %mul3A_185 = vector.broadcast %mul3A_184 : i32 to vector<2048x1xi32>
    %mul3A_186 = arith.muli %broadcast_in_dim3A_33, %mul3A_185 : vector<2048x1xi32>
    %add3A_187 = arith.addi %mul3A_186, %convert_element_type3A_152 : vector<2048x1xi32>
    %jit3A_188 = arith.constant 5120 : i32
    %broadcast_in_dim3A_189 = vector.broadcast %jit3A_188 : i32 to vector<2048x1xi32>
    %select_n3A_190 = arith.select %lt3A_158, %add3A_187, %broadcast_in_dim3A_189 : vector<2048x1xi1>, vector<2048x1xi32>
    %swap3A_191 = arith.constant 0 : index
    %swap3A_192 = arith.constant 0 : index
    %swap3A_193 = vector.load %arg7[%swap3A_191, %swap3A_192] : memref<2048x1xi32, #tpu.memory_space<vmem>>, vector<2048x1xi32>
    tpu.vector_store %arg7[%swap3A_191, %swap3A_192], %select_n3A_190 {strides = array<i32>} : memref<2048x1xi32, #tpu.memory_space<vmem>>, vector<2048x1xi32>,
    %mul3A_194 = arith.constant 80 : i32
    %mul3A_195 = vector.broadcast %mul3A_194 : i32 to vector<2048x1xi32>
    %mul3A_196 = arith.muli %broadcast_in_dim3A_17, %mul3A_195 : vector<2048x1xi32>
    %jit3A_197 = arith.constant 0 : i32
    %broadcast_in_dim3A_198 = vector.broadcast %jit3A_197 : i32 to vector<2048x1xi32>
    %select_n3A_199 = arith.select %lt3A_155, %convert_element_type3A_151, %broadcast_in_dim3A_198 : vector<2048x1xi1>, vector<2048x1xi32>
    %add3A_200 = arith.addi %mul3A_196, %select_n3A_199 : vector<2048x1xi32>
    %swap3A_201 = arith.constant 0 : index
    %swap3A_202 = arith.constant 0 : index
    %swap3A_203 = vector.load %arg8[%swap3A_201, %swap3A_202] : memref<2048x1xi32, #tpu.memory_space<vmem>>, vector<2048x1xi32>
    tpu.vector_store %arg8[%swap3A_201, %swap3A_202], %add3A_200 {strides = array<i32>} : memref<2048x1xi32, #tpu.memory_space<vmem>>, vector<2048x1xi32>,
    %mul3A_204 = arith.constant 80 : i32
    %mul3A_205 = vector.broadcast %mul3A_204 : i32 to vector<2048x1xi32>
    %mul3A_206 = arith.muli %broadcast_in_dim3A_33, %mul3A_205 : vector<2048x1xi32>
    %jit3A_207 = arith.constant 0 : i32
    %broadcast_in_dim3A_208 = vector.broadcast %jit3A_207 : i32 to vector<2048x1xi32>
    %select_n3A_209 = arith.select %lt3A_158, %convert_element_type3A_152, %broadcast_in_dim3A_208 : vector<2048x1xi1>, vector<2048x1xi32>
    %add3A_210 = arith.addi %mul3A_206, %select_n3A_209 : vector<2048x1xi32>
    %swap3A_211 = arith.constant 0 : index
    %swap3A_212 = arith.constant 0 : index
    %swap3A_213 = vector.load %arg9[%swap3A_211, %swap3A_212] : memref<2048x1xi32, #tpu.memory_space<vmem>>, vector<2048x1xi32>
    tpu.vector_store %arg9[%swap3A_211, %swap3A_212], %add3A_210 {strides = array<i32>} : memref<2048x1xi32, #tpu.memory_space<vmem>>, vector<2048x1xi32>,
    return
  }
}

module attributes {stable_mosaic.version = 14 : i64} {
  func.func @_expert_body(%arg0: i32, %arg1: memref<80x768xf32, #tpu.memory_space<vmem>>, %arg2: memref<1x2048x768xf32, #tpu.memory_space<vmem>>, %arg3: memref<1x768x1024xf32, #tpu.memory_space<vmem>>, %arg4: memref<80x768xf32, #tpu.memory_space<vmem>>) attributes {dimension_semantics = [#tpu.dimension_semantics<arbitrary>], iteration_bounds = array<i64: 64>, scalar_prefetch = 0 : i64, scratch_operands = 0 : i64, tpu.core_type = #tpu.core_type<tc>, window_params = [{transform_indices = @transform_0, window_bounds = array<i64: 80, 768>}, {transform_indices = @transform_1, window_bounds = array<i64: 1, 2048, 768>}, {transform_indices = @transform_2, window_bounds = array<i64: 1, 768, 1024>}, {transform_indices = @transform_3, window_bounds = array<i64: 80, 768>}]} {
    %get3A = arith.constant 0 : index
    %get3A_0 = arith.constant 0 : index
    %get3A_1 = vector.load %arg1[%get3A, %get3A_0] : memref<80x768xf32, #tpu.memory_space<vmem>>, vector<80x768xf32>
    %mul3A = arith.constant 2.000000e+00 : f32
    %mul3A_2 = vector.broadcast %mul3A : f32 to vector<80x768xf32>
    %mul3A_3 = arith.mulf %mul3A_2, %get3A_1 : vector<80x768xf32>
    %get3A_4 = arith.constant 0 : index
    %get3A_5 = arith.constant 0 : index
    %get3A_6 = arith.constant 0 : index
    %get3A_7 = vector.load %arg2[%get3A_4, %get3A_5, %get3A_6] : memref<1x2048x768xf32, #tpu.memory_space<vmem>>, vector<1x2048x768xf32>
    %get3A_8 = vector.shape_cast %get3A_7 : vector<1x2048x768xf32> to vector<2048x768xf32>
    %convert_element_type3A = arith.truncf %mul3A_3 : vector<80x768xf32> to vector<80x768xbf16>
    %convert_element_type3A_9 = arith.truncf %get3A_8 : vector<2048x768xf32> to vector<2048x768xbf16>
    %dot_general3A = arith.constant dense<0.000000e+00> : vector<80x2048xf32>
    %dot_general3A_10 = tpu.matmul %convert_element_type3A, %convert_element_type3A_9, %dot_general3A {dimension_numbers = #tpu.dot_dimension_numbers<[1], [1], [0], [0], [0, 0, 1, 0], [], []>, transpose_lhs_hint = false} : vector<80x768xbf16>, vector<2048x768xbf16>, vector<80x2048xf32> -> vector<80x2048xf32>
    %slice3A = vector.extract_strided_slice %dot_general3A_10 {offsets = [0, 0], sizes = [80, 1024], strides = [1, 1]} : vector<80x2048xf32> to vector<80x1024xf32>
    %slice3A_11 = vector.extract_strided_slice %dot_general3A_10 {offsets = [0, 1024], sizes = [80, 1024], strides = [1, 1]} : vector<80x2048xf32> to vector<80x1024xf32>
    %logistic3A = arith.negf %slice3A : vector<80x1024xf32>
    %logistic3A_12 = math.exp %logistic3A : vector<80x1024xf32>
    %logistic3A_13 = arith.constant 1.000000e+00 : f32
    %logistic3A_14 = vector.broadcast %logistic3A_13 : f32 to vector<80x1024xf32>
    %logistic3A_15 = arith.addf %logistic3A_14, %logistic3A_12 : vector<80x1024xf32>
    %logistic3A_16 = arith.divf %logistic3A_14, %logistic3A_15 : vector<80x1024xf32>
    %mul3A_17 = arith.mulf %slice3A, %logistic3A_16 : vector<80x1024xf32>
    %mul3A_18 = arith.mulf %mul3A_17, %slice3A_11 : vector<80x1024xf32>
    %get3A_19 = arith.constant 0 : index
    %get3A_20 = arith.constant 0 : index
    %get3A_21 = arith.constant 0 : index
    %get3A_22 = vector.load %arg3[%get3A_19, %get3A_20, %get3A_21] : memref<1x768x1024xf32, #tpu.memory_space<vmem>>, vector<1x768x1024xf32>
    %get3A_23 = vector.shape_cast %get3A_22 : vector<1x768x1024xf32> to vector<768x1024xf32>
    %convert_element_type3A_24 = arith.truncf %mul3A_18 : vector<80x1024xf32> to vector<80x1024xbf16>
    %convert_element_type3A_25 = arith.truncf %get3A_23 : vector<768x1024xf32> to vector<768x1024xbf16>
    %dot_general3A_26 = arith.constant dense<0.000000e+00> : vector<80x768xf32>
    %dot_general3A_27 = tpu.matmul %convert_element_type3A_24, %convert_element_type3A_25, %dot_general3A_26 {dimension_numbers = #tpu.dot_dimension_numbers<[1], [1], [0], [0], [0, 0, 1, 0], [], []>, transpose_lhs_hint = false} : vector<80x1024xbf16>, vector<768x1024xbf16>, vector<80x768xf32> -> vector<80x768xf32>
    %add3A = arith.addf %get3A_1, %dot_general3A_27 : vector<80x768xf32>
    %swap3A = arith.constant 0 : index
    %swap3A_28 = arith.constant 0 : index
    %swap3A_29 = vector.load %arg4[%swap3A, %swap3A_28] : memref<80x768xf32, #tpu.memory_space<vmem>>, vector<80x768xf32>
    tpu.vector_store %arg4[%swap3A, %swap3A_28], %add3A {strides = array<i32>} : memref<80x768xf32, #tpu.memory_space<vmem>>, vector<80x768xf32>,
    return
  }
  func.func @transform_0(%arg0: i32) -> (i32, i32) {
    %c0_i32 = arith.constant 0 : i32
    %c0_i32_0 = arith.constant 0 : i32
    return %arg0, %c0_i32 : i32, i32
  }
  func.func @transform_1(%arg0: i32) -> (i32, i32, i32) {
    %c0_i32 = arith.constant 0 : i32
    %c0_i32_0 = arith.constant 0 : i32
    %c0_i32_1 = arith.constant 0 : i32
    return %arg0, %c0_i32, %c0_i32_0 : i32, i32, i32
  }
  func.func @transform_2(%arg0: i32) -> (i32, i32, i32) {
    %c0_i32 = arith.constant 0 : i32
    %c0_i32_0 = arith.constant 0 : i32
    %c0_i32_1 = arith.constant 0 : i32
    return %arg0, %c0_i32, %c0_i32_0 : i32, i32, i32
  }
  func.func @transform_3(%arg0: i32) -> (i32, i32) {
    %c0_i32 = arith.constant 0 : i32
    %c0_i32_0 = arith.constant 0 : i32
    return %arg0, %c0_i32 : i32, i32
  }
}

module attributes {stable_mosaic.version = 14 : i64} {
  func.func @_collab_body(%arg0: i32, %arg1: memref<256x768xf32, #tpu.memory_space<vmem>>, %arg2: memref<256x768xf32, #tpu.memory_space<vmem>>, %arg3: memref<256x1xf32, #tpu.memory_space<vmem>>, %arg4: memref<256x1xf32, #tpu.memory_space<vmem>>, %arg5: memref<256x1xf32, #tpu.memory_space<vmem>>, %arg6: memref<256x1xf32, #tpu.memory_space<vmem>>, %arg7: memref<256x768xf32, #tpu.memory_space<vmem>>, %arg8: memref<1x768xf32, #tpu.memory_space<vmem>>, %arg9: memref<2304x768xf32, #tpu.memory_space<vmem>>, %arg10: memref<1x2304xf32, #tpu.memory_space<vmem>>, %arg11: memref<768x768xf32, #tpu.memory_space<vmem>>, %arg12: memref<1x768xf32, #tpu.memory_space<vmem>>, %arg13: memref<1x768xf32, #tpu.memory_space<vmem>>, %arg14: memref<1x768xf32, #tpu.memory_space<vmem>>, %arg15: memref<768x768xf32, #tpu.memory_space<vmem>>, %arg16: memref<768x768xf32, #tpu.memory_space<vmem>>, %arg17: memref<1x768xf32, #tpu.memory_space<vmem>>, %arg18: memref<1x1xf32, #tpu.memory_space<vmem>>, %arg19: memref<768x768xf32, #tpu.memory_space<vmem>>, %arg20: memref<256x768xf32, #tpu.memory_space<vmem>>) attributes {dimension_semantics = [#tpu.dimension_semantics<arbitrary>], iteration_bounds = array<i64: 8>, scalar_prefetch = 0 : i64, scratch_operands = 0 : i64, tpu.core_type = #tpu.core_type<tc>, window_params = [{transform_indices = @transform_0, window_bounds = array<i64: 256, 768>}, {transform_indices = @transform_1, window_bounds = array<i64: 256, 768>}, {transform_indices = @transform_2, window_bounds = array<i64: 256, 1>}, {transform_indices = @transform_3, window_bounds = array<i64: 256, 1>}, {transform_indices = @transform_4, window_bounds = array<i64: 256, 1>}, {transform_indices = @transform_5, window_bounds = array<i64: 256, 1>}, {transform_indices = @transform_6, window_bounds = array<i64: 256, 768>}, {pipeline_mode = #tpu.pipeline_mode<synchronous>, transform_indices = @transform_7, window_bounds = array<i64: 1, 768>}, {pipeline_mode = #tpu.pipeline_mode<synchronous>, transform_indices = @transform_8, window_bounds = array<i64: 2304, 768>}, {pipeline_mode = #tpu.pipeline_mode<synchronous>, transform_indices = @transform_9, window_bounds = array<i64: 1, 2304>}, {pipeline_mode = #tpu.pipeline_mode<synchronous>, transform_indices = @transform_10, window_bounds = array<i64: 768, 768>}, {pipeline_mode = #tpu.pipeline_mode<synchronous>, transform_indices = @transform_11, window_bounds = array<i64: 1, 768>}, {pipeline_mode = #tpu.pipeline_mode<synchronous>, transform_indices = @transform_12, window_bounds = array<i64: 1, 768>}, {pipeline_mode = #tpu.pipeline_mode<synchronous>, transform_indices = @transform_13, window_bounds = array<i64: 1, 768>}, {pipeline_mode = #tpu.pipeline_mode<synchronous>, transform_indices = @transform_14, window_bounds = array<i64: 768, 768>}, {pipeline_mode = #tpu.pipeline_mode<synchronous>, transform_indices = @transform_15, window_bounds = array<i64: 768, 768>}, {pipeline_mode = #tpu.pipeline_mode<synchronous>, transform_indices = @transform_16, window_bounds = array<i64: 1, 768>}, {pipeline_mode = #tpu.pipeline_mode<synchronous>, transform_indices = @transform_17, window_bounds = array<i64: 1, 1>}, {pipeline_mode = #tpu.pipeline_mode<synchronous>, transform_indices = @transform_18, window_bounds = array<i64: 768, 768>}, {transform_indices = @transform_19, window_bounds = array<i64: 256, 768>}]} {
    %get3A = arith.constant 0 : index
    %get3A_0 = arith.constant 0 : index
    %get3A_1 = vector.load %arg8[%get3A, %get3A_0] : memref<1x768xf32, #tpu.memory_space<vmem>>, vector<1x768xf32>
    %broadcast_in_dim3A = vector.shape_cast %get3A_1 : vector<1x768xf32> to vector<1x768xf32>
    %broadcast_in_dim3A_2 = vector.broadcast %broadcast_in_dim3A : vector<1x768xf32> to vector<256x768xf32>
    %get3A_3 = arith.constant 0 : index
    %get3A_4 = arith.constant 0 : index
    %get3A_5 = vector.load %arg1[%get3A_3, %get3A_4] : memref<256x768xf32, #tpu.memory_space<vmem>>, vector<256x768xf32>
    %get3A_6 = arith.constant 0 : index
    %get3A_7 = arith.constant 0 : index
    %get3A_8 = vector.load %arg3[%get3A_6, %get3A_7] : memref<256x1xf32, #tpu.memory_space<vmem>>, vector<256x1xf32>
    %mul3A = vector.broadcast %get3A_8 : vector<256x1xf32> to vector<256x768xf32>
    %mul3A_9 = arith.mulf %get3A_5, %mul3A : vector<256x768xf32>
    %get3A_10 = arith.constant 0 : index
    %get3A_11 = arith.constant 0 : index
    %get3A_12 = vector.load %arg2[%get3A_10, %get3A_11] : memref<256x768xf32, #tpu.memory_space<vmem>>, vector<256x768xf32>
    %get3A_13 = arith.constant 0 : index
    %get3A_14 = arith.constant 0 : index
    %get3A_15 = vector.load %arg4[%get3A_13, %get3A_14] : memref<256x1xf32, #tpu.memory_space<vmem>>, vector<256x1xf32>
    %mul3A_16 = vector.broadcast %get3A_15 : vector<256x1xf32> to vector<256x768xf32>
    %mul3A_17 = arith.mulf %get3A_12, %mul3A_16 : vector<256x768xf32>
    %concatenate3A = tpu.concatenate %broadcast_in_dim3A_2, %mul3A_9, %mul3A_17 in 0 : vector<256x768xf32>, vector<256x768xf32>, vector<256x768xf32> -> vector<768x768xf32>
    %iota3A = tpu.iota {dimensions = array<i32: 0>} : vector<768x4xi32>
    %jit3A = arith.constant 192 : i32
    %div3A = vector.broadcast %jit3A : i32 to vector<768x4xi32>
    %div3A_18 = arith.divsi %iota3A, %div3A : vector<768x4xi32>
    %sign3A = arith.constant 0 : i32
    %sign3A_19 = vector.broadcast %sign3A : i32 to vector<768x4xi32>
    %sign3A_20 = arith.cmpi sgt, %iota3A, %sign3A_19 : vector<768x4xi32>
    %sign3A_21 = arith.extui %sign3A_20 : vector<768x4xi1> to vector<768x4xi32>
    %sign3A_22 = arith.constant 0 : i32
    %sign3A_23 = vector.broadcast %sign3A_22 : i32 to vector<768x4xi32>
    %sign3A_24 = arith.cmpi slt, %iota3A, %sign3A_23 : vector<768x4xi32>
    %sign3A_25 = arith.extui %sign3A_24 : vector<768x4xi1> to vector<768x4xi32>
    %sign3A_26 = arith.subi %sign3A_21, %sign3A_25 : vector<768x4xi32>
    %sign3A_27 = arith.constant 0 : i32
    %sign3A_28 = arith.cmpi sgt, %jit3A, %sign3A_27 : i32
    %sign3A_29 = arith.extui %sign3A_28 : i1 to i32
    %sign3A_30 = arith.constant 0 : i32
    %sign3A_31 = arith.cmpi slt, %jit3A, %sign3A_30 : i32
    %sign3A_32 = arith.extui %sign3A_31 : i1 to i32
    %sign3A_33 = arith.subi %sign3A_29, %sign3A_32 : i32
    %ne3A = vector.broadcast %sign3A_33 : i32 to vector<768x4xi32>
    %ne3A_34 = arith.cmpi ne, %sign3A_26, %ne3A : vector<768x4xi32>
    %rem3A = vector.broadcast %jit3A : i32 to vector<768x4xi32>
    %rem3A_35 = arith.remsi %iota3A, %rem3A : vector<768x4xi32>
    %ne3A_36 = arith.constant 0 : i32
    %ne3A_37 = vector.broadcast %ne3A_36 : i32 to vector<768x4xi32>
    %ne3A_38 = arith.cmpi ne, %rem3A_35, %ne3A_37 : vector<768x4xi32>
    %and3A = arith.andi %ne3A_34, %ne3A_38 : vector<768x4xi1>
    %sub3A = arith.constant 1 : i32
    %sub3A_39 = vector.broadcast %sub3A : i32 to vector<768x4xi32>
    %sub3A_40 = arith.subi %div3A_18, %sub3A_39 : vector<768x4xi32>
    %select_n3A = arith.select %and3A, %sub3A_40, %div3A_18 : vector<768x4xi1>, vector<768x4xi32>
    %iota3A_41 = tpu.iota {dimensions = array<i32: 1>} : vector<768x4xi32>
    %eq3A = arith.cmpi eq, %select_n3A, %iota3A_41 : vector<768x4xi32>
    %jit3A_42 = arith.constant 1.000000e+00 : f32
    %jit3A_43 = arith.constant 0.000000e+00 : f32
    %broadcast_in_dim3A_44 = vector.broadcast %jit3A_42 : f32 to vector<768x4xf32>
    %broadcast_in_dim3A_45 = vector.broadcast %jit3A_43 : f32 to vector<768x4xf32>
    %select_n3A_46 = arith.select %eq3A, %broadcast_in_dim3A_44, %broadcast_in_dim3A_45 : vector<768x4xi1>, vector<768x4xf32>
    %transpose3A = tpu.transpose %select_n3A_46, [1, 0] : vector<768x4xf32> -> vector<4x768xf32>
    %get3A_47 = arith.constant 0 : index
    %get3A_48 = arith.constant 0 : index
    %get3A_49 = vector.load %arg13[%get3A_47, %get3A_48] : memref<1x768xf32, #tpu.memory_space<vmem>>, vector<1x768xf32>
    %get3A_50 = arith.constant 0 : index
    %get3A_51 = arith.constant 0 : index
    %get3A_52 = vector.load %arg14[%get3A_50, %get3A_51] : memref<1x768xf32, #tpu.memory_space<vmem>>, vector<1x768xf32>
    %get3A_53 = arith.constant 0 : index
    %get3A_54 = arith.constant 0 : index
    %get3A_55 = vector.load %arg9[%get3A_53, %get3A_54] : memref<2304x768xf32, #tpu.memory_space<vmem>>, vector<2304x768xf32>
    %get3A_56 = arith.constant 0 : index
    %get3A_57 = arith.constant 0 : index
    %get3A_58 = vector.load %arg10[%get3A_56, %get3A_57] : memref<1x2304xf32, #tpu.memory_space<vmem>>, vector<1x2304xf32>
    %get3A_59 = arith.constant 0 : index
    %get3A_60 = arith.constant 0 : index
    %get3A_61 = vector.load %arg11[%get3A_59, %get3A_60] : memref<768x768xf32, #tpu.memory_space<vmem>>, vector<768x768xf32>
    %get3A_62 = arith.constant 0 : index
    %get3A_63 = arith.constant 0 : index
    %get3A_64 = vector.load %arg12[%get3A_62, %get3A_63] : memref<1x768xf32, #tpu.memory_space<vmem>>, vector<1x768xf32>
    %get3A_65 = arith.constant 0 : index
    %get3A_66 = arith.constant 0 : index
    %get3A_67 = vector.load %arg15[%get3A_65, %get3A_66] : memref<768x768xf32, #tpu.memory_space<vmem>>, vector<768x768xf32>
    %get3A_68 = arith.constant 0 : index
    %get3A_69 = arith.constant 0 : index
    %get3A_70 = vector.load %arg16[%get3A_68, %get3A_69] : memref<768x768xf32, #tpu.memory_space<vmem>>, vector<768x768xf32>
    %mul3A_71 = vector.broadcast %get3A_49 : vector<1x768xf32> to vector<768x768xf32>
    %mul3A_72 = arith.mulf %concatenate3A, %mul3A_71 : vector<768x768xf32>
    %mul3A_73 = arith.mulf %concatenate3A, %concatenate3A : vector<768x768xf32>
    %reduce_sum3A = arith.constant dense<0.000000e+00> : vector<768xf32>
    %reduce_sum3A_74 = vector.multi_reduction <add>, %mul3A_73, %reduce_sum3A [1] : vector<768x768xf32> to vector<768xf32>
    %broadcast_in_dim3A_75 = vector.shape_cast %reduce_sum3A_74 : vector<768xf32> to vector<768x1xf32>
    %div3A_76 = arith.constant 7.680000e+02 : f32
    %div3A_77 = vector.broadcast %div3A_76 : f32 to vector<768x1xf32>
    %div3A_78 = arith.divf %broadcast_in_dim3A_75, %div3A_77 : vector<768x1xf32>
    %add3A = arith.constant 9.99999997E-7 : f32
    %add3A_79 = vector.broadcast %add3A : f32 to vector<768x1xf32>
    %add3A_80 = arith.addf %div3A_78, %add3A_79 : vector<768x1xf32>
    %sqrt3A = math.sqrt %add3A_80 : vector<768x1xf32>
    %div3A_81 = vector.broadcast %sqrt3A : vector<768x1xf32> to vector<768x768xf32>
    %div3A_82 = arith.divf %mul3A_72, %div3A_81 : vector<768x768xf32>
    %convert_element_type3A = arith.truncf %div3A_82 : vector<768x768xf32> to vector<768x768xbf16>
    %convert_element_type3A_83 = arith.truncf %get3A_55 : vector<2304x768xf32> to vector<2304x768xbf16>
    %dot_general3A = arith.constant dense<0.000000e+00> : vector<768x2304xf32>
    %dot_general3A_84 = tpu.matmul %convert_element_type3A, %convert_element_type3A_83, %dot_general3A {dimension_numbers = #tpu.dot_dimension_numbers<[1], [1], [0], [0], [0, 0, 1, 0], [], []>, transpose_lhs_hint = false} : vector<768x768xbf16>, vector<2304x768xbf16>, vector<768x2304xf32> -> vector<768x2304xf32>
    %add3A_85 = vector.broadcast %get3A_58 : vector<1x2304xf32> to vector<768x2304xf32>
    %add3A_86 = arith.addf %dot_general3A_84, %add3A_85 : vector<768x2304xf32>
    %slice3A = vector.extract_strided_slice %add3A_86 {offsets = [0, 0], sizes = [256, 768], strides = [1, 1]} : vector<768x2304xf32> to vector<256x768xf32>
    %slice3A_87 = vector.extract_strided_slice %add3A_86 {offsets = [256, 0], sizes = [256, 768], strides = [1, 1]} : vector<768x2304xf32> to vector<256x768xf32>
    %slice3A_88 = vector.extract_strided_slice %add3A_86 {offsets = [512, 0], sizes = [256, 768], strides = [1, 1]} : vector<768x2304xf32> to vector<256x768xf32>
    %slice3A_89 = vector.extract_strided_slice %add3A_86 {offsets = [0, 768], sizes = [256, 768], strides = [1, 1]} : vector<768x2304xf32> to vector<256x768xf32>
    %slice3A_90 = vector.extract_strided_slice %add3A_86 {offsets = [256, 768], sizes = [256, 768], strides = [1, 1]} : vector<768x2304xf32> to vector<256x768xf32>
    %slice3A_91 = vector.extract_strided_slice %add3A_86 {offsets = [512, 768], sizes = [256, 768], strides = [1, 1]} : vector<768x2304xf32> to vector<256x768xf32>
    %slice3A_92 = vector.extract_strided_slice %add3A_86 {offsets = [0, 1536], sizes = [256, 768], strides = [1, 1]} : vector<768x2304xf32> to vector<256x768xf32>
    %slice3A_93 = vector.extract_strided_slice %add3A_86 {offsets = [256, 1536], sizes = [256, 768], strides = [1, 1]} : vector<768x2304xf32> to vector<256x768xf32>
    %slice3A_94 = vector.extract_strided_slice %add3A_86 {offsets = [512, 1536], sizes = [256, 768], strides = [1, 1]} : vector<768x2304xf32> to vector<256x768xf32>
    %mul3A_95 = arith.mulf %slice3A, %slice3A_89 : vector<256x768xf32>
    %convert_element_type3A_96 = arith.truncf %mul3A_95 : vector<256x768xf32> to vector<256x768xbf16>
    %convert_element_type3A_97 = arith.truncf %select_n3A_46 : vector<768x4xf32> to vector<768x4xbf16>
    %dot_general3A_98 = arith.constant dense<0.000000e+00> : vector<256x4xf32>
    %dot_general3A_99 = tpu.matmul %convert_element_type3A_96, %convert_element_type3A_97, %dot_general3A_98 {dimension_numbers = #tpu.dot_dimension_numbers<[1], [0], [0], [1], [0, 0, 1, 1], [], []>, transpose_lhs_hint = false} : vector<256x768xbf16>, vector<768x4xbf16>, vector<256x4xf32> -> vector<256x4xf32>
    %mul3A_100 = arith.constant 0.0721687824 : f32
    %mul3A_101 = vector.broadcast %mul3A_100 : f32 to vector<256x4xf32>
    %mul3A_102 = arith.mulf %dot_general3A_99, %mul3A_101 : vector<256x4xf32>
    %mul3A_103 = arith.mulf %slice3A, %slice3A_90 : vector<256x768xf32>
    %convert_element_type3A_104 = arith.truncf %mul3A_103 : vector<256x768xf32> to vector<256x768xbf16>
    %convert_element_type3A_105 = arith.truncf %select_n3A_46 : vector<768x4xf32> to vector<768x4xbf16>
    %dot_general3A_106 = arith.constant dense<0.000000e+00> : vector<256x4xf32>
    %dot_general3A_107 = tpu.matmul %convert_element_type3A_104, %convert_element_type3A_105, %dot_general3A_106 {dimension_numbers = #tpu.dot_dimension_numbers<[1], [0], [0], [1], [0, 0, 1, 1], [], []>, transpose_lhs_hint = false} : vector<256x768xbf16>, vector<768x4xbf16>, vector<256x4xf32> -> vector<256x4xf32>
    %mul3A_108 = arith.constant 0.0721687824 : f32
    %mul3A_109 = vector.broadcast %mul3A_108 : f32 to vector<256x4xf32>
    %mul3A_110 = arith.mulf %dot_general3A_107, %mul3A_109 : vector<256x4xf32>
    %mul3A_111 = arith.mulf %slice3A, %slice3A_91 : vector<256x768xf32>
    %convert_element_type3A_112 = arith.truncf %mul3A_111 : vector<256x768xf32> to vector<256x768xbf16>
    %convert_element_type3A_113 = arith.truncf %select_n3A_46 : vector<768x4xf32> to vector<768x4xbf16>
    %dot_general3A_114 = arith.constant dense<0.000000e+00> : vector<256x4xf32>
    %dot_general3A_115 = tpu.matmul %convert_element_type3A_112, %convert_element_type3A_113, %dot_general3A_114 {dimension_numbers = #tpu.dot_dimension_numbers<[1], [0], [0], [1], [0, 0, 1, 1], [], []>, transpose_lhs_hint = false} : vector<256x768xbf16>, vector<768x4xbf16>, vector<256x4xf32> -> vector<256x4xf32>
    %mul3A_116 = arith.constant 0.0721687824 : f32
    %mul3A_117 = vector.broadcast %mul3A_116 : f32 to vector<256x4xf32>
    %mul3A_118 = arith.mulf %dot_general3A_115, %mul3A_117 : vector<256x4xf32>
    %max3A = arith.maximumf %mul3A_102, %mul3A_110 : vector<256x4xf32>
    %max3A_119 = arith.maximumf %max3A, %mul3A_118 : vector<256x4xf32>
    %sub3A_120 = arith.subf %mul3A_102, %max3A_119 : vector<256x4xf32>
    %exp3A = math.exp %sub3A_120 : vector<256x4xf32>
    %sub3A_121 = arith.subf %mul3A_110, %max3A_119 : vector<256x4xf32>
    %exp3A_122 = math.exp %sub3A_121 : vector<256x4xf32>
    %sub3A_123 = arith.subf %mul3A_118, %max3A_119 : vector<256x4xf32>
    %exp3A_124 = math.exp %sub3A_123 : vector<256x4xf32>
    %add3A_125 = arith.addf %exp3A, %exp3A_122 : vector<256x4xf32>
    %add3A_126 = arith.addf %add3A_125, %exp3A_124 : vector<256x4xf32>
    %broadcast_in_dim3A_127 = arith.constant 0.000000e+00 : f32
    %broadcast_in_dim3A_128 = vector.broadcast %broadcast_in_dim3A_127 : f32 to vector<256x768xf32>
    %div3A_129 = arith.divf %exp3A, %add3A_126 : vector<256x4xf32>
    %convert_element_type3A_130 = arith.truncf %div3A_129 : vector<256x4xf32> to vector<256x4xbf16>
    %convert_element_type3A_131 = arith.truncf %transpose3A : vector<4x768xf32> to vector<4x768xbf16>
    %dot_general3A_132 = arith.constant dense<0.000000e+00> : vector<256x768xf32>
    %dot_general3A_133 = tpu.matmul %convert_element_type3A_130, %convert_element_type3A_131, %dot_general3A_132 {dimension_numbers = #tpu.dot_dimension_numbers<[1], [0], [0], [1], [0, 0, 1, 1], [], []>, transpose_lhs_hint = false} : vector<256x4xbf16>, vector<4x768xbf16>, vector<256x768xf32> -> vector<256x768xf32>
    %mul3A_134 = arith.mulf %dot_general3A_133, %slice3A_92 : vector<256x768xf32>
    %add3A_135 = arith.addf %broadcast_in_dim3A_128, %mul3A_134 : vector<256x768xf32>
    %div3A_136 = arith.divf %exp3A_122, %add3A_126 : vector<256x4xf32>
    %convert_element_type3A_137 = arith.truncf %div3A_136 : vector<256x4xf32> to vector<256x4xbf16>
    %convert_element_type3A_138 = arith.truncf %transpose3A : vector<4x768xf32> to vector<4x768xbf16>
    %dot_general3A_139 = arith.constant dense<0.000000e+00> : vector<256x768xf32>
    %dot_general3A_140 = tpu.matmul %convert_element_type3A_137, %convert_element_type3A_138, %dot_general3A_139 {dimension_numbers = #tpu.dot_dimension_numbers<[1], [0], [0], [1], [0, 0, 1, 1], [], []>, transpose_lhs_hint = false} : vector<256x4xbf16>, vector<4x768xbf16>, vector<256x768xf32> -> vector<256x768xf32>
    %mul3A_141 = arith.mulf %dot_general3A_140, %slice3A_93 : vector<256x768xf32>
    %add3A_142 = arith.addf %add3A_135, %mul3A_141 : vector<256x768xf32>
    %div3A_143 = arith.divf %exp3A_124, %add3A_126 : vector<256x4xf32>
    %convert_element_type3A_144 = arith.truncf %div3A_143 : vector<256x4xf32> to vector<256x4xbf16>
    %convert_element_type3A_145 = arith.truncf %transpose3A : vector<4x768xf32> to vector<4x768xbf16>
    %dot_general3A_146 = arith.constant dense<0.000000e+00> : vector<256x768xf32>
    %dot_general3A_147 = tpu.matmul %convert_element_type3A_144, %convert_element_type3A_145, %dot_general3A_146 {dimension_numbers = #tpu.dot_dimension_numbers<[1], [0], [0], [1], [0, 0, 1, 1], [], []>, transpose_lhs_hint = false} : vector<256x4xbf16>, vector<4x768xbf16>, vector<256x768xf32> -> vector<256x768xf32>
    %mul3A_148 = arith.mulf %dot_general3A_147, %slice3A_94 : vector<256x768xf32>
    %add3A_149 = arith.addf %add3A_142, %mul3A_148 : vector<256x768xf32>
    %mul3A_150 = arith.mulf %slice3A_87, %slice3A_89 : vector<256x768xf32>
    %convert_element_type3A_151 = arith.truncf %mul3A_150 : vector<256x768xf32> to vector<256x768xbf16>
    %convert_element_type3A_152 = arith.truncf %select_n3A_46 : vector<768x4xf32> to vector<768x4xbf16>
    %dot_general3A_153 = arith.constant dense<0.000000e+00> : vector<256x4xf32>
    %dot_general3A_154 = tpu.matmul %convert_element_type3A_151, %convert_element_type3A_152, %dot_general3A_153 {dimension_numbers = #tpu.dot_dimension_numbers<[1], [0], [0], [1], [0, 0, 1, 1], [], []>, transpose_lhs_hint = false} : vector<256x768xbf16>, vector<768x4xbf16>, vector<256x4xf32> -> vector<256x4xf32>
    %mul3A_155 = arith.constant 0.0721687824 : f32
    %mul3A_156 = vector.broadcast %mul3A_155 : f32 to vector<256x4xf32>
    %mul3A_157 = arith.mulf %dot_general3A_154, %mul3A_156 : vector<256x4xf32>
    %mul3A_158 = arith.mulf %slice3A_87, %slice3A_90 : vector<256x768xf32>
    %convert_element_type3A_159 = arith.truncf %mul3A_158 : vector<256x768xf32> to vector<256x768xbf16>
    %convert_element_type3A_160 = arith.truncf %select_n3A_46 : vector<768x4xf32> to vector<768x4xbf16>
    %dot_general3A_161 = arith.constant dense<0.000000e+00> : vector<256x4xf32>
    %dot_general3A_162 = tpu.matmul %convert_element_type3A_159, %convert_element_type3A_160, %dot_general3A_161 {dimension_numbers = #tpu.dot_dimension_numbers<[1], [0], [0], [1], [0, 0, 1, 1], [], []>, transpose_lhs_hint = false} : vector<256x768xbf16>, vector<768x4xbf16>, vector<256x4xf32> -> vector<256x4xf32>
    %mul3A_163 = arith.constant 0.0721687824 : f32
    %mul3A_164 = vector.broadcast %mul3A_163 : f32 to vector<256x4xf32>
    %mul3A_165 = arith.mulf %dot_general3A_162, %mul3A_164 : vector<256x4xf32>
    %mul3A_166 = arith.mulf %slice3A_87, %slice3A_91 : vector<256x768xf32>
    %convert_element_type3A_167 = arith.truncf %mul3A_166 : vector<256x768xf32> to vector<256x768xbf16>
    %convert_element_type3A_168 = arith.truncf %select_n3A_46 : vector<768x4xf32> to vector<768x4xbf16>
    %dot_general3A_169 = arith.constant dense<0.000000e+00> : vector<256x4xf32>
    %dot_general3A_170 = tpu.matmul %convert_element_type3A_167, %convert_element_type3A_168, %dot_general3A_169 {dimension_numbers = #tpu.dot_dimension_numbers<[1], [0], [0], [1], [0, 0, 1, 1], [], []>, transpose_lhs_hint = false} : vector<256x768xbf16>, vector<768x4xbf16>, vector<256x4xf32> -> vector<256x4xf32>
    %mul3A_171 = arith.constant 0.0721687824 : f32
    %mul3A_172 = vector.broadcast %mul3A_171 : f32 to vector<256x4xf32>
    %mul3A_173 = arith.mulf %dot_general3A_170, %mul3A_172 : vector<256x4xf32>
    %max3A_174 = arith.maximumf %mul3A_157, %mul3A_165 : vector<256x4xf32>
    %max3A_175 = arith.maximumf %max3A_174, %mul3A_173 : vector<256x4xf32>
    %sub3A_176 = arith.subf %mul3A_157, %max3A_175 : vector<256x4xf32>
    %exp3A_177 = math.exp %sub3A_176 : vector<256x4xf32>
    %sub3A_178 = arith.subf %mul3A_165, %max3A_175 : vector<256x4xf32>
    %exp3A_179 = math.exp %sub3A_178 : vector<256x4xf32>
    %sub3A_180 = arith.subf %mul3A_173, %max3A_175 : vector<256x4xf32>
    %exp3A_181 = math.exp %sub3A_180 : vector<256x4xf32>
    %add3A_182 = arith.addf %exp3A_177, %exp3A_179 : vector<256x4xf32>
    %add3A_183 = arith.addf %add3A_182, %exp3A_181 : vector<256x4xf32>
    %broadcast_in_dim3A_184 = arith.constant 0.000000e+00 : f32
    %broadcast_in_dim3A_185 = vector.broadcast %broadcast_in_dim3A_184 : f32 to vector<256x768xf32>
    %div3A_186 = arith.divf %exp3A_177, %add3A_183 : vector<256x4xf32>
    %convert_element_type3A_187 = arith.truncf %div3A_186 : vector<256x4xf32> to vector<256x4xbf16>
    %convert_element_type3A_188 = arith.truncf %transpose3A : vector<4x768xf32> to vector<4x768xbf16>
    %dot_general3A_189 = arith.constant dense<0.000000e+00> : vector<256x768xf32>
    %dot_general3A_190 = tpu.matmul %convert_element_type3A_187, %convert_element_type3A_188, %dot_general3A_189 {dimension_numbers = #tpu.dot_dimension_numbers<[1], [0], [0], [1], [0, 0, 1, 1], [], []>, transpose_lhs_hint = false} : vector<256x4xbf16>, vector<4x768xbf16>, vector<256x768xf32> -> vector<256x768xf32>
    %mul3A_191 = arith.mulf %dot_general3A_190, %slice3A_92 : vector<256x768xf32>
    %add3A_192 = arith.addf %broadcast_in_dim3A_185, %mul3A_191 : vector<256x768xf32>
    %div3A_193 = arith.divf %exp3A_179, %add3A_183 : vector<256x4xf32>
    %convert_element_type3A_194 = arith.truncf %div3A_193 : vector<256x4xf32> to vector<256x4xbf16>
    %convert_element_type3A_195 = arith.truncf %transpose3A : vector<4x768xf32> to vector<4x768xbf16>
    %dot_general3A_196 = arith.constant dense<0.000000e+00> : vector<256x768xf32>
    %dot_general3A_197 = tpu.matmul %convert_element_type3A_194, %convert_element_type3A_195, %dot_general3A_196 {dimension_numbers = #tpu.dot_dimension_numbers<[1], [0], [0], [1], [0, 0, 1, 1], [], []>, transpose_lhs_hint = false} : vector<256x4xbf16>, vector<4x768xbf16>, vector<256x768xf32> -> vector<256x768xf32>
    %mul3A_198 = arith.mulf %dot_general3A_197, %slice3A_93 : vector<256x768xf32>
    %add3A_199 = arith.addf %add3A_192, %mul3A_198 : vector<256x768xf32>
    %div3A_200 = arith.divf %exp3A_181, %add3A_183 : vector<256x4xf32>
    %convert_element_type3A_201 = arith.truncf %div3A_200 : vector<256x4xf32> to vector<256x4xbf16>
    %convert_element_type3A_202 = arith.truncf %transpose3A : vector<4x768xf32> to vector<4x768xbf16>
    %dot_general3A_203 = arith.constant dense<0.000000e+00> : vector<256x768xf32>
    %dot_general3A_204 = tpu.matmul %convert_element_type3A_201, %convert_element_type3A_202, %dot_general3A_203 {dimension_numbers = #tpu.dot_dimension_numbers<[1], [0], [0], [1], [0, 0, 1, 1], [], []>, transpose_lhs_hint = false} : vector<256x4xbf16>, vector<4x768xbf16>, vector<256x768xf32> -> vector<256x768xf32>
    %mul3A_205 = arith.mulf %dot_general3A_204, %slice3A_94 : vector<256x768xf32>
    %add3A_206 = arith.addf %add3A_199, %mul3A_205 : vector<256x768xf32>
    %mul3A_207 = arith.mulf %slice3A_88, %slice3A_89 : vector<256x768xf32>
    %convert_element_type3A_208 = arith.truncf %mul3A_207 : vector<256x768xf32> to vector<256x768xbf16>
    %convert_element_type3A_209 = arith.truncf %select_n3A_46 : vector<768x4xf32> to vector<768x4xbf16>
    %dot_general3A_210 = arith.constant dense<0.000000e+00> : vector<256x4xf32>
    %dot_general3A_211 = tpu.matmul %convert_element_type3A_208, %convert_element_type3A_209, %dot_general3A_210 {dimension_numbers = #tpu.dot_dimension_numbers<[1], [0], [0], [1], [0, 0, 1, 1], [], []>, transpose_lhs_hint = false} : vector<256x768xbf16>, vector<768x4xbf16>, vector<256x4xf32> -> vector<256x4xf32>
    %mul3A_212 = arith.constant 0.0721687824 : f32
    %mul3A_213 = vector.broadcast %mul3A_212 : f32 to vector<256x4xf32>
    %mul3A_214 = arith.mulf %dot_general3A_211, %mul3A_213 : vector<256x4xf32>
    %mul3A_215 = arith.mulf %slice3A_88, %slice3A_90 : vector<256x768xf32>
    %convert_element_type3A_216 = arith.truncf %mul3A_215 : vector<256x768xf32> to vector<256x768xbf16>
    %convert_element_type3A_217 = arith.truncf %select_n3A_46 : vector<768x4xf32> to vector<768x4xbf16>
    %dot_general3A_218 = arith.constant dense<0.000000e+00> : vector<256x4xf32>
    %dot_general3A_219 = tpu.matmul %convert_element_type3A_216, %convert_element_type3A_217, %dot_general3A_218 {dimension_numbers = #tpu.dot_dimension_numbers<[1], [0], [0], [1], [0, 0, 1, 1], [], []>, transpose_lhs_hint = false} : vector<256x768xbf16>, vector<768x4xbf16>, vector<256x4xf32> -> vector<256x4xf32>
    %mul3A_220 = arith.constant 0.0721687824 : f32
    %mul3A_221 = vector.broadcast %mul3A_220 : f32 to vector<256x4xf32>
    %mul3A_222 = arith.mulf %dot_general3A_219, %mul3A_221 : vector<256x4xf32>
    %mul3A_223 = arith.mulf %slice3A_88, %slice3A_91 : vector<256x768xf32>
    %convert_element_type3A_224 = arith.truncf %mul3A_223 : vector<256x768xf32> to vector<256x768xbf16>
    %convert_element_type3A_225 = arith.truncf %select_n3A_46 : vector<768x4xf32> to vector<768x4xbf16>
    %dot_general3A_226 = arith.constant dense<0.000000e+00> : vector<256x4xf32>
    %dot_general3A_227 = tpu.matmul %convert_element_type3A_224, %convert_element_type3A_225, %dot_general3A_226 {dimension_numbers = #tpu.dot_dimension_numbers<[1], [0], [0], [1], [0, 0, 1, 1], [], []>, transpose_lhs_hint = false} : vector<256x768xbf16>, vector<768x4xbf16>, vector<256x4xf32> -> vector<256x4xf32>
    %mul3A_228 = arith.constant 0.0721687824 : f32
    %mul3A_229 = vector.broadcast %mul3A_228 : f32 to vector<256x4xf32>
    %mul3A_230 = arith.mulf %dot_general3A_227, %mul3A_229 : vector<256x4xf32>
    %max3A_231 = arith.maximumf %mul3A_214, %mul3A_222 : vector<256x4xf32>
    %max3A_232 = arith.maximumf %max3A_231, %mul3A_230 : vector<256x4xf32>
    %sub3A_233 = arith.subf %mul3A_214, %max3A_232 : vector<256x4xf32>
    %exp3A_234 = math.exp %sub3A_233 : vector<256x4xf32>
    %sub3A_235 = arith.subf %mul3A_222, %max3A_232 : vector<256x4xf32>
    %exp3A_236 = math.exp %sub3A_235 : vector<256x4xf32>
    %sub3A_237 = arith.subf %mul3A_230, %max3A_232 : vector<256x4xf32>
    %exp3A_238 = math.exp %sub3A_237 : vector<256x4xf32>
    %add3A_239 = arith.addf %exp3A_234, %exp3A_236 : vector<256x4xf32>
    %add3A_240 = arith.addf %add3A_239, %exp3A_238 : vector<256x4xf32>
    %broadcast_in_dim3A_241 = arith.constant 0.000000e+00 : f32
    %broadcast_in_dim3A_242 = vector.broadcast %broadcast_in_dim3A_241 : f32 to vector<256x768xf32>
    %div3A_243 = arith.divf %exp3A_234, %add3A_240 : vector<256x4xf32>
    %convert_element_type3A_244 = arith.truncf %div3A_243 : vector<256x4xf32> to vector<256x4xbf16>
    %convert_element_type3A_245 = arith.truncf %transpose3A : vector<4x768xf32> to vector<4x768xbf16>
    %dot_general3A_246 = arith.constant dense<0.000000e+00> : vector<256x768xf32>
    %dot_general3A_247 = tpu.matmul %convert_element_type3A_244, %convert_element_type3A_245, %dot_general3A_246 {dimension_numbers = #tpu.dot_dimension_numbers<[1], [0], [0], [1], [0, 0, 1, 1], [], []>, transpose_lhs_hint = false} : vector<256x4xbf16>, vector<4x768xbf16>, vector<256x768xf32> -> vector<256x768xf32>
    %mul3A_248 = arith.mulf %dot_general3A_247, %slice3A_92 : vector<256x768xf32>
    %add3A_249 = arith.addf %broadcast_in_dim3A_242, %mul3A_248 : vector<256x768xf32>
    %div3A_250 = arith.divf %exp3A_236, %add3A_240 : vector<256x4xf32>
    %convert_element_type3A_251 = arith.truncf %div3A_250 : vector<256x4xf32> to vector<256x4xbf16>
    %convert_element_type3A_252 = arith.truncf %transpose3A : vector<4x768xf32> to vector<4x768xbf16>
    %dot_general3A_253 = arith.constant dense<0.000000e+00> : vector<256x768xf32>
    %dot_general3A_254 = tpu.matmul %convert_element_type3A_251, %convert_element_type3A_252, %dot_general3A_253 {dimension_numbers = #tpu.dot_dimension_numbers<[1], [0], [0], [1], [0, 0, 1, 1], [], []>, transpose_lhs_hint = false} : vector<256x4xbf16>, vector<4x768xbf16>, vector<256x768xf32> -> vector<256x768xf32>
    %mul3A_255 = arith.mulf %dot_general3A_254, %slice3A_93 : vector<256x768xf32>
    %add3A_256 = arith.addf %add3A_249, %mul3A_255 : vector<256x768xf32>
    %div3A_257 = arith.divf %exp3A_238, %add3A_240 : vector<256x4xf32>
    %convert_element_type3A_258 = arith.truncf %div3A_257 : vector<256x4xf32> to vector<256x4xbf16>
    %convert_element_type3A_259 = arith.truncf %transpose3A : vector<4x768xf32> to vector<4x768xbf16>
    %dot_general3A_260 = arith.constant dense<0.000000e+00> : vector<256x768xf32>
    %dot_general3A_261 = tpu.matmul %convert_element_type3A_258, %convert_element_type3A_259, %dot_general3A_260 {dimension_numbers = #tpu.dot_dimension_numbers<[1], [0], [0], [1], [0, 0, 1, 1], [], []>, transpose_lhs_hint = false} : vector<256x4xbf16>, vector<4x768xbf16>, vector<256x768xf32> -> vector<256x768xf32>
    %mul3A_262 = arith.mulf %dot_general3A_261, %slice3A_94 : vector<256x768xf32>
    %add3A_263 = arith.addf %add3A_256, %mul3A_262 : vector<256x768xf32>
    %concatenate3A_264 = tpu.concatenate %add3A_149, %add3A_206, %add3A_263 in 0 : vector<256x768xf32>, vector<256x768xf32>, vector<256x768xf32> -> vector<768x768xf32>
    %convert_element_type3A_265 = arith.truncf %concatenate3A_264 : vector<768x768xf32> to vector<768x768xbf16>
    %convert_element_type3A_266 = arith.truncf %get3A_61 : vector<768x768xf32> to vector<768x768xbf16>
    %dot_general3A_267 = arith.constant dense<0.000000e+00> : vector<768x768xf32>
    %dot_general3A_268 = tpu.matmul %convert_element_type3A_265, %convert_element_type3A_266, %dot_general3A_267 {dimension_numbers = #tpu.dot_dimension_numbers<[1], [1], [0], [0], [0, 0, 1, 0], [], []>, transpose_lhs_hint = false} : vector<768x768xbf16>, vector<768x768xbf16>, vector<768x768xf32> -> vector<768x768xf32>
    %add3A_269 = vector.broadcast %get3A_64 : vector<1x768xf32> to vector<768x768xf32>
    %add3A_270 = arith.addf %dot_general3A_268, %add3A_269 : vector<768x768xf32>
    %add3A_271 = arith.addf %concatenate3A, %add3A_270 : vector<768x768xf32>
    %mul3A_272 = vector.broadcast %get3A_52 : vector<1x768xf32> to vector<768x768xf32>
    %mul3A_273 = arith.mulf %add3A_271, %mul3A_272 : vector<768x768xf32>
    %mul3A_274 = arith.mulf %add3A_271, %add3A_271 : vector<768x768xf32>
    %reduce_sum3A_275 = arith.constant dense<0.000000e+00> : vector<768xf32>
    %reduce_sum3A_276 = vector.multi_reduction <add>, %mul3A_274, %reduce_sum3A_275 [1] : vector<768x768xf32> to vector<768xf32>
    %broadcast_in_dim3A_277 = vector.shape_cast %reduce_sum3A_276 : vector<768xf32> to vector<768x1xf32>
    %div3A_278 = arith.constant 7.680000e+02 : f32
    %div3A_279 = vector.broadcast %div3A_278 : f32 to vector<768x1xf32>
    %div3A_280 = arith.divf %broadcast_in_dim3A_277, %div3A_279 : vector<768x1xf32>
    %add3A_281 = arith.constant 9.99999997E-7 : f32
    %add3A_282 = vector.broadcast %add3A_281 : f32 to vector<768x1xf32>
    %add3A_283 = arith.addf %div3A_280, %add3A_282 : vector<768x1xf32>
    %sqrt3A_284 = math.sqrt %add3A_283 : vector<768x1xf32>
    %div3A_285 = vector.broadcast %sqrt3A_284 : vector<768x1xf32> to vector<768x768xf32>
    %div3A_286 = arith.divf %mul3A_273, %div3A_285 : vector<768x768xf32>
    %convert_element_type3A_287 = arith.truncf %div3A_286 : vector<768x768xf32> to vector<768x768xbf16>
    %convert_element_type3A_288 = arith.truncf %get3A_67 : vector<768x768xf32> to vector<768x768xbf16>
    %dot_general3A_289 = arith.constant dense<0.000000e+00> : vector<768x768xf32>
    %dot_general3A_290 = tpu.matmul %convert_element_type3A_287, %convert_element_type3A_288, %dot_general3A_289 {dimension_numbers = #tpu.dot_dimension_numbers<[1], [1], [0], [0], [0, 0, 1, 0], [], []>, transpose_lhs_hint = false} : vector<768x768xbf16>, vector<768x768xbf16>, vector<768x768xf32> -> vector<768x768xf32>
    %mul3A_291 = arith.constant 5.000000e-01 : f32
    %mul3A_292 = vector.broadcast %mul3A_291 : f32 to vector<768x768xf32>
    %mul3A_293 = arith.mulf %mul3A_292, %dot_general3A_290 : vector<768x768xf32>
    %mul3A_294 = arith.constant 0.707106769 : f32
    %mul3A_295 = vector.broadcast %mul3A_294 : f32 to vector<768x768xf32>
    %mul3A_296 = arith.mulf %dot_general3A_290, %mul3A_295 : vector<768x768xf32>
    %erf3A = math.erf %mul3A_296 : vector<768x768xf32>
    %add3A_297 = arith.constant 1.000000e+00 : f32
    %add3A_298 = vector.broadcast %add3A_297 : f32 to vector<768x768xf32>
    %add3A_299 = arith.addf %add3A_298, %erf3A : vector<768x768xf32>
    %mul3A_300 = arith.mulf %mul3A_293, %add3A_299 : vector<768x768xf32>
    %convert_element_type3A_301 = arith.truncf %mul3A_300 : vector<768x768xf32> to vector<768x768xbf16>
    %convert_element_type3A_302 = arith.truncf %get3A_70 : vector<768x768xf32> to vector<768x768xbf16>
    %dot_general3A_303 = arith.constant dense<0.000000e+00> : vector<768x768xf32>
    %dot_general3A_304 = tpu.matmul %convert_element_type3A_301, %convert_element_type3A_302, %dot_general3A_303 {dimension_numbers = #tpu.dot_dimension_numbers<[1], [1], [0], [0], [0, 0, 1, 0], [], []>, transpose_lhs_hint = false} : vector<768x768xbf16>, vector<768x768xbf16>, vector<768x768xf32> -> vector<768x768xf32>
    %add3A_305 = arith.addf %add3A_271, %dot_general3A_304 : vector<768x768xf32>
    %mul3A_306 = vector.broadcast %get3A_49 : vector<1x768xf32> to vector<768x768xf32>
    %mul3A_307 = arith.mulf %add3A_305, %mul3A_306 : vector<768x768xf32>
    %mul3A_308 = arith.mulf %add3A_305, %add3A_305 : vector<768x768xf32>
    %reduce_sum3A_309 = arith.constant dense<0.000000e+00> : vector<768xf32>
    %reduce_sum3A_310 = vector.multi_reduction <add>, %mul3A_308, %reduce_sum3A_309 [1] : vector<768x768xf32> to vector<768xf32>
    %broadcast_in_dim3A_311 = vector.shape_cast %reduce_sum3A_310 : vector<768xf32> to vector<768x1xf32>
    %div3A_312 = arith.constant 7.680000e+02 : f32
    %div3A_313 = vector.broadcast %div3A_312 : f32 to vector<768x1xf32>
    %div3A_314 = arith.divf %broadcast_in_dim3A_311, %div3A_313 : vector<768x1xf32>
    %add3A_315 = arith.constant 9.99999997E-7 : f32
    %add3A_316 = vector.broadcast %add3A_315 : f32 to vector<768x1xf32>
    %add3A_317 = arith.addf %div3A_314, %add3A_316 : vector<768x1xf32>
    %sqrt3A_318 = math.sqrt %add3A_317 : vector<768x1xf32>
    %div3A_319 = vector.broadcast %sqrt3A_318 : vector<768x1xf32> to vector<768x768xf32>
    %div3A_320 = arith.divf %mul3A_307, %div3A_319 : vector<768x768xf32>
    %convert_element_type3A_321 = arith.truncf %div3A_320 : vector<768x768xf32> to vector<768x768xbf16>
    %convert_element_type3A_322 = arith.truncf %get3A_55 : vector<2304x768xf32> to vector<2304x768xbf16>
    %dot_general3A_323 = arith.constant dense<0.000000e+00> : vector<768x2304xf32>
    %dot_general3A_324 = tpu.matmul %convert_element_type3A_321, %convert_element_type3A_322, %dot_general3A_323 {dimension_numbers = #tpu.dot_dimension_numbers<[1], [1], [0], [0], [0, 0, 1, 0], [], []>, transpose_lhs_hint = false} : vector<768x768xbf16>, vector<2304x768xbf16>, vector<768x2304xf32> -> vector<768x2304xf32>
    %add3A_325 = vector.broadcast %get3A_58 : vector<1x2304xf32> to vector<768x2304xf32>
    %add3A_326 = arith.addf %dot_general3A_324, %add3A_325 : vector<768x2304xf32>
    %slice3A_327 = vector.extract_strided_slice %add3A_326 {offsets = [0, 0], sizes = [256, 768], strides = [1, 1]} : vector<768x2304xf32> to vector<256x768xf32>
    %slice3A_328 = vector.extract_strided_slice %add3A_326 {offsets = [256, 0], sizes = [256, 768], strides = [1, 1]} : vector<768x2304xf32> to vector<256x768xf32>
    %slice3A_329 = vector.extract_strided_slice %add3A_326 {offsets = [512, 0], sizes = [256, 768], strides = [1, 1]} : vector<768x2304xf32> to vector<256x768xf32>
    %slice3A_330 = vector.extract_strided_slice %add3A_326 {offsets = [0, 768], sizes = [256, 768], strides = [1, 1]} : vector<768x2304xf32> to vector<256x768xf32>
    %slice3A_331 = vector.extract_strided_slice %add3A_326 {offsets = [256, 768], sizes = [256, 768], strides = [1, 1]} : vector<768x2304xf32> to vector<256x768xf32>
    %slice3A_332 = vector.extract_strided_slice %add3A_326 {offsets = [512, 768], sizes = [256, 768], strides = [1, 1]} : vector<768x2304xf32> to vector<256x768xf32>
    %slice3A_333 = vector.extract_strided_slice %add3A_326 {offsets = [0, 1536], sizes = [256, 768], strides = [1, 1]} : vector<768x2304xf32> to vector<256x768xf32>
    %slice3A_334 = vector.extract_strided_slice %add3A_326 {offsets = [256, 1536], sizes = [256, 768], strides = [1, 1]} : vector<768x2304xf32> to vector<256x768xf32>
    %slice3A_335 = vector.extract_strided_slice %add3A_326 {offsets = [512, 1536], sizes = [256, 768], strides = [1, 1]} : vector<768x2304xf32> to vector<256x768xf32>
    %mul3A_336 = arith.mulf %slice3A_327, %slice3A_330 : vector<256x768xf32>
    %convert_element_type3A_337 = arith.truncf %mul3A_336 : vector<256x768xf32> to vector<256x768xbf16>
    %convert_element_type3A_338 = arith.truncf %select_n3A_46 : vector<768x4xf32> to vector<768x4xbf16>
    %dot_general3A_339 = arith.constant dense<0.000000e+00> : vector<256x4xf32>
    %dot_general3A_340 = tpu.matmul %convert_element_type3A_337, %convert_element_type3A_338, %dot_general3A_339 {dimension_numbers = #tpu.dot_dimension_numbers<[1], [0], [0], [1], [0, 0, 1, 1], [], []>, transpose_lhs_hint = false} : vector<256x768xbf16>, vector<768x4xbf16>, vector<256x4xf32> -> vector<256x4xf32>
    %mul3A_341 = arith.constant 0.0721687824 : f32
    %mul3A_342 = vector.broadcast %mul3A_341 : f32 to vector<256x4xf32>
    %mul3A_343 = arith.mulf %dot_general3A_340, %mul3A_342 : vector<256x4xf32>
    %mul3A_344 = arith.mulf %slice3A_327, %slice3A_331 : vector<256x768xf32>
    %convert_element_type3A_345 = arith.truncf %mul3A_344 : vector<256x768xf32> to vector<256x768xbf16>
    %convert_element_type3A_346 = arith.truncf %select_n3A_46 : vector<768x4xf32> to vector<768x4xbf16>
    %dot_general3A_347 = arith.constant dense<0.000000e+00> : vector<256x4xf32>
    %dot_general3A_348 = tpu.matmul %convert_element_type3A_345, %convert_element_type3A_346, %dot_general3A_347 {dimension_numbers = #tpu.dot_dimension_numbers<[1], [0], [0], [1], [0, 0, 1, 1], [], []>, transpose_lhs_hint = false} : vector<256x768xbf16>, vector<768x4xbf16>, vector<256x4xf32> -> vector<256x4xf32>
    %mul3A_349 = arith.constant 0.0721687824 : f32
    %mul3A_350 = vector.broadcast %mul3A_349 : f32 to vector<256x4xf32>
    %mul3A_351 = arith.mulf %dot_general3A_348, %mul3A_350 : vector<256x4xf32>
    %mul3A_352 = arith.mulf %slice3A_327, %slice3A_332 : vector<256x768xf32>
    %convert_element_type3A_353 = arith.truncf %mul3A_352 : vector<256x768xf32> to vector<256x768xbf16>
    %convert_element_type3A_354 = arith.truncf %select_n3A_46 : vector<768x4xf32> to vector<768x4xbf16>
    %dot_general3A_355 = arith.constant dense<0.000000e+00> : vector<256x4xf32>
    %dot_general3A_356 = tpu.matmul %convert_element_type3A_353, %convert_element_type3A_354, %dot_general3A_355 {dimension_numbers = #tpu.dot_dimension_numbers<[1], [0], [0], [1], [0, 0, 1, 1], [], []>, transpose_lhs_hint = false} : vector<256x768xbf16>, vector<768x4xbf16>, vector<256x4xf32> -> vector<256x4xf32>
    %mul3A_357 = arith.constant 0.0721687824 : f32
    %mul3A_358 = vector.broadcast %mul3A_357 : f32 to vector<256x4xf32>
    %mul3A_359 = arith.mulf %dot_general3A_356, %mul3A_358 : vector<256x4xf32>
    %max3A_360 = arith.maximumf %mul3A_343, %mul3A_351 : vector<256x4xf32>
    %max3A_361 = arith.maximumf %max3A_360, %mul3A_359 : vector<256x4xf32>
    %sub3A_362 = arith.subf %mul3A_343, %max3A_361 : vector<256x4xf32>
    %exp3A_363 = math.exp %sub3A_362 : vector<256x4xf32>
    %sub3A_364 = arith.subf %mul3A_351, %max3A_361 : vector<256x4xf32>
    %exp3A_365 = math.exp %sub3A_364 : vector<256x4xf32>
    %sub3A_366 = arith.subf %mul3A_359, %max3A_361 : vector<256x4xf32>
    %exp3A_367 = math.exp %sub3A_366 : vector<256x4xf32>
    %add3A_368 = arith.addf %exp3A_363, %exp3A_365 : vector<256x4xf32>
    %add3A_369 = arith.addf %add3A_368, %exp3A_367 : vector<256x4xf32>
    %broadcast_in_dim3A_370 = arith.constant 0.000000e+00 : f32
    %broadcast_in_dim3A_371 = vector.broadcast %broadcast_in_dim3A_370 : f32 to vector<256x768xf32>
    %div3A_372 = arith.divf %exp3A_363, %add3A_369 : vector<256x4xf32>
    %convert_element_type3A_373 = arith.truncf %div3A_372 : vector<256x4xf32> to vector<256x4xbf16>
    %convert_element_type3A_374 = arith.truncf %transpose3A : vector<4x768xf32> to vector<4x768xbf16>
    %dot_general3A_375 = arith.constant dense<0.000000e+00> : vector<256x768xf32>
    %dot_general3A_376 = tpu.matmul %convert_element_type3A_373, %convert_element_type3A_374, %dot_general3A_375 {dimension_numbers = #tpu.dot_dimension_numbers<[1], [0], [0], [1], [0, 0, 1, 1], [], []>, transpose_lhs_hint = false} : vector<256x4xbf16>, vector<4x768xbf16>, vector<256x768xf32> -> vector<256x768xf32>
    %mul3A_377 = arith.mulf %dot_general3A_376, %slice3A_333 : vector<256x768xf32>
    %add3A_378 = arith.addf %broadcast_in_dim3A_371, %mul3A_377 : vector<256x768xf32>
    %div3A_379 = arith.divf %exp3A_365, %add3A_369 : vector<256x4xf32>
    %convert_element_type3A_380 = arith.truncf %div3A_379 : vector<256x4xf32> to vector<256x4xbf16>
    %convert_element_type3A_381 = arith.truncf %transpose3A : vector<4x768xf32> to vector<4x768xbf16>
    %dot_general3A_382 = arith.constant dense<0.000000e+00> : vector<256x768xf32>
    %dot_general3A_383 = tpu.matmul %convert_element_type3A_380, %convert_element_type3A_381, %dot_general3A_382 {dimension_numbers = #tpu.dot_dimension_numbers<[1], [0], [0], [1], [0, 0, 1, 1], [], []>, transpose_lhs_hint = false} : vector<256x4xbf16>, vector<4x768xbf16>, vector<256x768xf32> -> vector<256x768xf32>
    %mul3A_384 = arith.mulf %dot_general3A_383, %slice3A_334 : vector<256x768xf32>
    %add3A_385 = arith.addf %add3A_378, %mul3A_384 : vector<256x768xf32>
    %div3A_386 = arith.divf %exp3A_367, %add3A_369 : vector<256x4xf32>
    %convert_element_type3A_387 = arith.truncf %div3A_386 : vector<256x4xf32> to vector<256x4xbf16>
    %convert_element_type3A_388 = arith.truncf %transpose3A : vector<4x768xf32> to vector<4x768xbf16>
    %dot_general3A_389 = arith.constant dense<0.000000e+00> : vector<256x768xf32>
    %dot_general3A_390 = tpu.matmul %convert_element_type3A_387, %convert_element_type3A_388, %dot_general3A_389 {dimension_numbers = #tpu.dot_dimension_numbers<[1], [0], [0], [1], [0, 0, 1, 1], [], []>, transpose_lhs_hint = false} : vector<256x4xbf16>, vector<4x768xbf16>, vector<256x768xf32> -> vector<256x768xf32>
    %mul3A_391 = arith.mulf %dot_general3A_390, %slice3A_335 : vector<256x768xf32>
    %add3A_392 = arith.addf %add3A_385, %mul3A_391 : vector<256x768xf32>
    %mul3A_393 = arith.mulf %slice3A_328, %slice3A_330 : vector<256x768xf32>
    %convert_element_type3A_394 = arith.truncf %mul3A_393 : vector<256x768xf32> to vector<256x768xbf16>
    %convert_element_type3A_395 = arith.truncf %select_n3A_46 : vector<768x4xf32> to vector<768x4xbf16>
    %dot_general3A_396 = arith.constant dense<0.000000e+00> : vector<256x4xf32>
    %dot_general3A_397 = tpu.matmul %convert_element_type3A_394, %convert_element_type3A_395, %dot_general3A_396 {dimension_numbers = #tpu.dot_dimension_numbers<[1], [0], [0], [1], [0, 0, 1, 1], [], []>, transpose_lhs_hint = false} : vector<256x768xbf16>, vector<768x4xbf16>, vector<256x4xf32> -> vector<256x4xf32>
    %mul3A_398 = arith.constant 0.0721687824 : f32
    %mul3A_399 = vector.broadcast %mul3A_398 : f32 to vector<256x4xf32>
    %mul3A_400 = arith.mulf %dot_general3A_397, %mul3A_399 : vector<256x4xf32>
    %mul3A_401 = arith.mulf %slice3A_328, %slice3A_331 : vector<256x768xf32>
    %convert_element_type3A_402 = arith.truncf %mul3A_401 : vector<256x768xf32> to vector<256x768xbf16>
    %convert_element_type3A_403 = arith.truncf %select_n3A_46 : vector<768x4xf32> to vector<768x4xbf16>
    %dot_general3A_404 = arith.constant dense<0.000000e+00> : vector<256x4xf32>
    %dot_general3A_405 = tpu.matmul %convert_element_type3A_402, %convert_element_type3A_403, %dot_general3A_404 {dimension_numbers = #tpu.dot_dimension_numbers<[1], [0], [0], [1], [0, 0, 1, 1], [], []>, transpose_lhs_hint = false} : vector<256x768xbf16>, vector<768x4xbf16>, vector<256x4xf32> -> vector<256x4xf32>
    %mul3A_406 = arith.constant 0.0721687824 : f32
    %mul3A_407 = vector.broadcast %mul3A_406 : f32 to vector<256x4xf32>
    %mul3A_408 = arith.mulf %dot_general3A_405, %mul3A_407 : vector<256x4xf32>
    %mul3A_409 = arith.mulf %slice3A_328, %slice3A_332 : vector<256x768xf32>
    %convert_element_type3A_410 = arith.truncf %mul3A_409 : vector<256x768xf32> to vector<256x768xbf16>
    %convert_element_type3A_411 = arith.truncf %select_n3A_46 : vector<768x4xf32> to vector<768x4xbf16>
    %dot_general3A_412 = arith.constant dense<0.000000e+00> : vector<256x4xf32>
    %dot_general3A_413 = tpu.matmul %convert_element_type3A_410, %convert_element_type3A_411, %dot_general3A_412 {dimension_numbers = #tpu.dot_dimension_numbers<[1], [0], [0], [1], [0, 0, 1, 1], [], []>, transpose_lhs_hint = false} : vector<256x768xbf16>, vector<768x4xbf16>, vector<256x4xf32> -> vector<256x4xf32>
    %mul3A_414 = arith.constant 0.0721687824 : f32
    %mul3A_415 = vector.broadcast %mul3A_414 : f32 to vector<256x4xf32>
    %mul3A_416 = arith.mulf %dot_general3A_413, %mul3A_415 : vector<256x4xf32>
    %max3A_417 = arith.maximumf %mul3A_400, %mul3A_408 : vector<256x4xf32>
    %max3A_418 = arith.maximumf %max3A_417, %mul3A_416 : vector<256x4xf32>
    %sub3A_419 = arith.subf %mul3A_400, %max3A_418 : vector<256x4xf32>
    %exp3A_420 = math.exp %sub3A_419 : vector<256x4xf32>
    %sub3A_421 = arith.subf %mul3A_408, %max3A_418 : vector<256x4xf32>
    %exp3A_422 = math.exp %sub3A_421 : vector<256x4xf32>
    %sub3A_423 = arith.subf %mul3A_416, %max3A_418 : vector<256x4xf32>
    %exp3A_424 = math.exp %sub3A_423 : vector<256x4xf32>
    %add3A_425 = arith.addf %exp3A_420, %exp3A_422 : vector<256x4xf32>
    %add3A_426 = arith.addf %add3A_425, %exp3A_424 : vector<256x4xf32>
    %broadcast_in_dim3A_427 = arith.constant 0.000000e+00 : f32
    %broadcast_in_dim3A_428 = vector.broadcast %broadcast_in_dim3A_427 : f32 to vector<256x768xf32>
    %div3A_429 = arith.divf %exp3A_420, %add3A_426 : vector<256x4xf32>
    %convert_element_type3A_430 = arith.truncf %div3A_429 : vector<256x4xf32> to vector<256x4xbf16>
    %convert_element_type3A_431 = arith.truncf %transpose3A : vector<4x768xf32> to vector<4x768xbf16>
    %dot_general3A_432 = arith.constant dense<0.000000e+00> : vector<256x768xf32>
    %dot_general3A_433 = tpu.matmul %convert_element_type3A_430, %convert_element_type3A_431, %dot_general3A_432 {dimension_numbers = #tpu.dot_dimension_numbers<[1], [0], [0], [1], [0, 0, 1, 1], [], []>, transpose_lhs_hint = false} : vector<256x4xbf16>, vector<4x768xbf16>, vector<256x768xf32> -> vector<256x768xf32>
    %mul3A_434 = arith.mulf %dot_general3A_433, %slice3A_333 : vector<256x768xf32>
    %add3A_435 = arith.addf %broadcast_in_dim3A_428, %mul3A_434 : vector<256x768xf32>
    %div3A_436 = arith.divf %exp3A_422, %add3A_426 : vector<256x4xf32>
    %convert_element_type3A_437 = arith.truncf %div3A_436 : vector<256x4xf32> to vector<256x4xbf16>
    %convert_element_type3A_438 = arith.truncf %transpose3A : vector<4x768xf32> to vector<4x768xbf16>
    %dot_general3A_439 = arith.constant dense<0.000000e+00> : vector<256x768xf32>
    %dot_general3A_440 = tpu.matmul %convert_element_type3A_437, %convert_element_type3A_438, %dot_general3A_439 {dimension_numbers = #tpu.dot_dimension_numbers<[1], [0], [0], [1], [0, 0, 1, 1], [], []>, transpose_lhs_hint = false} : vector<256x4xbf16>, vector<4x768xbf16>, vector<256x768xf32> -> vector<256x768xf32>
    %mul3A_441 = arith.mulf %dot_general3A_440, %slice3A_334 : vector<256x768xf32>
    %add3A_442 = arith.addf %add3A_435, %mul3A_441 : vector<256x768xf32>
    %div3A_443 = arith.divf %exp3A_424, %add3A_426 : vector<256x4xf32>
    %convert_element_type3A_444 = arith.truncf %div3A_443 : vector<256x4xf32> to vector<256x4xbf16>
    %convert_element_type3A_445 = arith.truncf %transpose3A : vector<4x768xf32> to vector<4x768xbf16>
    %dot_general3A_446 = arith.constant dense<0.000000e+00> : vector<256x768xf32>
    %dot_general3A_447 = tpu.matmul %convert_element_type3A_444, %convert_element_type3A_445, %dot_general3A_446 {dimension_numbers = #tpu.dot_dimension_numbers<[1], [0], [0], [1], [0, 0, 1, 1], [], []>, transpose_lhs_hint = false} : vector<256x4xbf16>, vector<4x768xbf16>, vector<256x768xf32> -> vector<256x768xf32>
    %mul3A_448 = arith.mulf %dot_general3A_447, %slice3A_335 : vector<256x768xf32>
    %add3A_449 = arith.addf %add3A_442, %mul3A_448 : vector<256x768xf32>
    %mul3A_450 = arith.mulf %slice3A_329, %slice3A_330 : vector<256x768xf32>
    %convert_element_type3A_451 = arith.truncf %mul3A_450 : vector<256x768xf32> to vector<256x768xbf16>
    %convert_element_type3A_452 = arith.truncf %select_n3A_46 : vector<768x4xf32> to vector<768x4xbf16>
    %dot_general3A_453 = arith.constant dense<0.000000e+00> : vector<256x4xf32>
    %dot_general3A_454 = tpu.matmul %convert_element_type3A_451, %convert_element_type3A_452, %dot_general3A_453 {dimension_numbers = #tpu.dot_dimension_numbers<[1], [0], [0], [1], [0, 0, 1, 1], [], []>, transpose_lhs_hint = false} : vector<256x768xbf16>, vector<768x4xbf16>, vector<256x4xf32> -> vector<256x4xf32>
    %mul3A_455 = arith.constant 0.0721687824 : f32
    %mul3A_456 = vector.broadcast %mul3A_455 : f32 to vector<256x4xf32>
    %mul3A_457 = arith.mulf %dot_general3A_454, %mul3A_456 : vector<256x4xf32>
    %mul3A_458 = arith.mulf %slice3A_329, %slice3A_331 : vector<256x768xf32>
    %convert_element_type3A_459 = arith.truncf %mul3A_458 : vector<256x768xf32> to vector<256x768xbf16>
    %convert_element_type3A_460 = arith.truncf %select_n3A_46 : vector<768x4xf32> to vector<768x4xbf16>
    %dot_general3A_461 = arith.constant dense<0.000000e+00> : vector<256x4xf32>
    %dot_general3A_462 = tpu.matmul %convert_element_type3A_459, %convert_element_type3A_460, %dot_general3A_461 {dimension_numbers = #tpu.dot_dimension_numbers<[1], [0], [0], [1], [0, 0, 1, 1], [], []>, transpose_lhs_hint = false} : vector<256x768xbf16>, vector<768x4xbf16>, vector<256x4xf32> -> vector<256x4xf32>
    %mul3A_463 = arith.constant 0.0721687824 : f32
    %mul3A_464 = vector.broadcast %mul3A_463 : f32 to vector<256x4xf32>
    %mul3A_465 = arith.mulf %dot_general3A_462, %mul3A_464 : vector<256x4xf32>
    %mul3A_466 = arith.mulf %slice3A_329, %slice3A_332 : vector<256x768xf32>
    %convert_element_type3A_467 = arith.truncf %mul3A_466 : vector<256x768xf32> to vector<256x768xbf16>
    %convert_element_type3A_468 = arith.truncf %select_n3A_46 : vector<768x4xf32> to vector<768x4xbf16>
    %dot_general3A_469 = arith.constant dense<0.000000e+00> : vector<256x4xf32>
    %dot_general3A_470 = tpu.matmul %convert_element_type3A_467, %convert_element_type3A_468, %dot_general3A_469 {dimension_numbers = #tpu.dot_dimension_numbers<[1], [0], [0], [1], [0, 0, 1, 1], [], []>, transpose_lhs_hint = false} : vector<256x768xbf16>, vector<768x4xbf16>, vector<256x4xf32> -> vector<256x4xf32>
    %mul3A_471 = arith.constant 0.0721687824 : f32
    %mul3A_472 = vector.broadcast %mul3A_471 : f32 to vector<256x4xf32>
    %mul3A_473 = arith.mulf %dot_general3A_470, %mul3A_472 : vector<256x4xf32>
    %max3A_474 = arith.maximumf %mul3A_457, %mul3A_465 : vector<256x4xf32>
    %max3A_475 = arith.maximumf %max3A_474, %mul3A_473 : vector<256x4xf32>
    %sub3A_476 = arith.subf %mul3A_457, %max3A_475 : vector<256x4xf32>
    %exp3A_477 = math.exp %sub3A_476 : vector<256x4xf32>
    %sub3A_478 = arith.subf %mul3A_465, %max3A_475 : vector<256x4xf32>
    %exp3A_479 = math.exp %sub3A_478 : vector<256x4xf32>
    %sub3A_480 = arith.subf %mul3A_473, %max3A_475 : vector<256x4xf32>
    %exp3A_481 = math.exp %sub3A_480 : vector<256x4xf32>
    %add3A_482 = arith.addf %exp3A_477, %exp3A_479 : vector<256x4xf32>
    %add3A_483 = arith.addf %add3A_482, %exp3A_481 : vector<256x4xf32>
    %broadcast_in_dim3A_484 = arith.constant 0.000000e+00 : f32
    %broadcast_in_dim3A_485 = vector.broadcast %broadcast_in_dim3A_484 : f32 to vector<256x768xf32>
    %div3A_486 = arith.divf %exp3A_477, %add3A_483 : vector<256x4xf32>
    %convert_element_type3A_487 = arith.truncf %div3A_486 : vector<256x4xf32> to vector<256x4xbf16>
    %convert_element_type3A_488 = arith.truncf %transpose3A : vector<4x768xf32> to vector<4x768xbf16>
    %dot_general3A_489 = arith.constant dense<0.000000e+00> : vector<256x768xf32>
    %dot_general3A_490 = tpu.matmul %convert_element_type3A_487, %convert_element_type3A_488, %dot_general3A_489 {dimension_numbers = #tpu.dot_dimension_numbers<[1], [0], [0], [1], [0, 0, 1, 1], [], []>, transpose_lhs_hint = false} : vector<256x4xbf16>, vector<4x768xbf16>, vector<256x768xf32> -> vector<256x768xf32>
    %mul3A_491 = arith.mulf %dot_general3A_490, %slice3A_333 : vector<256x768xf32>
    %add3A_492 = arith.addf %broadcast_in_dim3A_485, %mul3A_491 : vector<256x768xf32>
    %div3A_493 = arith.divf %exp3A_479, %add3A_483 : vector<256x4xf32>
    %convert_element_type3A_494 = arith.truncf %div3A_493 : vector<256x4xf32> to vector<256x4xbf16>
    %convert_element_type3A_495 = arith.truncf %transpose3A : vector<4x768xf32> to vector<4x768xbf16>
    %dot_general3A_496 = arith.constant dense<0.000000e+00> : vector<256x768xf32>
    %dot_general3A_497 = tpu.matmul %convert_element_type3A_494, %convert_element_type3A_495, %dot_general3A_496 {dimension_numbers = #tpu.dot_dimension_numbers<[1], [0], [0], [1], [0, 0, 1, 1], [], []>, transpose_lhs_hint = false} : vector<256x4xbf16>, vector<4x768xbf16>, vector<256x768xf32> -> vector<256x768xf32>
    %mul3A_498 = arith.mulf %dot_general3A_497, %slice3A_334 : vector<256x768xf32>
    %add3A_499 = arith.addf %add3A_492, %mul3A_498 : vector<256x768xf32>
    %div3A_500 = arith.divf %exp3A_481, %add3A_483 : vector<256x4xf32>
    %convert_element_type3A_501 = arith.truncf %div3A_500 : vector<256x4xf32> to vector<256x4xbf16>
    %convert_element_type3A_502 = arith.truncf %transpose3A : vector<4x768xf32> to vector<4x768xbf16>
    %dot_general3A_503 = arith.constant dense<0.000000e+00> : vector<256x768xf32>
    %dot_general3A_504 = tpu.matmul %convert_element_type3A_501, %convert_element_type3A_502, %dot_general3A_503 {dimension_numbers = #tpu.dot_dimension_numbers<[1], [0], [0], [1], [0, 0, 1, 1], [], []>, transpose_lhs_hint = false} : vector<256x4xbf16>, vector<4x768xbf16>, vector<256x768xf32> -> vector<256x768xf32>
    %mul3A_505 = arith.mulf %dot_general3A_504, %slice3A_335 : vector<256x768xf32>
    %add3A_506 = arith.addf %add3A_499, %mul3A_505 : vector<256x768xf32>
    %concatenate3A_507 = tpu.concatenate %add3A_392, %add3A_449, %add3A_506 in 0 : vector<256x768xf32>, vector<256x768xf32>, vector<256x768xf32> -> vector<768x768xf32>
    %convert_element_type3A_508 = arith.truncf %concatenate3A_507 : vector<768x768xf32> to vector<768x768xbf16>
    %convert_element_type3A_509 = arith.truncf %get3A_61 : vector<768x768xf32> to vector<768x768xbf16>
    %dot_general3A_510 = arith.constant dense<0.000000e+00> : vector<768x768xf32>
    %dot_general3A_511 = tpu.matmul %convert_element_type3A_508, %convert_element_type3A_509, %dot_general3A_510 {dimension_numbers = #tpu.dot_dimension_numbers<[1], [1], [0], [0], [0, 0, 1, 0], [], []>, transpose_lhs_hint = false} : vector<768x768xbf16>, vector<768x768xbf16>, vector<768x768xf32> -> vector<768x768xf32>
    %add3A_512 = vector.broadcast %get3A_64 : vector<1x768xf32> to vector<768x768xf32>
    %add3A_513 = arith.addf %dot_general3A_511, %add3A_512 : vector<768x768xf32>
    %add3A_514 = arith.addf %add3A_305, %add3A_513 : vector<768x768xf32>
    %mul3A_515 = vector.broadcast %get3A_52 : vector<1x768xf32> to vector<768x768xf32>
    %mul3A_516 = arith.mulf %add3A_514, %mul3A_515 : vector<768x768xf32>
    %mul3A_517 = arith.mulf %add3A_514, %add3A_514 : vector<768x768xf32>
    %reduce_sum3A_518 = arith.constant dense<0.000000e+00> : vector<768xf32>
    %reduce_sum3A_519 = vector.multi_reduction <add>, %mul3A_517, %reduce_sum3A_518 [1] : vector<768x768xf32> to vector<768xf32>
    %broadcast_in_dim3A_520 = vector.shape_cast %reduce_sum3A_519 : vector<768xf32> to vector<768x1xf32>
    %div3A_521 = arith.constant 7.680000e+02 : f32
    %div3A_522 = vector.broadcast %div3A_521 : f32 to vector<768x1xf32>
    %div3A_523 = arith.divf %broadcast_in_dim3A_520, %div3A_522 : vector<768x1xf32>
    %add3A_524 = arith.constant 9.99999997E-7 : f32
    %add3A_525 = vector.broadcast %add3A_524 : f32 to vector<768x1xf32>
    %add3A_526 = arith.addf %div3A_523, %add3A_525 : vector<768x1xf32>
    %sqrt3A_527 = math.sqrt %add3A_526 : vector<768x1xf32>
    %div3A_528 = vector.broadcast %sqrt3A_527 : vector<768x1xf32> to vector<768x768xf32>
    %div3A_529 = arith.divf %mul3A_516, %div3A_528 : vector<768x768xf32>
    %convert_element_type3A_530 = arith.truncf %div3A_529 : vector<768x768xf32> to vector<768x768xbf16>
    %convert_element_type3A_531 = arith.truncf %get3A_67 : vector<768x768xf32> to vector<768x768xbf16>
    %dot_general3A_532 = arith.constant dense<0.000000e+00> : vector<768x768xf32>
    %dot_general3A_533 = tpu.matmul %convert_element_type3A_530, %convert_element_type3A_531, %dot_general3A_532 {dimension_numbers = #tpu.dot_dimension_numbers<[1], [1], [0], [0], [0, 0, 1, 0], [], []>, transpose_lhs_hint = false} : vector<768x768xbf16>, vector<768x768xbf16>, vector<768x768xf32> -> vector<768x768xf32>
    %mul3A_534 = arith.constant 5.000000e-01 : f32
    %mul3A_535 = vector.broadcast %mul3A_534 : f32 to vector<768x768xf32>
    %mul3A_536 = arith.mulf %mul3A_535, %dot_general3A_533 : vector<768x768xf32>
    %mul3A_537 = arith.constant 0.707106769 : f32
    %mul3A_538 = vector.broadcast %mul3A_537 : f32 to vector<768x768xf32>
    %mul3A_539 = arith.mulf %dot_general3A_533, %mul3A_538 : vector<768x768xf32>
    %erf3A_540 = math.erf %mul3A_539 : vector<768x768xf32>
    %add3A_541 = arith.constant 1.000000e+00 : f32
    %add3A_542 = vector.broadcast %add3A_541 : f32 to vector<768x768xf32>
    %add3A_543 = arith.addf %add3A_542, %erf3A_540 : vector<768x768xf32>
    %mul3A_544 = arith.mulf %mul3A_536, %add3A_543 : vector<768x768xf32>
    %convert_element_type3A_545 = arith.truncf %mul3A_544 : vector<768x768xf32> to vector<768x768xbf16>
    %convert_element_type3A_546 = arith.truncf %get3A_70 : vector<768x768xf32> to vector<768x768xbf16>
    %dot_general3A_547 = arith.constant dense<0.000000e+00> : vector<768x768xf32>
    %dot_general3A_548 = tpu.matmul %convert_element_type3A_545, %convert_element_type3A_546, %dot_general3A_547 {dimension_numbers = #tpu.dot_dimension_numbers<[1], [1], [0], [0], [0, 0, 1, 0], [], []>, transpose_lhs_hint = false} : vector<768x768xbf16>, vector<768x768xbf16>, vector<768x768xf32> -> vector<768x768xf32>
    %add3A_549 = arith.addf %add3A_514, %dot_general3A_548 : vector<768x768xf32>
    %slice3A_550 = vector.extract_strided_slice %add3A_549 {offsets = [0, 0], sizes = [256, 768], strides = [1, 1]} : vector<768x768xf32> to vector<256x768xf32>
    %slice3A_551 = vector.extract_strided_slice %add3A_549 {offsets = [256, 0], sizes = [256, 768], strides = [1, 1]} : vector<768x768xf32> to vector<256x768xf32>
    %slice3A_552 = vector.extract_strided_slice %add3A_549 {offsets = [512, 0], sizes = [256, 768], strides = [1, 1]} : vector<768x768xf32> to vector<256x768xf32>
    %get3A_553 = arith.constant 0 : index
    %get3A_554 = arith.constant 0 : index
    %get3A_555 = vector.load %arg5[%get3A_553, %get3A_554] : memref<256x1xf32, #tpu.memory_space<vmem>>, vector<256x1xf32>
    %mul3A_556 = vector.broadcast %get3A_555 : vector<256x1xf32> to vector<256x768xf32>
    %mul3A_557 = arith.mulf %mul3A_556, %slice3A_551 : vector<256x768xf32>
    %get3A_558 = arith.constant 0 : index
    %get3A_559 = arith.constant 0 : index
    %get3A_560 = vector.load %arg6[%get3A_558, %get3A_559] : memref<256x1xf32, #tpu.memory_space<vmem>>, vector<256x1xf32>
    %mul3A_561 = vector.broadcast %get3A_560 : vector<256x1xf32> to vector<256x768xf32>
    %mul3A_562 = arith.mulf %mul3A_561, %slice3A_552 : vector<256x768xf32>
    %add3A_563 = arith.addf %mul3A_557, %mul3A_562 : vector<256x768xf32>
    %get3A_564 = arith.constant 0 : index
    %get3A_565 = arith.constant 0 : index
    %get3A_566 = vector.load %arg17[%get3A_564, %get3A_565] : memref<1x768xf32, #tpu.memory_space<vmem>>, vector<1x768xf32>
    %mul3A_567 = vector.broadcast %get3A_566 : vector<1x768xf32> to vector<256x768xf32>
    %mul3A_568 = arith.mulf %slice3A_550, %mul3A_567 : vector<256x768xf32>
    %reduce_sum3A_569 = arith.constant dense<0.000000e+00> : vector<256xf32>
    %reduce_sum3A_570 = vector.multi_reduction <add>, %mul3A_568, %reduce_sum3A_569 [1] : vector<256x768xf32> to vector<256xf32>
    %broadcast_in_dim3A_571 = vector.shape_cast %reduce_sum3A_570 : vector<256xf32> to vector<256x1xf32>
    %get3A_572 = arith.constant 0 : index
    %get3A_573 = arith.constant 0 : index
    %get3A_574 = vector.load %arg18[%get3A_572, %get3A_573] : memref<1x1xf32, #tpu.memory_space<vmem>>, vector<1x1xf32>
    %add3A_575 = vector.broadcast %get3A_574 : vector<1x1xf32> to vector<256x1xf32>
    %add3A_576 = arith.addf %broadcast_in_dim3A_571, %add3A_575 : vector<256x1xf32>
    %logistic3A = arith.negf %add3A_576 : vector<256x1xf32>
    %logistic3A_577 = math.exp %logistic3A : vector<256x1xf32>
    %logistic3A_578 = arith.constant 1.000000e+00 : f32
    %logistic3A_579 = vector.broadcast %logistic3A_578 : f32 to vector<256x1xf32>
    %logistic3A_580 = arith.addf %logistic3A_579, %logistic3A_577 : vector<256x1xf32>
    %logistic3A_581 = arith.divf %logistic3A_579, %logistic3A_580 : vector<256x1xf32>
    %mul3A_582 = vector.broadcast %logistic3A_581 : vector<256x1xf32> to vector<256x768xf32>
    %mul3A_583 = arith.mulf %mul3A_582, %slice3A_550 : vector<256x768xf32>
    %sub3A_584 = arith.constant 1.000000e+00 : f32
    %sub3A_585 = vector.broadcast %sub3A_584 : f32 to vector<256x1xf32>
    %sub3A_586 = arith.subf %sub3A_585, %logistic3A_581 : vector<256x1xf32>
    %mul3A_587 = vector.broadcast %sub3A_586 : vector<256x1xf32> to vector<256x768xf32>
    %mul3A_588 = arith.mulf %mul3A_587, %add3A_563 : vector<256x768xf32>
    %add3A_589 = arith.addf %mul3A_583, %mul3A_588 : vector<256x768xf32>
    %get3A_590 = arith.constant 0 : index
    %get3A_591 = arith.constant 0 : index
    %get3A_592 = vector.load %arg7[%get3A_590, %get3A_591] : memref<256x768xf32, #tpu.memory_space<vmem>>, vector<256x768xf32>
    %get3A_593 = arith.constant 0 : index
    %get3A_594 = arith.constant 0 : index
    %get3A_595 = vector.load %arg19[%get3A_593, %get3A_594] : memref<768x768xf32, #tpu.memory_space<vmem>>, vector<768x768xf32>
    %convert_element_type3A_596 = arith.truncf %add3A_589 : vector<256x768xf32> to vector<256x768xbf16>
    %convert_element_type3A_597 = arith.truncf %get3A_595 : vector<768x768xf32> to vector<768x768xbf16>
    %dot_general3A_598 = arith.constant dense<0.000000e+00> : vector<256x768xf32>
    %dot_general3A_599 = tpu.matmul %convert_element_type3A_596, %convert_element_type3A_597, %dot_general3A_598 {dimension_numbers = #tpu.dot_dimension_numbers<[1], [1], [0], [0], [0, 0, 1, 0], [], []>, transpose_lhs_hint = false} : vector<256x768xbf16>, vector<768x768xbf16>, vector<256x768xf32> -> vector<256x768xf32>
    %add3A_600 = arith.addf %get3A_592, %dot_general3A_599 : vector<256x768xf32>
    %swap3A = arith.constant 0 : index
    %swap3A_601 = arith.constant 0 : index
    %swap3A_602 = vector.load %arg20[%swap3A, %swap3A_601] : memref<256x768xf32, #tpu.memory_space<vmem>>, vector<256x768xf32>
    tpu.vector_store %arg20[%swap3A, %swap3A_601], %add3A_600 {strides = array<i32>} : memref<256x768xf32, #tpu.memory_space<vmem>>, vector<256x768xf32>,
    return
  }
  func.func @transform_0(%arg0: i32) -> (i32, i32) {
    %c0_i32 = arith.constant 0 : i32
    %c0_i32_0 = arith.constant 0 : i32
    return %arg0, %c0_i32 : i32, i32
  }
  func.func @transform_1(%arg0: i32) -> (i32, i32) {
    %c0_i32 = arith.constant 0 : i32
    %c0_i32_0 = arith.constant 0 : i32
    return %arg0, %c0_i32 : i32, i32
  }
  func.func @transform_2(%arg0: i32) -> (i32, i32) {
    %c0_i32 = arith.constant 0 : i32
    %c0_i32_0 = arith.constant 0 : i32
    return %arg0, %c0_i32 : i32, i32
  }
  func.func @transform_3(%arg0: i32) -> (i32, i32) {
    %c0_i32 = arith.constant 0 : i32
    %c0_i32_0 = arith.constant 0 : i32
    return %arg0, %c0_i32 : i32, i32
  }
  func.func @transform_4(%arg0: i32) -> (i32, i32) {
    %c0_i32 = arith.constant 0 : i32
    %c0_i32_0 = arith.constant 0 : i32
    return %arg0, %c0_i32 : i32, i32
  }
  func.func @transform_5(%arg0: i32) -> (i32, i32) {
    %c0_i32 = arith.constant 0 : i32
    %c0_i32_0 = arith.constant 0 : i32
    return %arg0, %c0_i32 : i32, i32
  }
  func.func @transform_6(%arg0: i32) -> (i32, i32) {
    %c0_i32 = arith.constant 0 : i32
    %c0_i32_0 = arith.constant 0 : i32
    return %arg0, %c0_i32 : i32, i32
  }
  func.func @transform_7(%arg0: i32) -> (i32, i32) {
    %c0_i32 = arith.constant 0 : i32
    %c0_i32_0 = arith.constant 0 : i32
    %c0_i32_1 = arith.constant 0 : i32
    return %c0_i32, %c0_i32_0 : i32, i32
  }
  func.func @transform_8(%arg0: i32) -> (i32, i32) {
    %c0_i32 = arith.constant 0 : i32
    %c0_i32_0 = arith.constant 0 : i32
    %c0_i32_1 = arith.constant 0 : i32
    return %c0_i32, %c0_i32_0 : i32, i32
  }
  func.func @transform_9(%arg0: i32) -> (i32, i32) {
    %c0_i32 = arith.constant 0 : i32
    %c0_i32_0 = arith.constant 0 : i32
    %c0_i32_1 = arith.constant 0 : i32
    return %c0_i32, %c0_i32_0 : i32, i32
  }
  func.func @transform_10(%arg0: i32) -> (i32, i32) {
    %c0_i32 = arith.constant 0 : i32
    %c0_i32_0 = arith.constant 0 : i32
    %c0_i32_1 = arith.constant 0 : i32
    return %c0_i32, %c0_i32_0 : i32, i32
  }
  func.func @transform_11(%arg0: i32) -> (i32, i32) {
    %c0_i32 = arith.constant 0 : i32
    %c0_i32_0 = arith.constant 0 : i32
    %c0_i32_1 = arith.constant 0 : i32
    return %c0_i32, %c0_i32_0 : i32, i32
  }
  func.func @transform_12(%arg0: i32) -> (i32, i32) {
    %c0_i32 = arith.constant 0 : i32
    %c0_i32_0 = arith.constant 0 : i32
    %c0_i32_1 = arith.constant 0 : i32
    return %c0_i32, %c0_i32_0 : i32, i32
  }
  func.func @transform_13(%arg0: i32) -> (i32, i32) {
    %c0_i32 = arith.constant 0 : i32
    %c0_i32_0 = arith.constant 0 : i32
    %c0_i32_1 = arith.constant 0 : i32
    return %c0_i32, %c0_i32_0 : i32, i32
  }
  func.func @transform_14(%arg0: i32) -> (i32, i32) {
    %c0_i32 = arith.constant 0 : i32
    %c0_i32_0 = arith.constant 0 : i32
    %c0_i32_1 = arith.constant 0 : i32
    return %c0_i32, %c0_i32_0 : i32, i32
  }
  func.func @transform_15(%arg0: i32) -> (i32, i32) {
    %c0_i32 = arith.constant 0 : i32
    %c0_i32_0 = arith.constant 0 : i32
    %c0_i32_1 = arith.constant 0 : i32
    return %c0_i32, %c0_i32_0 : i32, i32
  }
  func.func @transform_16(%arg0: i32) -> (i32, i32) {
    %c0_i32 = arith.constant 0 : i32
    %c0_i32_0 = arith.constant 0 : i32
    %c0_i32_1 = arith.constant 0 : i32
    return %c0_i32, %c0_i32_0 : i32, i32
  }
  func.func @transform_17(%arg0: i32) -> (i32, i32) {
    %c0_i32 = arith.constant 0 : i32
    %c0_i32_0 = arith.constant 0 : i32
    %c0_i32_1 = arith.constant 0 : i32
    return %c0_i32, %c0_i32_0 : i32, i32
  }
  func.func @transform_18(%arg0: i32) -> (i32, i32) {
    %c0_i32 = arith.constant 0 : i32
    %c0_i32_0 = arith.constant 0 : i32
    %c0_i32_1 = arith.constant 0 : i32
    return %c0_i32, %c0_i32_0 : i32, i32
  }
  func.func @transform_19(%arg0: i32) -> (i32, i32) {
    %c0_i32 = arith.constant 0 : i32
    %c0_i32_0 = arith.constant 0 : i32
    return %arg0, %c0_i32 : i32, i32
  }
}

</mosaic_0001>

<sc_bundles>
// kernel: kernel.11.cloned.1.call-start
scs
__scs_entry_jumppad:
0x0: {  	(pc) =	sbr.rel $0x88, $3  }
0x1: {  	(tag) =	ssettag $0x0;
	lr =	simm.s32 $0x1  }
0x2: {  	[smem:$0x3F8C] =	sst lr;
	_ =	strace $0xD0000000  }
0x3: {  	_ = 	snop  }
0x4: {  	_ = 	snop  }
0x5: {  	_ = 	snop  }
0x6: {  	_ = 	snop  }
0x7: {  	_ = 	snop  }
__scs_overlays_trampoline_lowered:
0x8: {  	[smem:$0x3F9B] =	sst s0  }
0x9: {  	[smem:$0x3F9C] =	sst s1  }
0xa: {  	[smem:$0x3F9D] =	sst s2  }
0xb: {  	[smem:$0x3F9E] =	sst s3  }
0xc: {  	[smem:$0x3F9F] =	sst s4  }
0xd: {  	[smem:$0x3FA0] =	sst s5  }
0xe: {  	[smem:$0x3FA1] =	sst s6  }
0xf: {  	[smem:$0x3FA2] =	sst s7  }
0x10: {  	[smem:$0x3FA3] =	sst s8  }
0x11: {  	[smem:$0x3FA4] =	sst s9;
	s0 =	simm.s32 @!p0 $0x0  }
0x12: {  	s1 =	sld [smem:$0x3F8A];
	s0 =	simm.s32 @p0 $0x1  }
0x13: {  	[smem:$0x3FA5] =	sst s0;
	s0 =	simm.s32 @!p1 $0x0  }
0x14: {  	s2 =	sld [smem:$0x3F89];
	s0 =	simm.s32 @p1 $0x1  }
0x15: {  	[smem:$0x3FA6] =	sst s0;
	s0 =	simm.s32 @!p2 $0x0  }
0x16: {  	s3 =	sld [smem:$0x3FDB];
	s0 =	simm.s32 @p2 $0x1  }
0x17: {  	s4 =	simm.s32 $0x1BF5;
	[smem:$0x3FA8] =	sst s0  }
0x18: {  	s0 =	sld [smem:$0x3F8B];
	_ =	swait.ge [sflag:s4], $0x0  }
0x19: {  	s7 =	sld [smem:$0x3F8C]  }
0x1a: {  	s8 =	sadd.s32 $0xFFFFE003, lr  }
0x1b: {  	s9 =	sadd.s32 $0xFFFFFEF7, lr;
	s5 =	simm.s32 $0xFFFFFFFF;
	p2 =	slt.u32 s8, $0xFFFFF086  }
0x1c: {  	p1 =	slt.u32 s9, $0xF7A;
	s5 =	simm.s32 @!p2 $0x0  }
0x1d: {  	s5 =	simm.s32 @p1 $0x1;
	p0 =	seq.s32 s7, s2  }
0x1e: {  	s7 =	smul.u32 @!p0 $0xF7A, s2;
	p2 =	seq.s32 @!p0 s5, $0x0  }
0x1f: {  	s9 =	smul.u32 $0xF7A, s1;
	s8 =	simm.s32 @!p0 $0x1BF5;
	p2 =	por !p2, p0  }
0x20: {  	[sflag:s8] =	ssyncset.s32 @!p0 $0xFFFFF086;
	s6 =	sadd.s32 @!p0 s3, s7;
	s7 =	simm.s32 @!p0 $0x108  }
0x21: {  	s3 =	sadd.s32 s3, s9;
	s6 =	sadd.s32 @!p0 $0x88, s6;
	s7 =	simm.s32 @p2 $0x1082  }
0x22: {  	[simem:s7], [sflag:s8] =	dma.local @!p0 [hbm:s6], $0xF7A  }
0x23: {  	s9 =	sor.u32 $0xD0000000, s2;
	s6 =	simm.s32 $0x108;
	_ =	swait.ge @!p0 [sflag:s8], $0x0  }
0x24: {  	s3 =	sadd.s32 $0x88, s3;
	s6 =	simm.s32 @!p1 $0x1082;
	[sflag:s4] =	ssyncset.s32 $0xFFFFF086  }
0x25: {  	[simem:s6], [sflag:s4] =	dma.local [hbm:s3], $0xF7A  }
0x26: {  	[smem:$0x3F8C] =	sst s1;
	(tag) =	ssettag s2;
	_ =	strace s9  }
0x27: {  	s1 =	sld [smem:$0x3F9C]  }
0x28: {  	s2 =	sld [smem:$0x3F9D]  }
0x29: {  	s4 =	sld [smem:$0x3F9F]  }
0x2a: {  	p0 =	seq.s32 s5, $0x0;
	s5 =	sld [smem:$0x3FA0]  }
0x2b: {  	s6 =	sld [smem:$0x3FA1]  }
0x2c: {  	s7 =	sld [smem:$0x3FA2]  }
0x2d: {  	s3 =	simm.s32 $0x108;
	s8 =	sld [smem:$0x3FA3]  }
0x2e: {  	s3 =	simm.s32 @!p0 $0x1082;
	s9 =	sld [smem:$0x3FA4]  }
0x2f: {  	lr =	sadd.s32 s0, s3;
	s0 =	sld [smem:$0x3F9B]  }
0x30: {  	s3 =	sld [smem:$0x3F9E]  }
0x31: {  	[smem:$0x3FA7] =	sst s10  }
0x32: {  	s10 =	sld [smem:$0x3FA5];
	_ =	sdelay $0x3  }
0x33: {  	p0 =	seq.s32 s10, $0x1;
	s10 =	sld [smem:$0x3FA7];
	_ =	sdelay $0x3  }
0x34: {  	[smem:$0x3FA7] =	sst s10  }
0x35: {  	s10 =	sld [smem:$0x3FA6];
	_ =	sdelay $0x3  }
0x36: {  	p1 =	seq.s32 s10, $0x1;
	s10 =	sld [smem:$0x3FA7];
	_ =	sdelay $0x3  }
0x37: {  	[smem:$0x3FA7] =	sst s10  }
0x38: {  	s10 =	sld [smem:$0x3FA8]  }
0x39: {  	_ = 	snop;
	(pc) =	sbr.ind lr, $3  }
0x3a: {  	_ = 	snop  }
0x3b: {  	_ = 	snop  }
0x3c: {  	p2 =	seq.s32 s10, $0x1;
	s10 =	sld [smem:$0x3FA7]  }
0x3d: {  	_ =	shalt  }
0x3e: {  	_ =	shalt  }
0x3f: {  	_ =	shalt  }
0x40: {  	_ =	shalt  }
0x41: {  	_ =	shalt  }
0x42: {  	_ =	shalt  }
0x43: {  	_ =	shalt  }
0x44: {  	_ =	shalt  }
0x45: {  	_ =	shalt  }
0x46: {  	_ =	shalt  }
0x47: {  	_ =	shalt  }
0x48: {  	_ =	shalt  }
0x49: {  	_ =	shalt  }
0x4a: {  	_ =	shalt  }
0x4b: {  	_ =	shalt  }
0x4c: {  	_ =	shalt  }
0x4d: {  	_ =	shalt  }
0x4e: {  	_ =	shalt  }
0x4f: {  	_ =	shalt  }
0x50: {  	_ =	shalt  }
0x51: {  	_ =	shalt  }
0x52: {  	_ =	shalt  }
0x53: {  	_ =	shalt  }
0x54: {  	_ =	shalt  }
0x55: {  	_ =	shalt  }
0x56: {  	_ =	shalt  }
0x57: {  	_ =	shalt  }
0x58: {  	_ =	shalt  }
0x59: {  	_ =	shalt  }
0x5a: {  	_ =	shalt  }
0x5b: {  	_ =	shalt  }
0x5c: {  	_ =	shalt  }
0x5d: {  	_ =	shalt  }
0x5e: {  	_ =	shalt  }
0x5f: {  	_ =	shalt  }
0x60: {  	_ =	shalt  }
0x61: {  	_ =	shalt  }
0x62: {  	_ =	shalt  }
0x63: {  	_ =	shalt  }
0x64: {  	_ =	shalt  }
0x65: {  	_ =	shalt  }
0x66: {  	_ =	shalt  }
0x67: {  	_ =	shalt  }
0x68: {  	_ =	shalt  }
0x69: {  	_ =	shalt  }
0x6a: {  	_ =	shalt  }
0x6b: {  	_ =	shalt  }
0x6c: {  	_ =	shalt  }
0x6d: {  	_ =	shalt  }
0x6e: {  	_ =	shalt  }
0x6f: {  	_ =	shalt  }
0x70: {  	_ =	shalt  }
0x71: {  	_ =	shalt  }
0x72: {  	_ =	shalt  }
0x73: {  	_ =	shalt  }
0x74: {  	_ =	shalt  }
0x75: {  	_ =	shalt  }
0x76: {  	_ =	shalt  }
0x77: {  	_ =	shalt  }
0x78: {  	_ =	shalt  }
0x79: {  	_ =	shalt  }
0x7a: {  	_ =	shalt  }
0x7b: {  	_ =	shalt  }
0x7c: {  	_ =	shalt  }
0x7d: {  	_ =	shalt  }
0x7e: {  	_ =	shalt  }
0x7f: {  	_ =	shalt  }
0x80: {  	_ =	shalt  }
0x81: {  	_ =	shalt  }
0x82: {  	_ =	shalt  }
0x83: {  	_ =	shalt  }
0x84: {  	_ =	shalt  }
0x85: {  	_ =	shalt  }
0x86: {  	_ =	shalt  }
0x87: {  	_ =	shalt  }
.Lfunc_end0:
.L_simem_size_0:
called_computation_lowered:
.L_overlay_start_0:
0x88: {  	s2 =	sld [smem:$0x3FD9]  }
0x89: {  	s3 =	sld [smem:$0x3FFE];
	_ =	sdelay $0x1  }
0x8a: {  	s1 =	srdreg.scid  }
0x8b: {  	s0 =	sand.u32 $0x1, s1  }
0x8c: {  	s17 =	sshll.u32 s0, $0xA;
	s2 =	sadd.s32 s3, s2  }
0x8d: {  	s2 =	sadd.s32 s2, s17  }
0x8e: {  	[smem:$0x3FB3] =	sst s2  }
0x8f: {  	_ = 	snop  }
0x90: {  	s2 =	sld [smem:$0x3FD0];
	(tm) =	ssettm $0x1  }
0x91: {  	s18 =	sld [smem:$0x3FFB];
	_ =	sdelay $0x3  }
0x92: {  	_ =	strace s18  }
0x93: {  	s3 =	sld [smem:$0x3FFC];
	_ =	sdelay $0x3  }
0x94: {  	_ =	strace s3  }
0x95: {  	s3 =	sld [smem:$0x3FFD];
	_ =	sdelay $0x3  }
0x96: {  	_ =	strace s3  }
0x97: {  	_ =	strace $0x8FFFFFFF  }
0x98: {  	s19 =	sld [smem:$0x3FDB];
	_ =	sdelay $0x1  }
0x99: {  	s4 =	simm.s32 $_scs_section_size  }
0x9a: {  	s5 =	simm.s32 $_size__tile_overlayer_lowered;
	s6 =	simm.s32 $_tile_overlayer_lowered  }
0x9b: {  	s22 =	simm.s32 $0x1BFF;
	s21 =	sshll.u32 s6, $0x1;
	s3 =	sadd.s32 s4, s19  }
0x9c: {  	s7 =	simm.s32 $0x0;
	s20 =	sshll.u32 s5, $0x1;
	s5 =	sadd.s32 s21, s3  }
0x9d: {  	[timem:s7], [sflag:s22] =	dma.local [hbm:s5], s20  }
0x9e: {  	_ =	swait.ge [sflag:s22], s20  }
0x9f: {  	s4 =	ssub.s32 $0x0, s20;
	[sflag:s22] =	ssyncset.done $0x0  }
0xa0: {  	[sflag:s22] =	ssyncadd.s32 s4;
	_ =	sdelay $0x1  }
0xa1: {  	s23 =	simm.s32 $0x1B8B  }
0xa2: {  	_ =	swait.ge [sflag:s23], $0x1  }
0xa3: {  	[sflag:s23] =	ssyncset.done $0x0  }
0xa4: {  	s25 =	simm.s32 $0x1B8E;
	s24 =	sld [smem:$0x3FFE];
	[sflag:s23] =	ssyncadd.s32 $0xFFFFFFFF  }
0xa5: {  	s26 =	simm.s32 $execute0_lowered;
	[smem:$0x3FD2] =	sst s25  }
0xa6: {  	s5 =	sshll.u32 s26, $0x1;
	_ =	strace $0x80000046;
	[dreg:$0x1] =	wrdreg $0xFFFFFFFF  }
0xa7: {  	s28 =	simm.s32 $_size_execute0_lowered;
	s3 =	sadd.s32 s3, s5;
	[dreg:$0x0] =	wrdreg $0x0  }
0xa8: {  	s5 =	sshll.u32 s28, $0x1;
	[dreg:$0x2] =	wrdreg s3  }
0xa9: {  	[dreg:$0x3] =	wrdreg s5  }
0xaa: {  	[dreg:$0x4] =	wrdreg $0xC0  }
0xab: {  	_ =	task [dreg:s7], $0x5FFFF  }
0xac: {  	[dreg:$0x1] =	wrdreg $0xFFFFFFFF  }
0xad: {  	[dreg:$0x0] =	wrdreg $0x60  }
0xae: {  	[dreg:$0x2] =	wrdreg s2  }
0xaf: {  	[dreg:$0x3] =	wrdreg s24  }
0xb0: {  	[dreg:$0x4] =	wrdreg $0x9  }
0xb1: {  	_ =	task.clear_ibuf [dreg:s7], $0x5FFFF;
	_ =	strace $0x90000046  }
0xb2: {  	s29 =	simm.s32 $0x9;
	_ =	strace $0x80000048  }
0xb3: {  	_ =	swait.ge [sflag:s29], $0x1  }
0xb4: {  	[sflag:s29] =	ssyncadd.s32 $0xFFFFFFFF  }
0xb5: {  	_ =	strace $0x90000048  }
0xb6: {  	_ =	sfence  }
0xb7: {  	s30 =	sld [smem:$0x0];
	_ =	sdelay $0x2  }
0xb8: {  	s31 =	sshll.u32 s1, $0xD;
	s1 =	sshrl.u32 s1, $0x2  }
0xb9: {  	s3 =	sand.u32 $0x4000, s31;
	s1 =	sadd.s32 s1, s30  }
0xba: {  	s0 =	sor.u32 s3, s0;
	s1 =	sshll.u32 s1, $0x11  }
0xbb: {  	s0 =	sor.u32 s1, s0  }
0xbc: {  	s0 =	sadd.s32 $0x8F2B, s0  }
0xbd: {  	[sflag:s0] =	ssyncadd.remote.s32 $0x1  }
0xbe: {  	_ =	sfence.sel $0xFFFF  }
0xbf: {  	[dreg:$0x0] =	wrdreg $0xFFFFFFFF;
	(pc) =	sbr.abs _section_cstart, $3  }
0xc0: {  	[dreg:$0x1] =	wrdreg $0xFFFFFFFF  }
0xc1: {  	_ =	task.clear_ibuf [dreg:s7], $0x2FFFF;
	_ =	strace $0x9FFFFFFF  }
0xc2: {  	(tm) =	ssettm $0x7FFFFFFF  }
0xc3: {  	_ =	shalt  }
tec
execute0_lowered:
.L_overlay_start_1:
0x0: {  	(tag) =	ssettag $0x1  }
0x1: {  	s0 =	srdreg.scid;
	s1 =	rddreg [dreg:$0x0]  }
0x2: {  	s2 =	stileid.u32;
	s5 =	rddreg [dreg:$0x1]  }
0x3: {  	s26 =	simm.s32 $0x80;
	s7 =	simm.s32 $0x100;
	s8 =	simm.s32 $0x2  }
0x4: {  	s11 =	simm.s32 $0x1900;
	s12 =	simm.s32 $0x2100;
	s13 =	simm.s32 $0x2900  }
0x5: {  	s14 =	simm.s32 $0x3100;
	s15 =	simm.s32 $0x3900;
	s16 =	simm.s32 $0x4100  }
0x6: {  	s17 =	simm.s32 $0x4900;
	s18 =	simm.s32 $0x5100;
	s19 =	simm.s32 $0x5900  }
0x7: {  	s20 =	simm.s32 $0x6100;
	s21 =	simm.s32 $0x6900;
	s22 =	simm.s32 $0x7100  }
0x8: {  	s28 =	simm.s32 $0x9900;
	s29 =	simm.s32 $0xA100;
	s30 =	simm.s32 $0xA900  }
0x9: {  	s0 =	sand.u32 $0x1, s0;
	s3 =	sshll.u32 s2, $0x4;
	s2 =	simm.s32 $0x0  }
0xa: {  	s31 =	simm.s32 $0xB100;
	s4 =	sshll.u32 s0, $0x3;
	[smem:$0x7FF] =	sst s2  }
0xb: {  	s0 =	ssub.s32 $0x2, s0;
	s3 =	sor.u32 s4, s3;
	_ =	strace $0x80000047  }
0xc: {  	s24 =	sshrl.u32 s0, $0x1;
	[dreg:$0x6] =	wrdreg s26;
	s26 =	simm.s32 $0x9100  }
0xd: {  	s4 =	smul.u32 $0x300, s3;
	s6 =	sadd.s32 s3, s5;
	s3 =	sadd.s32 $0x53A00, s5  }
0xe: {  	s0 =	ssub.s32 s0, s24;
	s24 =	simm.s32 $0x8100;
	s23 =	sadd.s32 $0x53600, s6  }
0xf: {  	s25 =	sadd.s32 $0x53800, s6;
	s6 =	smax.u32 s0, $0x1;
	[dreg:$0x4] =	wrdreg s23  }
0x10: {  	v2 =	vlaneseq.u32;
	s0 =	simm.s32 $0x1;
	s1 =	sadd.s32 s1, s4;
	[dreg:$0x5] =	wrdreg s25  }
0x11: {  	vm0 =	vmmov $0xffff;
	v1 =	vshrl.u32 v2, $0x3;
	s4 =	sadd.s32 $0x53B00, s5;
	s5 =	sadd.s32 $0x53C00, s5;
	s23 =	simm.s32 $0x7900  }
0x12: {  	v0 =	vand.u32 $0x7, v2;
	v2 =	vor.u32 $0x8, v2;
	v1 =	vmul.u32 $0x8, v1;
	s25 =	simm.s32 $0x8900;
	[dreg:$0x3] =	wrdreg s1;
	s1 =	simm.s32 $0xB900  }
.LBB2_1:
0x13: {  	s9 =	rddreg [dreg:$0x3]  }
0x14: {  	[tilespmem:s7], [sflag:$0x2] =	stream.linear.gather [hbm4b:s9+s2], $0xC000, $0x38;
	[tilespmem:$0xC100] =	vst v63  }
0x15: {  	_ =	swait.ge [sflag:s8], $0xC000  }
0x16: {  	[sflag:s8] =	ssyncset.done $0x0  }
0x17: {  	s10 =	rddreg [dreg:$0x4];
	[sflag:s8] =	ssyncadd.s32 $0xFFFF4000  }
0x18: {  	[tilespmem:s2], [sflag:$0x2] =	stream.linear.gather [hbm4b:s10+s2], $0x40, $0x38;
	[tilespmem:$0xC100] =	vst v63  }
0x19: {  	_ =	swait.ge [sflag:s8], $0x40  }
0x1a: {  	s9 =	rddreg [dreg:$0x5];
	[sflag:s8] =	ssyncset.done $0x0  }
0x1b: {  	s10 =	rddreg [dreg:$0x6];
	[sflag:s8] =	ssyncadd.s32 $0xFFFFFFC0  }
0x1c: {  	[tilespmem:s10], [sflag:$0x2] =	stream.linear.gather [hbm4b:s9+s2], $0x40, $0x38;
	[tilespmem:$0xC100] =	vst v63  }
0x1d: {  	_ =	swait.ge [sflag:s8], $0x40  }
0x1e: {  	[sflag:s8] =	ssyncset.done $0x0  }
0x1f: {  	[sflag:s8] =	ssyncadd.s32 $0xFFFFFFC0  }
0x20: {  	v3 =	vld [tilespmem:$0x0];
	_ =	sdelay $0x4  }
0x21: {  	v4 =	vshrl.u32 v3, $0x3  }
0x22: {  	v4 =	vmul.u32 $0x30, v4  }
0x23: {  	v3 =	vand.u32 $0x7, v3  }
0x24: {  	v3 =	vor.u32 v3, v4  }
0x25: {  	v4 =	vperm.xlane v3, v0;
	_ =	sdelay $0x1  }
0x26: {  	v4 =	vadd.s32 v1, v4;
	_ =	sdelay $0x3  }
0x27: {  	v3 =	vperm.xlane v3, v2  }
0x28: {  	[hbm4b:s3+s2] =	stream.indirect_vreg.scatter [tilespmem:s7], [sflag:$0x1], $0x80, v4, vm0, $0xb8;
	[tilespmem:$0xC100] =	vst v63  }
0x29: {  	s9 =	simm.s32 $0x900;
	v3 =	vadd.s32 v1, v3  }
0x2a: {  	[hbm4b:s4+s2] =	stream.indirect_vreg.scatter [tilespmem:s9], [sflag:$0x1], $0x80, v4, vm0, $0xb8;
	[tilespmem:$0xC100] =	vst v63  }
0x2b: {  	s10 =	simm.s32 $0x1100  }
0x2c: {  	[hbm4b:s5+s2] =	stream.indirect_vreg.scatter [tilespmem:s10], [sflag:$0x1], $0x80, v4, vm0, $0xb8;
	[tilespmem:$0xC100] =	vst v63  }
0x2d: {  	_ = 	snop  }
0x2e: {  	[hbm4b:s3+s2] =	stream.indirect_vreg.scatter [tilespmem:s11], [sflag:$0x1], $0x80, v3, vm0, $0xb8;
	[tilespmem:$0xC100] =	vst v63  }
0x2f: {  	_ = 	snop  }
0x30: {  	[hbm4b:s4+s2] =	stream.indirect_vreg.scatter [tilespmem:s12], [sflag:$0x1], $0x80, v3, vm0, $0xb8;
	[tilespmem:$0xC100] =	vst v63  }
0x31: {  	_ = 	snop  }
0x32: {  	[hbm4b:s5+s2] =	stream.indirect_vreg.scatter [tilespmem:s13], [sflag:$0x1], $0x80, v3, vm0, $0xb8;
	[tilespmem:$0xC100] =	vst v63  }
0x33: {  	v3 =	vld [tilespmem:$0x10];
	_ =	sdelay $0x4  }
0x34: {  	v57 =	vshrl.u32 v3, $0x3  }
0x35: {  	v4 =	vmul.u32 $0x30, v57  }
0x36: {  	v3 =	vand.u32 $0x7, v3  }
0x37: {  	v3 =	vor.u32 v3, v4  }
0x38: {  	v4 =	vperm.xlane v3, v0;
	_ =	sdelay $0x1  }
0x39: {  	v4 =	vadd.s32 v1, v4;
	_ =	sdelay $0x3  }
0x3a: {  	v3 =	vperm.xlane v3, v2  }
0x3b: {  	[hbm4b:s3+s2] =	stream.indirect_vreg.scatter [tilespmem:s14], [sflag:$0x1], $0x80, v4, vm0, $0xb8;
	[tilespmem:$0xC100] =	vst v63  }
0x3c: {  	v3 =	vadd.s32 v1, v3  }
0x3d: {  	[hbm4b:s4+s2] =	stream.indirect_vreg.scatter [tilespmem:s15], [sflag:$0x1], $0x80, v4, vm0, $0xb8;
	[tilespmem:$0xC100] =	vst v63  }
0x3e: {  	_ = 	snop  }
0x3f: {  	[hbm4b:s5+s2] =	stream.indirect_vreg.scatter [tilespmem:s16], [sflag:$0x1], $0x80, v4, vm0, $0xb8;
	[tilespmem:$0xC100] =	vst v63  }
0x40: {  	_ = 	snop  }
0x41: {  	[hbm4b:s3+s2] =	stream.indirect_vreg.scatter [tilespmem:s17], [sflag:$0x1], $0x80, v3, vm0, $0xb8;
	[tilespmem:$0xC100] =	vst v63  }
0x42: {  	_ = 	snop  }
0x43: {  	[hbm4b:s4+s2] =	stream.indirect_vreg.scatter [tilespmem:s18], [sflag:$0x1], $0x80, v3, vm0, $0xb8;
	[tilespmem:$0xC100] =	vst v63  }
0x44: {  	_ = 	snop  }
0x45: {  	[hbm4b:s5+s2] =	stream.indirect_vreg.scatter [tilespmem:s19], [sflag:$0x1], $0x80, v3, vm0, $0xb8;
	[tilespmem:$0xC100] =	vst v63  }
0x46: {  	v3 =	vld [tilespmem:$0x20];
	_ =	sdelay $0x4  }
0x47: {  	v58 =	vshrl.u32 v3, $0x3  }
0x48: {  	v4 =	vmul.u32 $0x30, v58  }
0x49: {  	v3 =	vand.u32 $0x7, v3  }
0x4a: {  	v3 =	vor.u32 v3, v4  }
0x4b: {  	v4 =	vperm.xlane v3, v0;
	_ =	sdelay $0x1  }
0x4c: {  	v4 =	vadd.s32 v1, v4;
	_ =	sdelay $0x3  }
0x4d: {  	v3 =	vperm.xlane v3, v2  }
0x4e: {  	[hbm4b:s3+s2] =	stream.indirect_vreg.scatter [tilespmem:s20], [sflag:$0x1], $0x80, v4, vm0, $0xb8;
	[tilespmem:$0xC100] =	vst v63  }
0x4f: {  	v3 =	vadd.s32 v1, v3  }
0x50: {  	[hbm4b:s4+s2] =	stream.indirect_vreg.scatter [tilespmem:s21], [sflag:$0x1], $0x80, v4, vm0, $0xb8;
	[tilespmem:$0xC100] =	vst v63  }
0x51: {  	_ = 	snop  }
0x52: {  	[hbm4b:s5+s2] =	stream.indirect_vreg.scatter [tilespmem:s22], [sflag:$0x1], $0x80, v4, vm0, $0xb8;
	[tilespmem:$0xC100] =	vst v63  }
0x53: {  	_ = 	snop  }
0x54: {  	[hbm4b:s3+s2] =	stream.indirect_vreg.scatter [tilespmem:s23], [sflag:$0x1], $0x80, v3, vm0, $0xb8;
	[tilespmem:$0xC100] =	vst v63  }
0x55: {  	_ = 	snop  }
0x56: {  	[hbm4b:s4+s2] =	stream.indirect_vreg.scatter [tilespmem:s24], [sflag:$0x1], $0x80, v3, vm0, $0xb8;
	[tilespmem:$0xC100] =	vst v63  }
0x57: {  	_ = 	snop  }
0x58: {  	[hbm4b:s5+s2] =	stream.indirect_vreg.scatter [tilespmem:s25], [sflag:$0x1], $0x80, v3, vm0, $0xb8;
	[tilespmem:$0xC100] =	vst v63  }
0x59: {  	v3 =	vld [tilespmem:$0x30];
	_ =	sdelay $0x4  }
0x5a: {  	v59 =	vshrl.u32 v3, $0x3  }
0x5b: {  	v4 =	vmul.u32 $0x30, v59  }
0x5c: {  	v3 =	vand.u32 $0x7, v3  }
0x5d: {  	v3 =	vor.u32 v3, v4  }
0x5e: {  	v4 =	vperm.xlane v3, v0;
	_ =	sdelay $0x1  }
0x5f: {  	v4 =	vadd.s32 v1, v4;
	_ =	sdelay $0x3  }
0x60: {  	v3 =	vperm.xlane v3, v2  }
0x61: {  	[hbm4b:s3+s2] =	stream.indirect_vreg.scatter [tilespmem:s26], [sflag:$0x1], $0x80, v4, vm0, $0xb8;
	[tilespmem:$0xC100] =	vst v63  }
0x62: {  	v3 =	vadd.s32 v1, v3  }
0x63: {  	[hbm4b:s4+s2] =	stream.indirect_vreg.scatter [tilespmem:s28], [sflag:$0x1], $0x80, v4, vm0, $0xb8;
	[tilespmem:$0xC100] =	vst v63  }
0x64: {  	_ = 	snop  }
0x65: {  	[hbm4b:s5+s2] =	stream.indirect_vreg.scatter [tilespmem:s29], [sflag:$0x1], $0x80, v4, vm0, $0xb8;
	[tilespmem:$0xC100] =	vst v63  }
0x66: {  	_ = 	snop  }
0x67: {  	[hbm4b:s3+s2] =	stream.indirect_vreg.scatter [tilespmem:s30], [sflag:$0x1], $0x80, v3, vm0, $0xb8;
	[tilespmem:$0xC100] =	vst v63  }
0x68: {  	_ = 	snop  }
0x69: {  	[hbm4b:s4+s2] =	stream.indirect_vreg.scatter [tilespmem:s31], [sflag:$0x1], $0x80, v3, vm0, $0xb8;
	[tilespmem:$0xC100] =	vst v63  }
0x6a: {  	_ = 	snop  }
0x6b: {  	[hbm4b:s5+s2] =	stream.indirect_vreg.scatter [tilespmem:s1], [sflag:$0x1], $0x80, v3, vm0, $0xb8;
	[tilespmem:$0xC100] =	vst v63  }
0x6c: {  	_ =	swait.ge [sflag:s0], $0xC000  }
0x6d: {  	[sflag:s0] =	ssyncset.done $0x0  }
0x6e: {  	[sflag:s0] =	ssyncadd.s32 $0xFFFF4000  }
0x6f: {  	v3 =	vld [tilespmem:$0x80];
	_ =	sdelay $0x4  }
0x70: {  	v60 =	vshrl.u32 v3, $0x3  }
0x71: {  	v4 =	vmul.u32 $0x30, v60  }
0x72: {  	v3 =	vand.u32 $0x7, v3  }
0x73: {  	v3 =	vor.u32 v3, v4  }
0x74: {  	v4 =	vperm.xlane v3, v0;
	_ =	sdelay $0x1  }
0x75: {  	v4 =	vadd.s32 v1, v4;
	_ =	sdelay $0x3  }
0x76: {  	v3 =	vperm.xlane v3, v2  }
0x77: {  	[hbm4b:s3+s2] =	stream.indirect_vreg.scatter [tilespmem:s7], [sflag:$0x1], $0x80, v4, vm0, $0xb8;
	[tilespmem:$0xC100] =	vst v63  }
0x78: {  	v3 =	vadd.s32 v1, v3  }
0x79: {  	[hbm4b:s4+s2] =	stream.indirect_vreg.scatter [tilespmem:s9], [sflag:$0x1], $0x80, v4, vm0, $0xb8;
	[tilespmem:$0xC100] =	vst v63  }
0x7a: {  	_ = 	snop  }
0x7b: {  	[hbm4b:s5+s2] =	stream.indirect_vreg.scatter [tilespmem:s10], [sflag:$0x1], $0x80, v4, vm0, $0xb8;
	[tilespmem:$0xC100] =	vst v63  }
0x7c: {  	_ = 	snop  }
0x7d: {  	[hbm4b:s3+s2] =	stream.indirect_vreg.scatter [tilespmem:s11], [sflag:$0x1], $0x80, v3, vm0, $0xb8;
	[tilespmem:$0xC100] =	vst v63  }
0x7e: {  	_ = 	snop  }
0x7f: {  	[hbm4b:s4+s2] =	stream.indirect_vreg.scatter [tilespmem:s12], [sflag:$0x1], $0x80, v3, vm0, $0xb8;
	[tilespmem:$0xC100] =	vst v63  }
0x80: {  	_ = 	snop  }
0x81: {  	[hbm4b:s5+s2] =	stream.indirect_vreg.scatter [tilespmem:s13], [sflag:$0x1], $0x80, v3, vm0, $0xb8;
	[tilespmem:$0xC100] =	vst v63  }
0x82: {  	v3 =	vld [tilespmem:$0x90];
	_ =	sdelay $0x4  }
0x83: {  	v61 =	vshrl.u32 v3, $0x3  }
0x84: {  	v4 =	vmul.u32 $0x30, v61  }
0x85: {  	v3 =	vand.u32 $0x7, v3  }
0x86: {  	v3 =	vor.u32 v3, v4  }
0x87: {  	v4 =	vperm.xlane v3, v0;
	_ =	sdelay $0x1  }
0x88: {  	v4 =	vadd.s32 v1, v4;
	_ =	sdelay $0x3  }
0x89: {  	v3 =	vperm.xlane v3, v2  }
0x8a: {  	[hbm4b:s3+s2] =	stream.indirect_vreg.scatter [tilespmem:s14], [sflag:$0x1], $0x80, v4, vm0, $0xb8;
	[tilespmem:$0xC100] =	vst v63  }
0x8b: {  	v3 =	vadd.s32 v1, v3  }
0x8c: {  	[hbm4b:s4+s2] =	stream.indirect_vreg.scatter [tilespmem:s15], [sflag:$0x1], $0x80, v4, vm0, $0xb8;
	[tilespmem:$0xC100] =	vst v63  }
0x8d: {  	_ = 	snop  }
0x8e: {  	[hbm4b:s5+s2] =	stream.indirect_vreg.scatter [tilespmem:s16], [sflag:$0x1], $0x80, v4, vm0, $0xb8;
	[tilespmem:$0xC100] =	vst v63  }
0x8f: {  	_ = 	snop  }
0x90: {  	[hbm4b:s3+s2] =	stream.indirect_vreg.scatter [tilespmem:s17], [sflag:$0x1], $0x80, v3, vm0, $0xb8;
	[tilespmem:$0xC100] =	vst v63  }
0x91: {  	_ = 	snop  }
0x92: {  	[hbm4b:s4+s2] =	stream.indirect_vreg.scatter [tilespmem:s18], [sflag:$0x1], $0x80, v3, vm0, $0xb8;
	[tilespmem:$0xC100] =	vst v63  }
0x93: {  	_ = 	snop  }
0x94: {  	[hbm4b:s5+s2] =	stream.indirect_vreg.scatter [tilespmem:s19], [sflag:$0x1], $0x80, v3, vm0, $0xb8;
	[tilespmem:$0xC100] =	vst v63  }
0x95: {  	v3 =	vld [tilespmem:$0xA0];
	_ =	sdelay $0x4  }
0x96: {  	v62 =	vshrl.u32 v3, $0x3  }
0x97: {  	v4 =	vmul.u32 $0x30, v62  }
0x98: {  	v3 =	vand.u32 $0x7, v3  }
0x99: {  	v3 =	vor.u32 v3, v4  }
0x9a: {  	v4 =	vperm.xlane v3, v0;
	_ =	sdelay $0x1  }
0x9b: {  	v4 =	vadd.s32 v1, v4;
	_ =	sdelay $0x3  }
0x9c: {  	v3 =	vperm.xlane v3, v2  }
0x9d: {  	[hbm4b:s3+s2] =	stream.indirect_vreg.scatter [tilespmem:s20], [sflag:$0x1], $0x80, v4, vm0, $0xb8;
	[tilespmem:$0xC100] =	vst v63  }
0x9e: {  	v3 =	vadd.s32 v1, v3  }
0x9f: {  	[hbm4b:s4+s2] =	stream.indirect_vreg.scatter [tilespmem:s21], [sflag:$0x1], $0x80, v4, vm0, $0xb8;
	[tilespmem:$0xC100] =	vst v63  }
0xa0: {  	_ = 	snop  }
0xa1: {  	[hbm4b:s5+s2] =	stream.indirect_vreg.scatter [tilespmem:s22], [sflag:$0x1], $0x80, v4, vm0, $0xb8;
	[tilespmem:$0xC100] =	vst v63  }
0xa2: {  	_ = 	snop  }
0xa3: {  	[hbm4b:s3+s2] =	stream.indirect_vreg.scatter [tilespmem:s23], [sflag:$0x1], $0x80, v3, vm0, $0xb8;
	[tilespmem:$0xC100] =	vst v63  }
0xa4: {  	_ = 	snop  }
0xa5: {  	[hbm4b:s4+s2] =	stream.indirect_vreg.scatter [tilespmem:s24], [sflag:$0x1], $0x80, v3, vm0, $0xb8;
	[tilespmem:$0xC100] =	vst v63  }
0xa6: {  	_ = 	snop  }
0xa7: {  	[hbm4b:s5+s2] =	stream.indirect_vreg.scatter [tilespmem:s25], [sflag:$0x1], $0x80, v3, vm0, $0xb8;
	[tilespmem:$0xC100] =	vst v63  }
0xa8: {  	v3 =	vld [tilespmem:$0xB0];
	_ =	sdelay $0x4  }
0xa9: {  	v63 =	vshrl.u32 v3, $0x3  }
0xaa: {  	v4 =	vmul.u32 $0x30, v63  }
0xab: {  	v3 =	vand.u32 $0x7, v3  }
0xac: {  	v3 =	vor.u32 v3, v4  }
0xad: {  	v4 =	vperm.xlane v3, v0;
	_ =	sdelay $0x1  }
0xae: {  	v4 =	vadd.s32 v1, v4;
	_ =	sdelay $0x3  }
0xaf: {  	v3 =	vperm.xlane v3, v2  }
0xb0: {  	[hbm4b:s3+s2] =	stream.indirect_vreg.scatter [tilespmem:s26], [sflag:$0x1], $0x80, v4, vm0, $0xb8;
	[tilespmem:$0xC100] =	vst v63  }
0xb1: {  	v3 =	vadd.s32 v1, v3  }
0xb2: {  	[hbm4b:s4+s2] =	stream.indirect_vreg.scatter [tilespmem:s28], [sflag:$0x1], $0x80, v4, vm0, $0xb8;
	[tilespmem:$0xC100] =	vst v63  }
0xb3: {  	_ = 	snop  }
0xb4: {  	[hbm4b:s5+s2] =	stream.indirect_vreg.scatter [tilespmem:s29], [sflag:$0x1], $0x80, v4, vm0, $0xb8;
	[tilespmem:$0xC100] =	vst v63  }
0xb5: {  	_ = 	snop  }
0xb6: {  	[hbm4b:s3+s2] =	stream.indirect_vreg.scatter [tilespmem:s30], [sflag:$0x1], $0x80, v3, vm0, $0xb8;
	[tilespmem:$0xC100] =	vst v63  }
0xb7: {  	p0 =	sne.s32 s6, $0x1  }
0xb8: {  	[hbm4b:s4+s2] =	stream.indirect_vreg.scatter [tilespmem:s31], [sflag:$0x1], $0x80, v3, vm0, $0xb8;
	[tilespmem:$0xC100] =	vst v63  }
.Ltmp0:
0xb9: {  	_ = 	snop;
	(pc) =	sbr.rel @p0 .LBB2_1-.Ltmp0, $4  }
0xba: {  	[hbm4b:s5+s2] =	stream.indirect_vreg.scatter [tilespmem:s1], [sflag:$0x1], $0x80, v3, vm0, $0xb8;
	[tilespmem:$0xC100] =	vst v63  }
0xbb: {  	_ =	swait.ge [sflag:s0], $0xC000  }
0xbc: {  	[sflag:s0] =	ssyncset.done $0x0  }
0xbd: {  	s6 =	sadd.s32 $0xFFFFFFFF, s6;
	[sflag:s0] =	ssyncadd.s32 $0xFFFF4000  }
0xbe: {  	_ =	sfence.sel $0x180000  }
0xbf: {  	[bflag:$0x0] =	sbarrier.arrive $0xFFFF  }
0xc0: {  	_ =	strace $0x90000047  }
0xc1: {  	s0 =	stileid.u32;
	[bflag:$0x2] =	sbarrier.arrive $0xFFFF  }
0xc2: {  	p0 =	sne.s32 s0, $0x0;
	s0 =	rddreg [dreg:$0x2]  }
0xc3: {  	s0 =	sadd.s32 @!p0 $0x100000, s0  }
0xc4: {  	[sflag:s0] =	ssyncadd.tile.s32 @!p0 $0x1;
	_ =	shalt  }
.Lfunc_end2:
_tile_overlayer_lowered:
.L_overlay_start_2:
0xc5: {  	(tag) =	ssettag $0x2  }
0xc6: {  	s0 =	rddreg [dreg:$0x0];
	s2 =	stileid.u32  }
0xc7: {  	s1 =	rddreg [dreg:$0x1];
	p0 =	sne.s32 s2, $0x0  }
0xc8: {  	s3 =	rddreg [dreg:$0x2];
	[bflag:$0x3] =	sbarrier.arrive $0xFFFF;
	s2 =	simm.s32 @!p0 $0x1C02  }
0xc9: {  	[timem:s3], [sflag:s2] =	dma.local @!p0 [hbm:s0], s1  }
0xca: {  	s0 =	simm.s32 @!p0 $0x2  }
0xcb: {  	_ =	swait.ge @!p0 [sflag:s0], s1  }
0xcc: {  	s1 =	ssub.s32 @!p0 $0x0, s1;
	[sflag:s0] =	ssyncset.done @!p0 $0x0  }
0xcd: {  	[sflag:s0] =	ssyncadd.s32 @!p0 s1  }
0xce: {  	[bflag:$0x3] =	sbarrier.arrive $0xFFFF  }
0xcf: {  	_ =	shalt  }

// kernel: kernel.14.cloned.1.call-start
scs
__scs_entry_jumppad:
0x0: {  	(pc) =	sbr.rel $0x88, $3  }
0x1: {  	(tag) =	ssettag $0x0;
	lr =	simm.s32 $0x1  }
0x2: {  	[smem:$0x3F8C] =	sst lr;
	_ =	strace $0xD0000000  }
0x3: {  	_ = 	snop  }
0x4: {  	_ = 	snop  }
0x5: {  	_ = 	snop  }
0x6: {  	_ = 	snop  }
0x7: {  	_ = 	snop  }
__scs_overlays_trampoline_lowered:
0x8: {  	[smem:$0x3F9B] =	sst s0  }
0x9: {  	[smem:$0x3F9C] =	sst s1  }
0xa: {  	[smem:$0x3F9D] =	sst s2  }
0xb: {  	[smem:$0x3F9E] =	sst s3  }
0xc: {  	[smem:$0x3F9F] =	sst s4  }
0xd: {  	[smem:$0x3FA0] =	sst s5  }
0xe: {  	[smem:$0x3FA1] =	sst s6  }
0xf: {  	[smem:$0x3FA2] =	sst s7  }
0x10: {  	[smem:$0x3FA3] =	sst s8  }
0x11: {  	[smem:$0x3FA4] =	sst s9;
	s0 =	simm.s32 @!p0 $0x0  }
0x12: {  	s1 =	sld [smem:$0x3F8A];
	s0 =	simm.s32 @p0 $0x1  }
0x13: {  	[smem:$0x3FA5] =	sst s0;
	s0 =	simm.s32 @!p1 $0x0  }
0x14: {  	s2 =	sld [smem:$0x3F89];
	s0 =	simm.s32 @p1 $0x1  }
0x15: {  	[smem:$0x3FA6] =	sst s0;
	s0 =	simm.s32 @!p2 $0x0  }
0x16: {  	s3 =	sld [smem:$0x3FDB];
	s0 =	simm.s32 @p2 $0x1  }
0x17: {  	s4 =	simm.s32 $0x1BF5;
	[smem:$0x3FA8] =	sst s0  }
0x18: {  	s0 =	sld [smem:$0x3F8B];
	_ =	swait.ge [sflag:s4], $0x0  }
0x19: {  	s7 =	sld [smem:$0x3F8C]  }
0x1a: {  	s8 =	sadd.s32 $0xFFFFE003, lr  }
0x1b: {  	s9 =	sadd.s32 $0xFFFFFEF7, lr;
	s5 =	simm.s32 $0xFFFFFFFF;
	p2 =	slt.u32 s8, $0xFFFFF086  }
0x1c: {  	p1 =	slt.u32 s9, $0xF7A;
	s5 =	simm.s32 @!p2 $0x0  }
0x1d: {  	s5 =	simm.s32 @p1 $0x1;
	p0 =	seq.s32 s7, s2  }
0x1e: {  	s7 =	smul.u32 @!p0 $0xF7A, s2;
	p2 =	seq.s32 @!p0 s5, $0x0  }
0x1f: {  	s9 =	smul.u32 $0xF7A, s1;
	s8 =	simm.s32 @!p0 $0x1BF5;
	p2 =	por !p2, p0  }
0x20: {  	[sflag:s8] =	ssyncset.s32 @!p0 $0xFFFFF086;
	s6 =	sadd.s32 @!p0 s3, s7;
	s7 =	simm.s32 @!p0 $0x108  }
0x21: {  	s3 =	sadd.s32 s3, s9;
	s6 =	sadd.s32 @!p0 $0x88, s6;
	s7 =	simm.s32 @p2 $0x1082  }
0x22: {  	[simem:s7], [sflag:s8] =	dma.local @!p0 [hbm:s6], $0xF7A  }
0x23: {  	s9 =	sor.u32 $0xD0000000, s2;
	s6 =	simm.s32 $0x108;
	_ =	swait.ge @!p0 [sflag:s8], $0x0  }
0x24: {  	s3 =	sadd.s32 $0x88, s3;
	s6 =	simm.s32 @!p1 $0x1082;
	[sflag:s4] =	ssyncset.s32 $0xFFFFF086  }
0x25: {  	[simem:s6], [sflag:s4] =	dma.local [hbm:s3], $0xF7A  }
0x26: {  	[smem:$0x3F8C] =	sst s1;
	(tag) =	ssettag s2;
	_ =	strace s9  }
0x27: {  	s1 =	sld [smem:$0x3F9C]  }
0x28: {  	s2 =	sld [smem:$0x3F9D]  }
0x29: {  	s4 =	sld [smem:$0x3F9F]  }
0x2a: {  	p0 =	seq.s32 s5, $0x0;
	s5 =	sld [smem:$0x3FA0]  }
0x2b: {  	s6 =	sld [smem:$0x3FA1]  }
0x2c: {  	s7 =	sld [smem:$0x3FA2]  }
0x2d: {  	s3 =	simm.s32 $0x108;
	s8 =	sld [smem:$0x3FA3]  }
0x2e: {  	s3 =	simm.s32 @!p0 $0x1082;
	s9 =	sld [smem:$0x3FA4]  }
0x2f: {  	lr =	sadd.s32 s0, s3;
	s0 =	sld [smem:$0x3F9B]  }
0x30: {  	s3 =	sld [smem:$0x3F9E]  }
0x31: {  	[smem:$0x3FA7] =	sst s10  }
0x32: {  	s10 =	sld [smem:$0x3FA5];
	_ =	sdelay $0x3  }
0x33: {  	p0 =	seq.s32 s10, $0x1;
	s10 =	sld [smem:$0x3FA7];
	_ =	sdelay $0x3  }
0x34: {  	[smem:$0x3FA7] =	sst s10  }
0x35: {  	s10 =	sld [smem:$0x3FA6];
	_ =	sdelay $0x3  }
0x36: {  	p1 =	seq.s32 s10, $0x1;
	s10 =	sld [smem:$0x3FA7];
	_ =	sdelay $0x3  }
0x37: {  	[smem:$0x3FA7] =	sst s10  }
0x38: {  	s10 =	sld [smem:$0x3FA8]  }
0x39: {  	_ = 	snop;
	(pc) =	sbr.ind lr, $3  }
0x3a: {  	_ = 	snop  }
0x3b: {  	_ = 	snop  }
0x3c: {  	p2 =	seq.s32 s10, $0x1;
	s10 =	sld [smem:$0x3FA7]  }
0x3d: {  	_ =	shalt  }
0x3e: {  	_ =	shalt  }
0x3f: {  	_ =	shalt  }
0x40: {  	_ =	shalt  }
0x41: {  	_ =	shalt  }
0x42: {  	_ =	shalt  }
0x43: {  	_ =	shalt  }
0x44: {  	_ =	shalt  }
0x45: {  	_ =	shalt  }
0x46: {  	_ =	shalt  }
0x47: {  	_ =	shalt  }
0x48: {  	_ =	shalt  }
0x49: {  	_ =	shalt  }
0x4a: {  	_ =	shalt  }
0x4b: {  	_ =	shalt  }
0x4c: {  	_ =	shalt  }
0x4d: {  	_ =	shalt  }
0x4e: {  	_ =	shalt  }
0x4f: {  	_ =	shalt  }
0x50: {  	_ =	shalt  }
0x51: {  	_ =	shalt  }
0x52: {  	_ =	shalt  }
0x53: {  	_ =	shalt  }
0x54: {  	_ =	shalt  }
0x55: {  	_ =	shalt  }
0x56: {  	_ =	shalt  }
0x57: {  	_ =	shalt  }
0x58: {  	_ =	shalt  }
0x59: {  	_ =	shalt  }
0x5a: {  	_ =	shalt  }
0x5b: {  	_ =	shalt  }
0x5c: {  	_ =	shalt  }
0x5d: {  	_ =	shalt  }
0x5e: {  	_ =	shalt  }
0x5f: {  	_ =	shalt  }
0x60: {  	_ =	shalt  }
0x61: {  	_ =	shalt  }
0x62: {  	_ =	shalt  }
0x63: {  	_ =	shalt  }
0x64: {  	_ =	shalt  }
0x65: {  	_ =	shalt  }
0x66: {  	_ =	shalt  }
0x67: {  	_ =	shalt  }
0x68: {  	_ =	shalt  }
0x69: {  	_ =	shalt  }
0x6a: {  	_ =	shalt  }
0x6b: {  	_ =	shalt  }
0x6c: {  	_ =	shalt  }
0x6d: {  	_ =	shalt  }
0x6e: {  	_ =	shalt  }
0x6f: {  	_ =	shalt  }
0x70: {  	_ =	shalt  }
0x71: {  	_ =	shalt  }
0x72: {  	_ =	shalt  }
0x73: {  	_ =	shalt  }
0x74: {  	_ =	shalt  }
0x75: {  	_ =	shalt  }
0x76: {  	_ =	shalt  }
0x77: {  	_ =	shalt  }
0x78: {  	_ =	shalt  }
0x79: {  	_ =	shalt  }
0x7a: {  	_ =	shalt  }
0x7b: {  	_ =	shalt  }
0x7c: {  	_ =	shalt  }
0x7d: {  	_ =	shalt  }
0x7e: {  	_ =	shalt  }
0x7f: {  	_ =	shalt  }
0x80: {  	_ =	shalt  }
0x81: {  	_ =	shalt  }
0x82: {  	_ =	shalt  }
0x83: {  	_ =	shalt  }
0x84: {  	_ =	shalt  }
0x85: {  	_ =	shalt  }
0x86: {  	_ =	shalt  }
0x87: {  	_ =	shalt  }
.Lfunc_end0:
.L_simem_size_0:
called_computation.1_lowered:
.L_overlay_start_0:
0x88: {  	s2 =	sld [smem:$0x3FD9]  }
0x89: {  	s3 =	sld [smem:$0x3FFE];
	_ =	sdelay $0x1  }
0x8a: {  	s1 =	srdreg.scid  }
0x8b: {  	s0 =	sand.u32 $0x1, s1  }
0x8c: {  	s17 =	sshll.u32 s0, $0xA;
	s2 =	sadd.s32 s3, s2  }
0x8d: {  	s2 =	sadd.s32 s2, s17  }
0x8e: {  	[smem:$0x3FB3] =	sst s2  }
0x8f: {  	_ = 	snop  }
0x90: {  	s2 =	sld [smem:$0x3FD0];
	(tm) =	ssettm $0x1  }
0x91: {  	s18 =	sld [smem:$0x3FFB];
	_ =	sdelay $0x3  }
0x92: {  	_ =	strace s18  }
0x93: {  	s3 =	sld [smem:$0x3FFC];
	_ =	sdelay $0x3  }
0x94: {  	_ =	strace s3  }
0x95: {  	s3 =	sld [smem:$0x3FFD];
	_ =	sdelay $0x3  }
0x96: {  	_ =	strace s3  }
0x97: {  	_ =	strace $0x8FFFFFFF  }
0x98: {  	s19 =	sld [smem:$0x3FDB];
	_ =	sdelay $0x1  }
0x99: {  	s4 =	simm.s32 $_scs_section_size  }
0x9a: {  	s5 =	simm.s32 $_size__tile_overlayer_lowered;
	s6 =	simm.s32 $_tile_overlayer_lowered  }
0x9b: {  	s22 =	simm.s32 $0x1BFF;
	s21 =	sshll.u32 s6, $0x1;
	s3 =	sadd.s32 s4, s19  }
0x9c: {  	s7 =	simm.s32 $0x0;
	s20 =	sshll.u32 s5, $0x1;
	s5 =	sadd.s32 s21, s3  }
0x9d: {  	[timem:s7], [sflag:s22] =	dma.local [hbm:s5], s20  }
0x9e: {  	_ =	swait.ge [sflag:s22], s20  }
0x9f: {  	s4 =	ssub.s32 $0x0, s20;
	[sflag:s22] =	ssyncset.done $0x0  }
0xa0: {  	[sflag:s22] =	ssyncadd.s32 s4;
	_ =	sdelay $0x1  }
0xa1: {  	s23 =	simm.s32 $0x1B8B  }
0xa2: {  	_ =	swait.ge [sflag:s23], $0x1  }
0xa3: {  	[sflag:s23] =	ssyncset.done $0x0  }
0xa4: {  	s25 =	simm.s32 $0x1B8E;
	s24 =	sld [smem:$0x3FFE];
	[sflag:s23] =	ssyncadd.s32 $0xFFFFFFFF  }
0xa5: {  	s26 =	simm.s32 $execute0_lowered;
	[smem:$0x3FD2] =	sst s25  }
0xa6: {  	s5 =	sshll.u32 s26, $0x1;
	_ =	strace $0x80000049;
	[dreg:$0x1] =	wrdreg $0xFFFFFFFF  }
0xa7: {  	s28 =	simm.s32 $_size_execute0_lowered;
	s3 =	sadd.s32 s3, s5;
	[dreg:$0x0] =	wrdreg $0x0  }
0xa8: {  	s5 =	sshll.u32 s28, $0x1;
	[dreg:$0x2] =	wrdreg s3  }
0xa9: {  	[dreg:$0x3] =	wrdreg s5  }
0xaa: {  	[dreg:$0x4] =	wrdreg $0xC0  }
0xab: {  	_ =	task [dreg:s7], $0x5FFFF  }
0xac: {  	[dreg:$0x1] =	wrdreg $0xFFFFFFFF  }
0xad: {  	[dreg:$0x0] =	wrdreg $0x60  }
0xae: {  	[dreg:$0x2] =	wrdreg s24  }
0xaf: {  	[dreg:$0x3] =	wrdreg s2  }
0xb0: {  	[dreg:$0x4] =	wrdreg $0x9  }
0xb1: {  	_ =	task.clear_ibuf [dreg:s7], $0x5FFFF;
	_ =	strace $0x90000049  }
0xb2: {  	s29 =	simm.s32 $0x9;
	_ =	strace $0x8000004B  }
0xb3: {  	_ =	swait.ge [sflag:s29], $0x1  }
0xb4: {  	[sflag:s29] =	ssyncadd.s32 $0xFFFFFFFF  }
0xb5: {  	_ =	strace $0x9000004B  }
0xb6: {  	_ =	sfence  }
0xb7: {  	s30 =	sld [smem:$0x0];
	_ =	sdelay $0x2  }
0xb8: {  	s31 =	sshll.u32 s1, $0xD;
	s1 =	sshrl.u32 s1, $0x2  }
0xb9: {  	s3 =	sand.u32 $0x4000, s31;
	s1 =	sadd.s32 s1, s30  }
0xba: {  	s0 =	sor.u32 s3, s0;
	s1 =	sshll.u32 s1, $0x11  }
0xbb: {  	s0 =	sor.u32 s1, s0  }
0xbc: {  	s0 =	sadd.s32 $0x8F2B, s0  }
0xbd: {  	[sflag:s0] =	ssyncadd.remote.s32 $0x1  }
0xbe: {  	_ =	sfence.sel $0xFFFF  }
0xbf: {  	[dreg:$0x0] =	wrdreg $0xFFFFFFFF;
	(pc) =	sbr.abs _section_cstart, $3  }
0xc0: {  	[dreg:$0x1] =	wrdreg $0xFFFFFFFF  }
0xc1: {  	_ =	task.clear_ibuf [dreg:s7], $0x2FFFF;
	_ =	strace $0x9FFFFFFF  }
0xc2: {  	(tm) =	ssettm $0x7FFFFFFF  }
0xc3: {  	_ =	shalt  }
tec
execute0_lowered:
.L_overlay_start_1:
0x0: {  	(tag) =	ssettag $0x1  }
0x1: {  	s0 =	srdreg.scid;
	s1 =	rddreg [dreg:$0x0]  }
0x2: {  	s2 =	stileid.u32;
	s4 =	rddreg [dreg:$0x1];
	s10 =	simm.s32 $0x880  }
0x3: {  	s11 =	simm.s32 $0x1080;
	s12 =	simm.s32 $0x1880;
	s13 =	simm.s32 $0x2080  }
0x4: {  	s14 =	simm.s32 $0x2880;
	s15 =	simm.s32 $0x3080;
	s16 =	simm.s32 $0x3880  }
0x5: {  	s17 =	simm.s32 $0x4080;
	s18 =	simm.s32 $0x4880;
	s19 =	simm.s32 $0x5080  }
0x6: {  	s20 =	simm.s32 $0x5880;
	s21 =	simm.s32 $0x6080;
	s22 =	simm.s32 $0x6880  }
0x7: {  	s23 =	simm.s32 $0x7080;
	s28 =	simm.s32 $0x9080;
	s29 =	simm.s32 $0x9880  }
0x8: {  	s30 =	simm.s32 $0xA080;
	s31 =	simm.s32 $0xA880;
	s0 =	sand.u32 $0x1, s0  }
0x9: {  	s3 =	sshll.u32 s2, $0x4;
	s2 =	simm.s32 $0x0;
	s5 =	sshll.u32 s0, $0x3  }
0xa: {  	[smem:$0x7FF] =	sst s2;
	s0 =	ssub.s32 $0x2, s0;
	s3 =	sor.u32 s5, s3  }
0xb: {  	_ =	strace $0x8000004A;
	s24 =	sshrl.u32 s0, $0x1;
	s5 =	smul.u32 $0x300, s3  }
0xc: {  	s6 =	sadd.s32 s3, s1;
	s3 =	sadd.s32 $0x53600, s1;
	s0 =	ssub.s32 s0, s24  }
0xd: {  	s24 =	simm.s32 $0x7880;
	s8 =	sadd.s32 $0xCBE00, s6;
	s25 =	sadd.s32 $0xCC000, s6  }
0xe: {  	s6 =	smax.u32 s0, $0x1;
	s0 =	simm.s32 $0x1;
	[dreg:$0x3] =	wrdreg s8  }
0xf: {  	s7 =	sadd.s32 s5, s1;
	s4 =	sadd.s32 s4, s5;
	[dreg:$0x5] =	wrdreg s25  }
0x10: {  	v2 =	vlaneseq.u32;
	s5 =	sadd.s32 $0x53800, s1;
	s25 =	simm.s32 $0x8080;
	[dreg:$0x4] =	wrdreg s4  }
0x11: {  	vm0 =	vmmov $0xffff;
	v1 =	vshrl.u32 v2, $0x3;
	s26 =	sadd.s32 $0xCC200, s7;
	s4 =	sadd.s32 $0x53700, s1;
	s7 =	simm.s32 $0x2  }
0x12: {  	v0 =	vand.u32 $0x7, v2;
	v2 =	vor.u32 $0x8, v2;
	v1 =	vmul.u32 $0x8, v1;
	s1 =	simm.s32 $0x80;
	[dreg:$0x6] =	wrdreg s26;
	s26 =	simm.s32 $0x8880  }
.LBB2_1:
0x13: {  	s9 =	rddreg [dreg:$0x3]  }
0x14: {  	[tilespmem:s2], [sflag:$0x2] =	stream.linear.gather [hbm4b:s9+s2], $0x40, $0x38;
	[tilespmem:$0xC080] =	vst v63  }
0x15: {  	_ =	swait.ge [sflag:s7], $0x40  }
0x16: {  	[sflag:s7] =	ssyncset.done $0x0  }
0x17: {  	[sflag:s7] =	ssyncadd.s32 $0xFFFFFFC0  }
0x18: {  	v3 =	vld [tilespmem:$0x0];
	_ =	sdelay $0x4  }
0x19: {  	v4 =	vshrl.u32 v3, $0x3  }
0x1a: {  	v4 =	vmul.u32 $0x30, v4  }
0x1b: {  	v3 =	vand.u32 $0x7, v3  }
0x1c: {  	v3 =	vor.u32 v3, v4  }
0x1d: {  	v4 =	vperm.xlane v3, v0;
	_ =	sdelay $0x1  }
0x1e: {  	v4 =	vadd.s32 v1, v4;
	_ =	sdelay $0x3  }
0x1f: {  	v3 =	vperm.xlane v3, v2  }
0x20: {  	[tilespmem:s1], [sflag:$0x1] =	stream.indirect_vreg.gather [hbm4b:s3+s2], $0x80, v4, vm0, $0xb8;
	[tilespmem:$0xC080] =	vst v63  }
0x21: {  	v3 =	vadd.s32 v1, v3  }
0x22: {  	[tilespmem:s10], [sflag:$0x1] =	stream.indirect_vreg.gather [hbm4b:s4+s2], $0x80, v4, vm0, $0xb8;
	[tilespmem:$0xC080] =	vst v63  }
0x23: {  	_ = 	snop  }
0x24: {  	[tilespmem:s11], [sflag:$0x1] =	stream.indirect_vreg.gather [hbm4b:s5+s2], $0x80, v4, vm0, $0xb8;
	[tilespmem:$0xC080] =	vst v63  }
0x25: {  	_ = 	snop  }
0x26: {  	[tilespmem:s12], [sflag:$0x1] =	stream.indirect_vreg.gather [hbm4b:s3+s2], $0x80, v3, vm0, $0xb8;
	[tilespmem:$0xC080] =	vst v63  }
0x27: {  	_ = 	snop  }
0x28: {  	[tilespmem:s13], [sflag:$0x1] =	stream.indirect_vreg.gather [hbm4b:s4+s2], $0x80, v3, vm0, $0xb8;
	[tilespmem:$0xC080] =	vst v63  }
0x29: {  	_ = 	snop  }
0x2a: {  	[tilespmem:s14], [sflag:$0x1] =	stream.indirect_vreg.gather [hbm4b:s5+s2], $0x80, v3, vm0, $0xb8;
	[tilespmem:$0xC080] =	vst v63  }
0x2b: {  	v3 =	vld [tilespmem:$0x10];
	_ =	sdelay $0x4  }
0x2c: {  	v57 =	vshrl.u32 v3, $0x3  }
0x2d: {  	v4 =	vmul.u32 $0x30, v57  }
0x2e: {  	v3 =	vand.u32 $0x7, v3  }
0x2f: {  	v3 =	vor.u32 v3, v4  }
0x30: {  	v4 =	vperm.xlane v3, v0;
	_ =	sdelay $0x1  }
0x31: {  	v4 =	vadd.s32 v1, v4;
	_ =	sdelay $0x3  }
0x32: {  	v3 =	vperm.xlane v3, v2  }
0x33: {  	[tilespmem:s15], [sflag:$0x1] =	stream.indirect_vreg.gather [hbm4b:s3+s2], $0x80, v4, vm0, $0xb8;
	[tilespmem:$0xC080] =	vst v63  }
0x34: {  	v3 =	vadd.s32 v1, v3  }
0x35: {  	[tilespmem:s16], [sflag:$0x1] =	stream.indirect_vreg.gather [hbm4b:s4+s2], $0x80, v4, vm0, $0xb8;
	[tilespmem:$0xC080] =	vst v63  }
0x36: {  	_ = 	snop  }
0x37: {  	[tilespmem:s17], [sflag:$0x1] =	stream.indirect_vreg.gather [hbm4b:s5+s2], $0x80, v4, vm0, $0xb8;
	[tilespmem:$0xC080] =	vst v63  }
0x38: {  	_ = 	snop  }
0x39: {  	[tilespmem:s18], [sflag:$0x1] =	stream.indirect_vreg.gather [hbm4b:s3+s2], $0x80, v3, vm0, $0xb8;
	[tilespmem:$0xC080] =	vst v63  }
0x3a: {  	_ = 	snop  }
0x3b: {  	[tilespmem:s19], [sflag:$0x1] =	stream.indirect_vreg.gather [hbm4b:s4+s2], $0x80, v3, vm0, $0xb8;
	[tilespmem:$0xC080] =	vst v63  }
0x3c: {  	_ = 	snop  }
0x3d: {  	[tilespmem:s20], [sflag:$0x1] =	stream.indirect_vreg.gather [hbm4b:s5+s2], $0x80, v3, vm0, $0xb8;
	[tilespmem:$0xC080] =	vst v63  }
0x3e: {  	v3 =	vld [tilespmem:$0x20];
	_ =	sdelay $0x4  }
0x3f: {  	v58 =	vshrl.u32 v3, $0x3  }
0x40: {  	v4 =	vmul.u32 $0x30, v58  }
0x41: {  	v3 =	vand.u32 $0x7, v3  }
0x42: {  	v3 =	vor.u32 v3, v4  }
0x43: {  	v4 =	vperm.xlane v3, v0;
	_ =	sdelay $0x1  }
0x44: {  	v4 =	vadd.s32 v1, v4;
	_ =	sdelay $0x3  }
0x45: {  	v3 =	vperm.xlane v3, v2  }
0x46: {  	[tilespmem:s21], [sflag:$0x1] =	stream.indirect_vreg.gather [hbm4b:s3+s2], $0x80, v4, vm0, $0xb8;
	[tilespmem:$0xC080] =	vst v63  }
0x47: {  	v3 =	vadd.s32 v1, v3  }
0x48: {  	[tilespmem:s22], [sflag:$0x1] =	stream.indirect_vreg.gather [hbm4b:s4+s2], $0x80, v4, vm0, $0xb8;
	[tilespmem:$0xC080] =	vst v63  }
0x49: {  	_ = 	snop  }
0x4a: {  	[tilespmem:s23], [sflag:$0x1] =	stream.indirect_vreg.gather [hbm4b:s5+s2], $0x80, v4, vm0, $0xb8;
	[tilespmem:$0xC080] =	vst v63  }
0x4b: {  	_ = 	snop  }
0x4c: {  	[tilespmem:s24], [sflag:$0x1] =	stream.indirect_vreg.gather [hbm4b:s3+s2], $0x80, v3, vm0, $0xb8;
	[tilespmem:$0xC080] =	vst v63  }
0x4d: {  	_ = 	snop  }
0x4e: {  	[tilespmem:s25], [sflag:$0x1] =	stream.indirect_vreg.gather [hbm4b:s4+s2], $0x80, v3, vm0, $0xb8;
	[tilespmem:$0xC080] =	vst v63  }
0x4f: {  	_ = 	snop  }
0x50: {  	[tilespmem:s26], [sflag:$0x1] =	stream.indirect_vreg.gather [hbm4b:s5+s2], $0x80, v3, vm0, $0xb8;
	[tilespmem:$0xC080] =	vst v63  }
0x51: {  	v3 =	vld [tilespmem:$0x30];
	_ =	sdelay $0x4  }
0x52: {  	v59 =	vshrl.u32 v3, $0x3  }
0x53: {  	v4 =	vmul.u32 $0x30, v59  }
0x54: {  	v3 =	vand.u32 $0x7, v3  }
0x55: {  	v3 =	vor.u32 v3, v4  }
0x56: {  	v4 =	vperm.xlane v3, v0;
	_ =	sdelay $0x1  }
0x57: {  	v4 =	vadd.s32 v1, v4;
	_ =	sdelay $0x3  }
0x58: {  	v3 =	vperm.xlane v3, v2  }
0x59: {  	[tilespmem:s28], [sflag:$0x1] =	stream.indirect_vreg.gather [hbm4b:s3+s2], $0x80, v4, vm0, $0xb8;
	[tilespmem:$0xC080] =	vst v63  }
0x5a: {  	v3 =	vadd.s32 v1, v3  }
0x5b: {  	[tilespmem:s29], [sflag:$0x1] =	stream.indirect_vreg.gather [hbm4b:s4+s2], $0x80, v4, vm0, $0xb8;
	[tilespmem:$0xC080] =	vst v63  }
0x5c: {  	_ = 	snop  }
0x5d: {  	[tilespmem:s30], [sflag:$0x1] =	stream.indirect_vreg.gather [hbm4b:s5+s2], $0x80, v4, vm0, $0xb8;
	[tilespmem:$0xC080] =	vst v63  }
0x5e: {  	_ = 	snop  }
0x5f: {  	[tilespmem:s31], [sflag:$0x1] =	stream.indirect_vreg.gather [hbm4b:s3+s2], $0x80, v3, vm0, $0xb8;
	[tilespmem:$0xC080] =	vst v63  }
0x60: {  	s8 =	simm.s32 $0xB080  }
0x61: {  	[tilespmem:s8], [sflag:$0x1] =	stream.indirect_vreg.gather [hbm4b:s4+s2], $0x80, v3, vm0, $0xb8;
	[tilespmem:$0xC080] =	vst v63  }
0x62: {  	s8 =	simm.s32 $0xB880  }
0x63: {  	[tilespmem:s8], [sflag:$0x1] =	stream.indirect_vreg.gather [hbm4b:s5+s2], $0x80, v3, vm0, $0xb8;
	[tilespmem:$0xC080] =	vst v63  }
0x64: {  	_ =	swait.ge [sflag:s0], $0xC000  }
0x65: {  	[sflag:s0] =	ssyncset.done $0x0  }
0x66: {  	s9 =	rddreg [dreg:$0x4];
	[sflag:s0] =	ssyncadd.s32 $0xFFFF4000  }
0x67: {  	[hbm4b:s9+s2] =	stream.linear.scatter [tilespmem:s1], [sflag:$0x2], $0xC000, $0x38;
	[tilespmem:$0xC080] =	vst v63  }
0x68: {  	_ =	swait.ge [sflag:s7], $0xC000  }
0x69: {  	[sflag:s7] =	ssyncset.done $0x0  }
0x6a: {  	s9 =	rddreg [dreg:$0x5];
	[sflag:s7] =	ssyncadd.s32 $0xFFFF4000  }
0x6b: {  	[tilespmem:s2], [sflag:$0x2] =	stream.linear.gather [hbm4b:s9+s2], $0x40, $0x38;
	[tilespmem:$0xC080] =	vst v63  }
0x6c: {  	_ =	swait.ge [sflag:s7], $0x40  }
0x6d: {  	[sflag:s7] =	ssyncset.done $0x0  }
0x6e: {  	[sflag:s7] =	ssyncadd.s32 $0xFFFFFFC0  }
0x6f: {  	v3 =	vld [tilespmem:$0x0];
	_ =	sdelay $0x4  }
0x70: {  	v60 =	vshrl.u32 v3, $0x3  }
0x71: {  	v4 =	vmul.u32 $0x30, v60  }
0x72: {  	v3 =	vand.u32 $0x7, v3  }
0x73: {  	v3 =	vor.u32 v3, v4  }
0x74: {  	v4 =	vperm.xlane v3, v0;
	_ =	sdelay $0x1  }
0x75: {  	v4 =	vadd.s32 v1, v4;
	_ =	sdelay $0x3  }
0x76: {  	v3 =	vperm.xlane v3, v2  }
0x77: {  	[tilespmem:s1], [sflag:$0x1] =	stream.indirect_vreg.gather [hbm4b:s3+s2], $0x80, v4, vm0, $0xb8;
	[tilespmem:$0xC080] =	vst v63  }
0x78: {  	v3 =	vadd.s32 v1, v3  }
0x79: {  	[tilespmem:s10], [sflag:$0x1] =	stream.indirect_vreg.gather [hbm4b:s4+s2], $0x80, v4, vm0, $0xb8;
	[tilespmem:$0xC080] =	vst v63  }
0x7a: {  	_ = 	snop  }
0x7b: {  	[tilespmem:s11], [sflag:$0x1] =	stream.indirect_vreg.gather [hbm4b:s5+s2], $0x80, v4, vm0, $0xb8;
	[tilespmem:$0xC080] =	vst v63  }
0x7c: {  	_ = 	snop  }
0x7d: {  	[tilespmem:s12], [sflag:$0x1] =	stream.indirect_vreg.gather [hbm4b:s3+s2], $0x80, v3, vm0, $0xb8;
	[tilespmem:$0xC080] =	vst v63  }
0x7e: {  	_ = 	snop  }
0x7f: {  	[tilespmem:s13], [sflag:$0x1] =	stream.indirect_vreg.gather [hbm4b:s4+s2], $0x80, v3, vm0, $0xb8;
	[tilespmem:$0xC080] =	vst v63  }
0x80: {  	_ = 	snop  }
0x81: {  	[tilespmem:s14], [sflag:$0x1] =	stream.indirect_vreg.gather [hbm4b:s5+s2], $0x80, v3, vm0, $0xb8;
	[tilespmem:$0xC080] =	vst v63  }
0x82: {  	v3 =	vld [tilespmem:$0x10];
	_ =	sdelay $0x4  }
0x83: {  	v61 =	vshrl.u32 v3, $0x3  }
0x84: {  	v4 =	vmul.u32 $0x30, v61  }
0x85: {  	v3 =	vand.u32 $0x7, v3  }
0x86: {  	v3 =	vor.u32 v3, v4  }
0x87: {  	v4 =	vperm.xlane v3, v0;
	_ =	sdelay $0x1  }
0x88: {  	v4 =	vadd.s32 v1, v4;
	_ =	sdelay $0x3  }
0x89: {  	v3 =	vperm.xlane v3, v2  }
0x8a: {  	[tilespmem:s15], [sflag:$0x1] =	stream.indirect_vreg.gather [hbm4b:s3+s2], $0x80, v4, vm0, $0xb8;
	[tilespmem:$0xC080] =	vst v63  }
0x8b: {  	v3 =	vadd.s32 v1, v3  }
0x8c: {  	[tilespmem:s16], [sflag:$0x1] =	stream.indirect_vreg.gather [hbm4b:s4+s2], $0x80, v4, vm0, $0xb8;
	[tilespmem:$0xC080] =	vst v63  }
0x8d: {  	_ = 	snop  }
0x8e: {  	[tilespmem:s17], [sflag:$0x1] =	stream.indirect_vreg.gather [hbm4b:s5+s2], $0x80, v4, vm0, $0xb8;
	[tilespmem:$0xC080] =	vst v63  }
0x8f: {  	_ = 	snop  }
0x90: {  	[tilespmem:s18], [sflag:$0x1] =	stream.indirect_vreg.gather [hbm4b:s3+s2], $0x80, v3, vm0, $0xb8;
	[tilespmem:$0xC080] =	vst v63  }
0x91: {  	_ = 	snop  }
0x92: {  	[tilespmem:s19], [sflag:$0x1] =	stream.indirect_vreg.gather [hbm4b:s4+s2], $0x80, v3, vm0, $0xb8;
	[tilespmem:$0xC080] =	vst v63  }
0x93: {  	_ = 	snop  }
0x94: {  	[tilespmem:s20], [sflag:$0x1] =	stream.indirect_vreg.gather [hbm4b:s5+s2], $0x80, v3, vm0, $0xb8;
	[tilespmem:$0xC080] =	vst v63  }
0x95: {  	v3 =	vld [tilespmem:$0x20];
	_ =	sdelay $0x4  }
0x96: {  	v62 =	vshrl.u32 v3, $0x3  }
0x97: {  	v4 =	vmul.u32 $0x30, v62  }
0x98: {  	v3 =	vand.u32 $0x7, v3  }
0x99: {  	v3 =	vor.u32 v3, v4  }
0x9a: {  	v4 =	vperm.xlane v3, v0;
	_ =	sdelay $0x1  }
0x9b: {  	v4 =	vadd.s32 v1, v4;
	_ =	sdelay $0x3  }
0x9c: {  	v3 =	vperm.xlane v3, v2  }
0x9d: {  	[tilespmem:s21], [sflag:$0x1] =	stream.indirect_vreg.gather [hbm4b:s3+s2], $0x80, v4, vm0, $0xb8;
	[tilespmem:$0xC080] =	vst v63  }
0x9e: {  	v3 =	vadd.s32 v1, v3  }
0x9f: {  	[tilespmem:s22], [sflag:$0x1] =	stream.indirect_vreg.gather [hbm4b:s4+s2], $0x80, v4, vm0, $0xb8;
	[tilespmem:$0xC080] =	vst v63  }
0xa0: {  	_ = 	snop  }
0xa1: {  	[tilespmem:s23], [sflag:$0x1] =	stream.indirect_vreg.gather [hbm4b:s5+s2], $0x80, v4, vm0, $0xb8;
	[tilespmem:$0xC080] =	vst v63  }
0xa2: {  	_ = 	snop  }
0xa3: {  	[tilespmem:s24], [sflag:$0x1] =	stream.indirect_vreg.gather [hbm4b:s3+s2], $0x80, v3, vm0, $0xb8;
	[tilespmem:$0xC080] =	vst v63  }
0xa4: {  	_ = 	snop  }
0xa5: {  	[tilespmem:s25], [sflag:$0x1] =	stream.indirect_vreg.gather [hbm4b:s4+s2], $0x80, v3, vm0, $0xb8;
	[tilespmem:$0xC080] =	vst v63  }
0xa6: {  	_ = 	snop  }
0xa7: {  	[tilespmem:s26], [sflag:$0x1] =	stream.indirect_vreg.gather [hbm4b:s5+s2], $0x80, v3, vm0, $0xb8;
	[tilespmem:$0xC080] =	vst v63  }
0xa8: {  	v3 =	vld [tilespmem:$0x30];
	_ =	sdelay $0x4  }
0xa9: {  	v63 =	vshrl.u32 v3, $0x3  }
0xaa: {  	v4 =	vmul.u32 $0x30, v63  }
0xab: {  	v3 =	vand.u32 $0x7, v3  }
0xac: {  	v3 =	vor.u32 v3, v4  }
0xad: {  	v4 =	vperm.xlane v3, v0;
	_ =	sdelay $0x1  }
0xae: {  	v4 =	vadd.s32 v1, v4;
	_ =	sdelay $0x3  }
0xaf: {  	v3 =	vperm.xlane v3, v2  }
0xb0: {  	[tilespmem:s28], [sflag:$0x1] =	stream.indirect_vreg.gather [hbm4b:s3+s2], $0x80, v4, vm0, $0xb8;
	[tilespmem:$0xC080] =	vst v63  }
0xb1: {  	v3 =	vadd.s32 v1, v3  }
0xb2: {  	[tilespmem:s29], [sflag:$0x1] =	stream.indirect_vreg.gather [hbm4b:s4+s2], $0x80, v4, vm0, $0xb8;
	[tilespmem:$0xC080] =	vst v63  }
0xb3: {  	_ = 	snop  }
0xb4: {  	[tilespmem:s30], [sflag:$0x1] =	stream.indirect_vreg.gather [hbm4b:s5+s2], $0x80, v4, vm0, $0xb8;
	[tilespmem:$0xC080] =	vst v63  }
0xb5: {  	_ = 	snop  }
0xb6: {  	[tilespmem:s31], [sflag:$0x1] =	stream.indirect_vreg.gather [hbm4b:s3+s2], $0x80, v3, vm0, $0xb8;
	[tilespmem:$0xC080] =	vst v63  }
0xb7: {  	s9 =	simm.s32 $0xB080  }
0xb8: {  	[tilespmem:s9], [sflag:$0x1] =	stream.indirect_vreg.gather [hbm4b:s4+s2], $0x80, v3, vm0, $0xb8;
	[tilespmem:$0xC080] =	vst v63  }
0xb9: {  	_ = 	snop  }
0xba: {  	[tilespmem:s8], [sflag:$0x1] =	stream.indirect_vreg.gather [hbm4b:s5+s2], $0x80, v3, vm0, $0xb8;
	[tilespmem:$0xC080] =	vst v63  }
0xbb: {  	_ =	swait.ge [sflag:s0], $0xC000  }
0xbc: {  	p0 =	sne.s32 s6, $0x1;
	[sflag:s0] =	ssyncset.done $0x0  }
.Ltmp0:
0xbd: {  	s8 =	rddreg [dreg:$0x6];
	[sflag:s0] =	ssyncadd.s32 $0xFFFF4000;
	(pc) =	sbr.rel @p0 .LBB2_1-.Ltmp0, $4  }
0xbe: {  	[hbm4b:s8+s2] =	stream.linear.scatter [tilespmem:s1], [sflag:$0x2], $0xC000, $0x38;
	[tilespmem:$0xC080] =	vst v63  }
0xbf: {  	_ =	swait.ge [sflag:s7], $0xC000  }
0xc0: {  	[sflag:s7] =	ssyncset.done $0x0  }
0xc1: {  	s6 =	sadd.s32 $0xFFFFFFFF, s6;
	[sflag:s7] =	ssyncadd.s32 $0xFFFF4000  }
0xc2: {  	_ =	sfence.sel $0x180000  }
0xc3: {  	[bflag:$0x0] =	sbarrier.arrive $0xFFFF  }
0xc4: {  	_ =	strace $0x9000004A  }
0xc5: {  	s0 =	stileid.u32;
	[bflag:$0x2] =	sbarrier.arrive $0xFFFF  }
0xc6: {  	p0 =	sne.s32 s0, $0x0;
	s0 =	rddreg [dreg:$0x2]  }
0xc7: {  	s0 =	sadd.s32 @!p0 $0x100000, s0  }
0xc8: {  	[sflag:s0] =	ssyncadd.tile.s32 @!p0 $0x1;
	_ =	shalt  }
.Lfunc_end2:
_tile_overlayer_lowered:
.L_overlay_start_2:
0xc9: {  	(tag) =	ssettag $0x2  }
0xca: {  	s0 =	rddreg [dreg:$0x0];
	s2 =	stileid.u32  }
0xcb: {  	s1 =	rddreg [dreg:$0x1];
	p0 =	sne.s32 s2, $0x0  }
0xcc: {  	s3 =	rddreg [dreg:$0x2];
	[bflag:$0x3] =	sbarrier.arrive $0xFFFF;
	s2 =	simm.s32 @!p0 $0x1C02  }
0xcd: {  	[timem:s3], [sflag:s2] =	dma.local @!p0 [hbm:s0], s1  }
0xce: {  	s0 =	simm.s32 @!p0 $0x2  }
0xcf: {  	_ =	swait.ge @!p0 [sflag:s0], s1  }
0xd0: {  	s1 =	ssub.s32 @!p0 $0x0, s1;
	[sflag:s0] =	ssyncset.done @!p0 $0x0  }
0xd1: {  	[sflag:s0] =	ssyncadd.s32 @!p0 s1  }
0xd2: {  	[bflag:$0x3] =	sbarrier.arrive $0xFFFF  }
0xd3: {  	_ =	shalt  }

</sc_bundles>
